<compile_context>
chip_gen: v7x
topology: tpu7x:2x2x1
jax: 0.10.2.dev20260603
libtpu: 0.0.44.dev20260713+nightly
codegen_flags: <defaults>
</compile_context>

<pallas_src>
import jax
import jax.numpy as jnp
from jax import lax
from jax.experimental import pallas as pl
from jax.experimental.pallas import tpu as pltpu
from jax.experimental.pallas import tpu_sc as plsc

N = 10000
E = 320000
D = 128
DE = 16
NG = 64
DZ = 32

NC = 2
NS = 16
NT = NC * NS
CS = 128
CH = 80
CSZ = 64
CHZ = 160
NBZ = 3
CSA = 120
CHA = 86
NBA = 2
EP = NT * CHA * CSA

NP = 10240
RPT = NP // NS
BLK = 512
NBLK = NP // BLK

_f32 = jnp.float32
import functools


@functools.lru_cache(maxsize=None)
def _mesh():
    return plsc.VectorSubcoreMesh(core_axis_name="c", subcore_axis_name="s",
                                  num_cores=NC, num_subcores=NS)



def _sc_passa_body(x_hbm, srcb_hbm, dstb_hbm, zA_hbm,
                   outA_hbm,
                   sb0, sb1, db0, db1, rb0, rb1,
                   i0, i1, g0, g1, t0, t1, accA):
    sbufs = (sb0, sb1)
    dbufs = (db0, db1)
    rbufs = (rb0, rb1)
    isems = (i0, i1)
    gsems = (g0, g1)
    ssems = (t0, t1)
    c = lax.axis_index("c")
    s = lax.axis_index("s")
    wid = s * NC + c
    ebase = wid * CHA * CSA
    nch = jnp.minimum(CHA, (E - ebase + CSA - 1) // CSA)
    ngrp = (nch + NBA - 1) // NBA
    pltpu.sync_copy(zA_hbm, accA.at[pl.ds(s * RPT, RPT)])
    plsc.subcore_barrier()

    def fetch_idx(j, b):
        pltpu.async_copy(srcb_hbm.at[pl.ds(ebase + j * CSA, CSA)],
                         sbufs[b], isems[b])
        pltpu.async_copy(dstb_hbm.at[pl.ds(ebase + j * CSA, CSA)],
                         dbufs[b], isems[b])

    def wait_idx(j, b):
        pltpu.make_async_copy(srcb_hbm.at[pl.ds(ebase + j * CSA, CSA)],
                              sbufs[b], isems[b]).wait()
        pltpu.make_async_copy(dstb_hbm.at[pl.ds(ebase + j * CSA, CSA)],
                              dbufs[b], isems[b]).wait()

    for b in range(NBA):
        @pl.when(b < nch)
        def _():
            fetch_idx(b, b)

    def group(g, carry):
        for b in range(NBA):
            j = g * NBA + b

            @pl.when(j < nch)
            def _():
                wait_idx(j, b)
                pltpu.async_copy(x_hbm.at[sbufs[b]], rbufs[b], gsems[b])
        for b in range(NBA):
            j = g * NBA + b

            @pl.when(j < nch)
            def _():
                pltpu.make_async_copy(x_hbm.at[sbufs[b]], rbufs[b],
                                      gsems[b]).wait()
                pltpu.async_copy(rbufs[b], accA.at[dbufs[b]], ssems[b],
                                 add=True)
        for b in range(NBA):
            j = g * NBA + b
            jn = j + NBA

            @pl.when(j < nch)
            def _():
                pltpu.make_async_copy(rbufs[b], accA.at[dbufs[b]],
                                      ssems[b]).wait()

                @pl.when(jn < nch)
                def _():
                    fetch_idx(jn, b)

        return carry

    lax.fori_loop(0, ngrp, group, 0)
    plsc.subcore_barrier()
    pltpu.sync_copy(accA.at[pl.ds(s * RPT, RPT)],
                    outA_hbm.at[pl.ds(c * NP + s * RPT, RPT)])


def _sc_passa(*args):
    return pl.kernel(
        _sc_passa_body,
        out_type=jax.ShapeDtypeStruct((NC * NP, D), _f32),
        mesh=_mesh(),
        scratch_types=[pltpu.VMEM((CSA,), jnp.int32) for _ in range(2 * NBA)]
          + [pltpu.VMEM((CSA, D), _f32) for _ in range(NBA)]
          + [pltpu.SemaphoreType.DMA for _ in range(3 * NBA)]
          + [pltpu.VMEM_SHARED((NP, D), _f32)],
    )(*args)


def _sc_passz_body(ea_hbm, dstb_hbm, zZ_hbm,
                   outZ_hbm,
                   db0, db1, db2, eb0, eb1, eb2, wb0, wb1, wb2,
                   i0, i1, i2, t0, t1, t2, accZ):
    dbufs = (db0, db1, db2)
    ebufs = (eb0, eb1, eb2)
    wbufs = (wb0, wb1, wb2)
    isems = (i0, i1, i2)
    ssems = (t0, t1, t2)
    c = lax.axis_index("c")
    s = lax.axis_index("s")
    wid = s * NC + c
    ebase = wid * CHZ * CSZ
    nch = jnp.minimum(CHZ, (E - ebase + CSZ - 1) // CSZ)
    ngrp = (nch + NBZ - 1) // NBZ
    pltpu.sync_copy(zZ_hbm, accZ.at[pl.ds(s * RPT, RPT)])
    for b in range(NBZ):
        pltpu.sync_copy(zZ_hbm.at[pl.ds(0, CSZ)], wbufs[b])
    plsc.subcore_barrier()

    def fetch(j, b):
        pltpu.async_copy(dstb_hbm.at[pl.ds(ebase + j * CSZ, CSZ)],
                         dbufs[b], isems[b])
        pltpu.async_copy(ea_hbm.at[pl.ds((ebase + j * CSZ) * DZ, CSZ * DZ)],
                         ebufs[b], isems[b])

    def wait_fetch(j, b):
        pltpu.make_async_copy(dstb_hbm.at[pl.ds(ebase + j * CSZ, CSZ)],
                              dbufs[b], isems[b]).wait()
        pltpu.make_async_copy(ea_hbm.at[pl.ds((ebase + j * CSZ) * DZ,
                                              CSZ * DZ)],
                              ebufs[b], isems[b]).wait()

    for b in range(NBZ):
        @pl.when(b < nch)
        def _():
            fetch(b, b)

    def group(g, carry):
        for b in range(NBZ):
            j = g * NBZ + b

            @pl.when(j < nch)
            def _():
                wait_fetch(j, b)

                def cp(r, carry2):
                    wbufs[b][r, 0:16] = ebufs[b][pl.ds(r * DZ, 16)]
                    wbufs[b][r, 16:32] = ebufs[b][pl.ds(r * DZ + 16, 16)]
                    return carry2

                lax.fori_loop(0, CSZ, cp, 0)
                pltpu.async_copy(wbufs[b], accZ.at[dbufs[b]], ssems[b],
                                 add=True)
        for b in range(NBZ):
            j = g * NBZ + b
            jn = j + NBZ

            @pl.when(j < nch)
            def _():
                pltpu.make_async_copy(wbufs[b], accZ.at[dbufs[b]],
                                      ssems[b]).wait()

                @pl.when(jn < nch)
                def _():
                    fetch(jn, b)

        return carry

    lax.fori_loop(0, ngrp, group, 0)
    plsc.subcore_barrier()
    pltpu.sync_copy(accZ.at[pl.ds(s * RPT, RPT)],
                    outZ_hbm.at[pl.ds(c * NP + s * RPT, RPT)])


def _sc_passz(*args):
    return pl.kernel(
        _sc_passz_body,
        out_type=jax.ShapeDtypeStruct((NC * NP, D), _f32),
        mesh=_mesh(),
        scratch_types=[pltpu.VMEM((CSZ,), jnp.int32) for _ in range(NBZ)]
          + [pltpu.VMEM((CSZ * DZ,), _f32) for _ in range(NBZ)]
          + [pltpu.VMEM((CSZ, D), _f32) for _ in range(NBZ)]
          + [pltpu.SemaphoreType.DMA for _ in range(2 * NBZ)]
          + [pltpu.VMEM_SHARED((NP, D), _f32)],
    )(*args)



def _wprep_body(wm_ref, bm_ref, wl_ref, wa_ref, wz_ref):
    wl = wl_ref[...]
    wa_ref[...] = jnp.dot(wm_ref[0:D, :], wl, preferred_element_type=_f32)
    wz_ref[0:DE, :] = jnp.dot(wm_ref[D:D + DE, :], wl,
                              preferred_element_type=_f32)
    bmw = jnp.dot(bm_ref[...], wl, preferred_element_type=_f32)
    wz_ref[DE:DZ, :] = jnp.broadcast_to(bmw, (DZ - DE, D)) / (DZ - DE)
    wz_ref[DZ:D, :] = jnp.zeros((D - DZ, D), _f32)


def _wprep(wm, bm, wl):
    return pl.pallas_call(
        _wprep_body,
        out_shape=[jax.ShapeDtypeStruct((D, D), _f32),
                   jax.ShapeDtypeStruct((D, D), _f32)],
    )(wm, bm.reshape(1, D), wl)


def _dense_body(a0, a1, xin, z0, z1, wa, wr, wz, b, h_ref):
    a = a0[...] + a1[...]
    z = z0[...] + z1[...]
    acc = jnp.dot(a, wa[...], preferred_element_type=_f32)
    acc = acc + jnp.dot(xin[...], wr[...], preferred_element_type=_f32)
    acc = acc + jnp.dot(z, wz[...], preferred_element_type=_f32)
    h_ref[...] = jnp.maximum(acc + b[...], 0.0)


def _dense(A, xin, Z, wa, wr, wz, b):
    return pl.pallas_call(
        _dense_body,
        grid=(NBLK,),
        in_specs=[
            pl.BlockSpec((BLK, D), lambda i: (i, 0)),
            pl.BlockSpec((BLK, D), lambda i: (NBLK + i, 0)),
            pl.BlockSpec((BLK, D), lambda i: (i, 0)),
            pl.BlockSpec((BLK, D), lambda i: (i, 0)),
            pl.BlockSpec((BLK, D), lambda i: (NBLK + i, 0)),
            pl.BlockSpec((D, D), lambda i: (0, 0)),
            pl.BlockSpec((D, D), lambda i: (0, 0)),
            pl.BlockSpec((D, D), lambda i: (0, 0)),
            pl.BlockSpec((1, D), lambda i: (0, 0)),
        ],
        out_specs=pl.BlockSpec((BLK, D), lambda i: (i, 0)),
        out_shape=jax.ShapeDtypeStruct((NP, D), _f32),
    )(A, A, xin, Z, Z, wa, wr, wz, b.reshape(1, D))


def _dense2_body(a0, a1, xin, z0, z1, wa, wr, wz, b, bat, out_ref):
    i = pl.program_id(0)
    a = a0[...] + a1[...]
    z = z0[...] + z1[...]
    acc = jnp.dot(a, wa[...], preferred_element_type=_f32)
    acc = acc + jnp.dot(xin[...], wr[...], preferred_element_type=_f32)
    acc = acc + jnp.dot(z, wz[...], preferred_element_type=_f32)
    h2 = jnp.maximum(acc + b[...], 0.0)
    seg = bat[0]
    iota = lax.broadcasted_iota(jnp.int32, (NG, BLK), 0)
    oh = jnp.where(jnp.broadcast_to(seg, (NG, BLK)) == iota, 1.0, 0.0)
    contrib = jnp.dot(oh, h2, preferred_element_type=_f32)

    @pl.when(i == 0)
    def _():
        out_ref[...] = contrib

    @pl.when(i != 0)
    def _():
        out_ref[...] += contrib


def _dense2(A, h1, Z, wa, wr, wz, b, batch3):
    return pl.pallas_call(
        _dense2_body,
        grid=(NBLK,),
        in_specs=[
            pl.BlockSpec((BLK, D), lambda i: (i, 0)),
            pl.BlockSpec((BLK, D), lambda i: (NBLK + i, 0)),
            pl.BlockSpec((BLK, D), lambda i: (i, 0)),
            pl.BlockSpec((BLK, D), lambda i: (i, 0)),
            pl.BlockSpec((BLK, D), lambda i: (NBLK + i, 0)),
            pl.BlockSpec((D, D), lambda i: (0, 0)),
            pl.BlockSpec((D, D), lambda i: (0, 0)),
            pl.BlockSpec((D, D), lambda i: (0, 0)),
            pl.BlockSpec((1, D), lambda i: (0, 0)),
            pl.BlockSpec((1, 1, BLK), lambda i: (i, 0, 0)),
        ],
        out_specs=pl.BlockSpec((NG, D), lambda i: (0, 0)),
        out_shape=jax.ShapeDtypeStruct((NG, D), _f32),
    )(A, A, h1, Z, Z, wa, wr, wz, b.reshape(1, D), batch3)



def kernel(x, edge_index, edge_attr, batch,
           Wm0, bm0, Wl0, Wr0, b0,
           Wm1, bm1, Wl1, Wr1, b1):
    src = edge_index[0]
    dst = edge_index[1]
    pad_e = EP - E
    src_p = jnp.concatenate([src, jnp.zeros((pad_e,), jnp.int32)])
    dst_p = jnp.concatenate([dst, jnp.full((pad_e,), N, jnp.int32)])
    ea_p = jnp.concatenate(
        [edge_attr, jnp.ones((E, DZ - DE), _f32)], axis=1)
    ea_p = jnp.concatenate([ea_p, jnp.zeros((pad_e, DZ), _f32)], axis=0)
    x_p = jnp.concatenate([x, jnp.zeros((NP - N, D), _f32)], axis=0)
    batch3 = jnp.concatenate(
        [batch, jnp.full((NP - N,), NG, jnp.int32)]).reshape(NBLK, 1, BLK)
    zA = jnp.zeros((RPT, D), _f32)

    wa0, wz0 = _wprep(Wm0, bm0, Wl0)
    wa1, wz1 = _wprep(Wm1, bm1, Wl1)

    Zp = _sc_passz(ea_p.reshape(-1), dst_p, zA)
    A0 = _sc_passa(x_p, src_p, dst_p, zA)
    h1 = _dense(A0, x_p, Zp, wa0, Wr0, wz0, b0)
    A1 = _sc_passa(h1, src_p, dst_p, zA)
    out = _dense2(A1, h1, Zp, wa1, Wr1, wz1, b1, batch3)
    return out

# --- scband reference (transcript-rebuilt; emitter-appended) ---
"""Pipeline reference for scband-conv-layers-23605140259364 (READ-ONLY COPY).

The authoritative reference and input builder live on the scoring server;
editing this copy changes nothing except your own understanding.
"""

import jax, jax.numpy as jnp
import numpy as np

N = 10000
E = 320000
D = 128
DE = 16
NG = 64
SIZES = [128, 128]

def _param(key, shape, scale=0.05):
    return jax.random.normal(key, shape, dtype=jnp.float32) * scale

def setup_inputs(seed: int = 0) -> dict:
    key = jax.random.key(seed)
    ks = jax.random.split(key, 20)
    inp = {}
    inp['x'] = jax.random.normal(ks[0], (N, D), dtype=jnp.float32)
    inp['edge_index'] = jax.random.randint(ks[1], (2, E), 0, N, dtype=jnp.int32)
    inp['edge_attr'] = jax.random.normal(ks[2], (E, DE), dtype=jnp.float32)
    inp['batch'] = jnp.sort(jax.random.randint(ks[3], (N,), 0, NG, dtype=jnp.int32))
    in_dim = D
    ki = 4
    for li, out_dim in enumerate(SIZES):
        inp[f'Wm{li}'] = _param(ks[ki], (in_dim + DE, out_dim)); ki += 1
        inp[f'bm{li}'] = jnp.zeros((out_dim,), dtype=jnp.float32)
        inp[f'Wl{li}'] = _param(ks[ki], (out_dim, out_dim)); ki += 1
        inp[f'Wr{li}'] = _param(ks[ki], (in_dim, out_dim)); ki += 1
        inp[f'b{li}'] = jnp.zeros((out_dim,), dtype=jnp.float32)
        in_dim = out_dim
    return inp

def _esage_conv(x, edge_index, edge_attr, Wm, bm, Wl, Wr, b):
    # edge-featured SAGE conv: message = lin(cat(x_src, e)); add-aggregate to dst;
    # out = lin_l(aggr) + lin_r(x)
    src = edge_index[0]
    dst = edge_index[1]
    msg = jnp.concatenate([jnp.take(x, src, axis=0), edge_attr], axis=1) @ Wm + bm
    aggr = jnp.zeros((x.shape[0], msg.shape[1]), dtype=msg.dtype).at[dst].add(msg)
    return aggr @ Wl + x @ Wr + b

def reference(x, edge_index, edge_attr, batch,
              Wm0, bm0, Wl0, Wr0, b0,
              Wm1, bm1, Wl1, Wr1, b1):
    h = _esage_conv(x, edge_index, edge_attr, Wm0, bm0, Wl0, Wr0, b0)
    h = jax.nn.relu(h)
    h = _esage_conv(h, edge_index, edge_attr, Wm1, bm1, Wl1, Wr1, b1)
    h = jax.nn.relu(h)
    # global_add_pool readout (single pooling -> concat of one tensor)
    out = jax.ops.segment_sum(h, batch, num_segments=NG)
    return out

if __name__ == "__main__":
    import jax
    _d = setup_inputs()
    print(jax.jit(kernel)(*tuple(_d.values())))

</pallas_src>

<mosaic_0001>
#map = affine_map<(d0, d1) -> (0, 0)>
#map1 = affine_map<(d0, d1) -> (0)>
module attributes {stable_mosaic.version = 14 : i64} {
  func.func @_sc_passa_body(%arg0: i32, %arg1: i32, %arg2: memref<10240x128xf32, #tpu.memory_space<hbm>>, %arg3: memref<330240xi32, #tpu.memory_space<hbm>>, %arg4: memref<330240xi32, #tpu.memory_space<hbm>>, %arg5: memref<640x128xf32, #tpu.memory_space<hbm>>, %arg6: memref<20480x128xf32, #tpu.memory_space<hbm>>, %arg7: memref<120xi32, #tpu.memory_space<vmem>>, %arg8: memref<120xi32, #tpu.memory_space<vmem>>, %arg9: memref<120xi32, #tpu.memory_space<vmem>>, %arg10: memref<120xi32, #tpu.memory_space<vmem>>, %arg11: memref<120x128xf32, #tpu.memory_space<vmem>>, %arg12: memref<120x128xf32, #tpu.memory_space<vmem>>, %arg13: memref<!tpu.dma_semaphore, #tpu.memory_space<semaphore_mem>>, %arg14: memref<!tpu.dma_semaphore, #tpu.memory_space<semaphore_mem>>, %arg15: memref<!tpu.dma_semaphore, #tpu.memory_space<semaphore_mem>>, %arg16: memref<!tpu.dma_semaphore, #tpu.memory_space<semaphore_mem>>, %arg17: memref<!tpu.dma_semaphore, #tpu.memory_space<semaphore_mem>>, %arg18: memref<!tpu.dma_semaphore, #tpu.memory_space<semaphore_mem>>, %arg19: memref<10240x128xf32, #tpu.memory_space<vmem_shared>>) attributes {dimension_semantics = [#tpu.dimension_semantics<core_parallel>, #tpu.dimension_semantics<subcore_parallel>], iteration_bounds = array<i64: 2, 16>, scalar_prefetch = 0 : i64, scratch_operands = 13 : i64, tpu.core_type = #tpu.core_type<sc_vector_subcore>, window_params = [{transform_indices = #map}, {transform_indices = #map1}, {transform_indices = #map1}, {transform_indices = #map}, {transform_indices = #map}]} {
    %mul3A = arith.constant 2 : i32
    %mul3A_0 = arith.muli %arg1, %mul3A : i32
    %add3A = arith.addi %mul3A_0, %arg0 : i32
    %mul3A_1 = arith.constant 86 : i32
    %mul3A_2 = arith.muli %add3A, %mul3A_1 : i32
    %mul3A_3 = arith.constant 120 : i32
    %mul3A_4 = arith.muli %mul3A_2, %mul3A_3 : i32
    %sub3A = arith.constant 320000 : i32
    %sub3A_5 = arith.subi %sub3A, %mul3A_4 : i32
    %add3A_6 = arith.constant 120 : i32
    %add3A_7 = arith.addi %sub3A_5, %add3A_6 : i32
    %sub3A_8 = arith.constant 1 : i32
    %sub3A_9 = arith.subi %add3A_7, %sub3A_8 : i32
    %jit3A = arith.constant 120 : i32
    %div3A = arith.divsi %sub3A_9, %jit3A : i32
    %sign3A = arith.constant 0 : i32
    %sign3A_10 = arith.cmpi sgt, %sub3A_9, %sign3A : i32
    %sign3A_11 = arith.extui %sign3A_10 : i1 to i32
    %sign3A_12 = arith.constant 0 : i32
    %sign3A_13 = arith.cmpi slt, %sub3A_9, %sign3A_12 : i32
    %sign3A_14 = arith.extui %sign3A_13 : i1 to i32
    %sign3A_15 = arith.subi %sign3A_11, %sign3A_14 : i32
    %sign3A_16 = arith.constant 0 : i32
    %sign3A_17 = arith.cmpi sgt, %jit3A, %sign3A_16 : i32
    %sign3A_18 = arith.extui %sign3A_17 : i1 to i32
    %sign3A_19 = arith.constant 0 : i32
    %sign3A_20 = arith.cmpi slt, %jit3A, %sign3A_19 : i32
    %sign3A_21 = arith.extui %sign3A_20 : i1 to i32
    %sign3A_22 = arith.subi %sign3A_18, %sign3A_21 : i32
    %ne3A = arith.cmpi ne, %sign3A_15, %sign3A_22 : i32
    %rem3A = arith.remsi %sub3A_9, %jit3A : i32
    %ne3A_23 = arith.constant 0 : i32
    %ne3A_24 = arith.cmpi ne, %rem3A, %ne3A_23 : i32
    %and3A = arith.andi %ne3A, %ne3A_24 : i1
    %sub3A_25 = arith.constant 1 : i32
    %sub3A_26 = arith.subi %div3A, %sub3A_25 : i32
    %select_n3A = arith.select %and3A, %sub3A_26, %div3A : i32
    %min3A = arith.constant 86 : i32
    %min3A_27 = arith.minsi %min3A, %select_n3A : i32
    %add3A_28 = arith.constant 2 : i32
    %add3A_29 = arith.addi %min3A_27, %add3A_28 : i32
    %sub3A_30 = arith.constant 1 : i32
    %sub3A_31 = arith.subi %add3A_29, %sub3A_30 : i32
    %jit3A_32 = arith.constant 2 : i32
    %div3A_33 = arith.divsi %sub3A_31, %jit3A_32 : i32
    %sign3A_34 = arith.constant 0 : i32
    %sign3A_35 = arith.cmpi sgt, %sub3A_31, %sign3A_34 : i32
    %sign3A_36 = arith.extui %sign3A_35 : i1 to i32
    %sign3A_37 = arith.constant 0 : i32
    %sign3A_38 = arith.cmpi slt, %sub3A_31, %sign3A_37 : i32
    %sign3A_39 = arith.extui %sign3A_38 : i1 to i32
    %sign3A_40 = arith.subi %sign3A_36, %sign3A_39 : i32
    %sign3A_41 = arith.constant 0 : i32
    %sign3A_42 = arith.cmpi sgt, %jit3A_32, %sign3A_41 : i32
    %sign3A_43 = arith.extui %sign3A_42 : i1 to i32
    %sign3A_44 = arith.constant 0 : i32
    %sign3A_45 = arith.cmpi slt, %jit3A_32, %sign3A_44 : i32
    %sign3A_46 = arith.extui %sign3A_45 : i1 to i32
    %sign3A_47 = arith.subi %sign3A_43, %sign3A_46 : i32
    %ne3A_48 = arith.cmpi ne, %sign3A_40, %sign3A_47 : i32
    %rem3A_49 = arith.remsi %sub3A_31, %jit3A_32 : i32
    %ne3A_50 = arith.constant 0 : i32
    %ne3A_51 = arith.cmpi ne, %rem3A_49, %ne3A_50 : i32
    %and3A_52 = arith.andi %ne3A_48, %ne3A_51 : i1
    %sub3A_53 = arith.constant 1 : i32
    %sub3A_54 = arith.subi %div3A_33, %sub3A_53 : i32
    %select_n3A_55 = arith.select %and3A_52, %sub3A_54, %div3A_33 : i32
    %mul3A_56 = arith.constant 640 : i32
    %mul3A_57 = arith.muli %arg1, %mul3A_56 : i32
    "tpu.region"() ({
      %run_scoped3A = tpu.sem_alloc : memref<!tpu.dma_semaphore, #tpu.memory_space<semaphore_mem>>
      %dma_start3A = arith.constant 0 : i32
      %dma_start3A_82 = tpu.memref_slice %arg19[%mul3A_57, %dma_start3A] : memref<10240x128xf32, #tpu.memory_space<vmem_shared>> -> memref<640x128xf32, #tpu.memory_space<vmem_shared>>
      tpu.enqueue_dma source(%arg5 : memref<640x128xf32, #tpu.memory_space<hbm>>) target(%dma_start3A_82 : memref<640x128xf32, #tpu.memory_space<vmem_shared>>) target_semaphore(%run_scoped3A : memref<!tpu.dma_semaphore, #tpu.memory_space<semaphore_mem>>)
      %dma_wait3A = arith.constant 0 : i32
      %dma_wait3A_83 = tpu.memref_slice %arg19[%mul3A_57, %dma_wait3A] : memref<10240x128xf32, #tpu.memory_space<vmem_shared>> -> memref<640x128xf32, #tpu.memory_space<vmem_shared>>
      tpu.wait_dma2 semaphore(%run_scoped3A : memref<!tpu.dma_semaphore, #tpu.memory_space<semaphore_mem>>) src(%arg5 : memref<640x128xf32, #tpu.memory_space<hbm>>) dst(%dma_wait3A_83 : memref<640x128xf32, #tpu.memory_space<vmem_shared>>)
      tpu.yield
    }) : () -> ()
    %barrier3A = arith.constant 0 : index
    tpu.barrier barrier_id(%barrier3A)
    %gt3A = arith.constant 0 : i32
    %gt3A_58 = arith.cmpi sgt, %min3A_27, %gt3A : i32
    %convert_element_type3A = arith.extui %gt3A_58 : i1 to i32
    %cond3A = arith.constant 0 : i32
    %cond3A_59 = arith.cmpi ne, %convert_element_type3A, %cond3A : i32
    scf.if %cond3A_59 {
      %add3A_82 = arith.constant 0 : i32
      %add3A_83 = arith.addi %mul3A_4, %add3A_82 : i32
      %dma_start3A = tpu.memref_slice %arg3[%add3A_83] : memref<330240xi32, #tpu.memory_space<hbm>> -> memref<120xi32, #tpu.memory_space<hbm>>
      %dma_start3A_84 = tpu.memref_slice %arg3[%add3A_83] : memref<330240xi32, #tpu.memory_space<hbm>> -> memref<120xi32, #tpu.memory_space<hbm>>
      tpu.enqueue_dma source(%dma_start3A_84 : memref<120xi32, #tpu.memory_space<hbm>>) target(%arg7 : memref<120xi32, #tpu.memory_space<vmem>>) target_semaphore(%arg13 : memref<!tpu.dma_semaphore, #tpu.memory_space<semaphore_mem>>)
      %add3A_85 = arith.constant 0 : i32
      %add3A_86 = arith.addi %mul3A_4, %add3A_85 : i32
      %dma_start3A_87 = tpu.memref_slice %arg4[%add3A_86] : memref<330240xi32, #tpu.memory_space<hbm>> -> memref<120xi32, #tpu.memory_space<hbm>>
      %dma_start3A_88 = tpu.memref_slice %arg4[%add3A_86] : memref<330240xi32, #tpu.memory_space<hbm>> -> memref<120xi32, #tpu.memory_space<hbm>>
      tpu.enqueue_dma source(%dma_start3A_88 : memref<120xi32, #tpu.memory_space<hbm>>) target(%arg9 : memref<120xi32, #tpu.memory_space<vmem>>) target_semaphore(%arg13 : memref<!tpu.dma_semaphore, #tpu.memory_space<semaphore_mem>>)
    } else {
    }
    %gt3A_60 = arith.constant 1 : i32
    %gt3A_61 = arith.cmpi sgt, %min3A_27, %gt3A_60 : i32
    %convert_element_type3A_62 = arith.extui %gt3A_61 : i1 to i32
    %cond3A_63 = arith.constant 0 : i32
    %cond3A_64 = arith.cmpi ne, %convert_element_type3A_62, %cond3A_63 : i32
    scf.if %cond3A_64 {
      %add3A_82 = arith.constant 120 : i32
      %add3A_83 = arith.addi %mul3A_4, %add3A_82 : i32
      %dma_start3A = tpu.memref_slice %arg3[%add3A_83] : memref<330240xi32, #tpu.memory_space<hbm>> -> memref<120xi32, #tpu.memory_space<hbm>>
      %dma_start3A_84 = tpu.memref_slice %arg3[%add3A_83] : memref<330240xi32, #tpu.memory_space<hbm>> -> memref<120xi32, #tpu.memory_space<hbm>>
      tpu.enqueue_dma source(%dma_start3A_84 : memref<120xi32, #tpu.memory_space<hbm>>) target(%arg8 : memref<120xi32, #tpu.memory_space<vmem>>) target_semaphore(%arg14 : memref<!tpu.dma_semaphore, #tpu.memory_space<semaphore_mem>>)
      %add3A_85 = arith.constant 120 : i32
      %add3A_86 = arith.addi %mul3A_4, %add3A_85 : i32
      %dma_start3A_87 = tpu.memref_slice %arg4[%add3A_86] : memref<330240xi32, #tpu.memory_space<hbm>> -> memref<120xi32, #tpu.memory_space<hbm>>
      %dma_start3A_88 = tpu.memref_slice %arg4[%add3A_86] : memref<330240xi32, #tpu.memory_space<hbm>> -> memref<120xi32, #tpu.memory_space<hbm>>
      tpu.enqueue_dma source(%dma_start3A_88 : memref<120xi32, #tpu.memory_space<hbm>>) target(%arg10 : memref<120xi32, #tpu.memory_space<vmem>>) target_semaphore(%arg14 : memref<!tpu.dma_semaphore, #tpu.memory_space<semaphore_mem>>)
    } else {
    }
    %while3A = arith.constant 0 : i32
    %while3A_65 = arith.constant 0 : i32
    %while3A_66 = arith.subi %select_n3A_55, %while3A_65 : i32
    %while3A_67 = arith.addi %while3A_65, %while3A_66 : i32
    %while3A_68 = arith.constant 1 : i32
    %while3A_69 = arith.divsi %while3A_66, %while3A_68 : i32
    %while3A_70 = arith.muli %while3A_69, %while3A_68 : i32
    %while3A_71 = arith.addi %while3A_65, %while3A_70 : i32
    %while3A_72 = arith.constant 1 : i32
    scf.for %while3A_82 = %while3A_65 to %while3A_71 step %while3A_72  : i32 {
      %mul3A_83 = arith.constant 2 : i32
      %mul3A_84 = arith.muli %while3A_82, %mul3A_83 : i32
      %add3A_85 = arith.constant 0 : i32
      %add3A_86 = arith.addi %mul3A_84, %add3A_85 : i32
      %lt3A = arith.cmpi slt, %add3A_86, %min3A_27 : i32
      %convert_element_type3A_87 = arith.extui %lt3A : i1 to i32
      %cond3A_88 = arith.constant 0 : i32
      %cond3A_89 = arith.cmpi ne, %convert_element_type3A_87, %cond3A_88 : i32
      scf.if %cond3A_89 {
        %mul3A_134 = arith.constant 120 : i32
        %mul3A_135 = arith.muli %add3A_86, %mul3A_134 : i32
        %add3A_136 = arith.addi %mul3A_4, %mul3A_135 : i32
        %dma_wait3A = tpu.memref_slice %arg3[%add3A_136] : memref<330240xi32, #tpu.memory_space<hbm>> -> memref<120xi32, #tpu.memory_space<hbm>>
        %dma_wait3A_137 = tpu.memref_slice %arg3[%add3A_136] : memref<330240xi32, #tpu.memory_space<hbm>> -> memref<120xi32, #tpu.memory_space<hbm>>
        tpu.wait_dma2 semaphore(%arg13 : memref<!tpu.dma_semaphore, #tpu.memory_space<semaphore_mem>>) src(%dma_wait3A_137 : memref<120xi32, #tpu.memory_space<hbm>>) dst(%arg7 : memref<120xi32, #tpu.memory_space<vmem>>)
        %mul3A_138 = arith.constant 120 : i32
        %mul3A_139 = arith.muli %add3A_86, %mul3A_138 : i32
        %add3A_140 = arith.addi %mul3A_4, %mul3A_139 : i32
        %dma_wait3A_141 = tpu.memref_slice %arg4[%add3A_140] : memref<330240xi32, #tpu.memory_space<hbm>> -> memref<120xi32, #tpu.memory_space<hbm>>
        %dma_wait3A_142 = tpu.memref_slice %arg4[%add3A_140] : memref<330240xi32, #tpu.memory_space<hbm>> -> memref<120xi32, #tpu.memory_space<hbm>>
        tpu.wait_dma2 semaphore(%arg13 : memref<!tpu.dma_semaphore, #tpu.memory_space<semaphore_mem>>) src(%dma_wait3A_142 : memref<120xi32, #tpu.memory_space<hbm>>) dst(%arg9 : memref<120xi32, #tpu.memory_space<vmem>>)
        %dma_start3A = arith.constant 0 : i32
        %dma_start3A_143 = arith.constant 0 : i32
        %dma_start3A_144 = tpu.memref_slice %arg2[%dma_start3A, %dma_start3A_143] : memref<10240x128xf32, #tpu.memory_space<hbm>> -> memref<10240x128xf32, #tpu.memory_space<hbm>>
        tpu.enqueue_indirect_dma source(%dma_start3A_144 : memref<10240x128xf32, #tpu.memory_space<hbm>>) target(%arg11 : memref<120x128xf32, #tpu.memory_space<vmem>>) offsets(%arg7 : memref<120xi32, #tpu.memory_space<vmem>>) semaphore(%arg15 : memref<!tpu.dma_semaphore, #tpu.memory_space<semaphore_mem>>)
      } else {
      }
      %mul3A_90 = arith.constant 2 : i32
      %mul3A_91 = arith.muli %while3A_82, %mul3A_90 : i32
      %add3A_92 = arith.constant 1 : i32
      %add3A_93 = arith.addi %mul3A_91, %add3A_92 : i32
      %lt3A_94 = arith.cmpi slt, %add3A_93, %min3A_27 : i32
      %convert_element_type3A_95 = arith.extui %lt3A_94 : i1 to i32
      %cond3A_96 = arith.constant 0 : i32
      %cond3A_97 = arith.cmpi ne, %convert_element_type3A_95, %cond3A_96 : i32
      scf.if %cond3A_97 {
        %mul3A_134 = arith.constant 120 : i32
        %mul3A_135 = arith.muli %add3A_93, %mul3A_134 : i32
        %add3A_136 = arith.addi %mul3A_4, %mul3A_135 : i32
        %dma_wait3A = tpu.memref_slice %arg3[%add3A_136] : memref<330240xi32, #tpu.memory_space<hbm>> -> memref<120xi32, #tpu.memory_space<hbm>>
        %dma_wait3A_137 = tpu.memref_slice %arg3[%add3A_136] : memref<330240xi32, #tpu.memory_space<hbm>> -> memref<120xi32, #tpu.memory_space<hbm>>
        tpu.wait_dma2 semaphore(%arg14 : memref<!tpu.dma_semaphore, #tpu.memory_space<semaphore_mem>>) src(%dma_wait3A_137 : memref<120xi32, #tpu.memory_space<hbm>>) dst(%arg8 : memref<120xi32, #tpu.memory_space<vmem>>)
        %mul3A_138 = arith.constant 120 : i32
        %mul3A_139 = arith.muli %add3A_93, %mul3A_138 : i32
        %add3A_140 = arith.addi %mul3A_4, %mul3A_139 : i32
        %dma_wait3A_141 = tpu.memref_slice %arg4[%add3A_140] : memref<330240xi32, #tpu.memory_space<hbm>> -> memref<120xi32, #tpu.memory_space<hbm>>
        %dma_wait3A_142 = tpu.memref_slice %arg4[%add3A_140] : memref<330240xi32, #tpu.memory_space<hbm>> -> memref<120xi32, #tpu.memory_space<hbm>>
        tpu.wait_dma2 semaphore(%arg14 : memref<!tpu.dma_semaphore, #tpu.memory_space<semaphore_mem>>) src(%dma_wait3A_142 : memref<120xi32, #tpu.memory_space<hbm>>) dst(%arg10 : memref<120xi32, #tpu.memory_space<vmem>>)
        %dma_start3A = arith.constant 0 : i32
        %dma_start3A_143 = arith.constant 0 : i32
        %dma_start3A_144 = tpu.memref_slice %arg2[%dma_start3A, %dma_start3A_143] : memref<10240x128xf32, #tpu.memory_space<hbm>> -> memref<10240x128xf32, #tpu.memory_space<hbm>>
        tpu.enqueue_indirect_dma source(%dma_start3A_144 : memref<10240x128xf32, #tpu.memory_space<hbm>>) target(%arg12 : memref<120x128xf32, #tpu.memory_space<vmem>>) offsets(%arg8 : memref<120xi32, #tpu.memory_space<vmem>>) semaphore(%arg16 : memref<!tpu.dma_semaphore, #tpu.memory_space<semaphore_mem>>)
      } else {
      }
      %mul3A_98 = arith.constant 2 : i32
      %mul3A_99 = arith.muli %while3A_82, %mul3A_98 : i32
      %add3A_100 = arith.constant 0 : i32
      %add3A_101 = arith.addi %mul3A_99, %add3A_100 : i32
      %lt3A_102 = arith.cmpi slt, %add3A_101, %min3A_27 : i32
      %convert_element_type3A_103 = arith.extui %lt3A_102 : i1 to i32
      %cond3A_104 = arith.constant 0 : i32
      %cond3A_105 = arith.cmpi ne, %convert_element_type3A_103, %cond3A_104 : i32
      scf.if %cond3A_105 {
        %dma_wait3A = arith.constant 0 : i32
        %dma_wait3A_134 = arith.constant 0 : i32
        %dma_wait3A_135 = tpu.memref_slice %arg2[%dma_wait3A, %dma_wait3A_134] : memref<10240x128xf32, #tpu.memory_space<hbm>> -> memref<10240x128xf32, #tpu.memory_space<hbm>>
        tpu.wait_indirect_dma semaphore(%arg15 : memref<!tpu.dma_semaphore, #tpu.memory_space<semaphore_mem>>) src(%dma_wait3A_135 : memref<10240x128xf32, #tpu.memory_space<hbm>>) dst(%arg11 : memref<120x128xf32, #tpu.memory_space<vmem>>)
        %dma_start3A = arith.constant 0 : i32
        %dma_start3A_136 = arith.constant 0 : i32
        %dma_start3A_137 = tpu.memref_slice %arg19[%dma_start3A, %dma_start3A_136] : memref<10240x128xf32, #tpu.memory_space<vmem_shared>> -> memref<10240x128xf32, #tpu.memory_space<vmem_shared>>
        tpu.enqueue_indirect_dma source(%arg11 : memref<120x128xf32, #tpu.memory_space<vmem>>) target(%dma_start3A_137 : memref<10240x128xf32, #tpu.memory_space<vmem_shared>>) offsets(%arg9 : memref<120xi32, #tpu.memory_space<vmem>>) semaphore(%arg17 : memref<!tpu.dma_semaphore, #tpu.memory_space<semaphore_mem>>) {add = true}
      } else {
      }
      %mul3A_106 = arith.constant 2 : i32
      %mul3A_107 = arith.muli %while3A_82, %mul3A_106 : i32
      %add3A_108 = arith.constant 1 : i32
      %add3A_109 = arith.addi %mul3A_107, %add3A_108 : i32
      %lt3A_110 = arith.cmpi slt, %add3A_109, %min3A_27 : i32
      %convert_element_type3A_111 = arith.extui %lt3A_110 : i1 to i32
      %cond3A_112 = arith.constant 0 : i32
      %cond3A_113 = arith.cmpi ne, %convert_element_type3A_111, %cond3A_112 : i32
      scf.if %cond3A_113 {
        %dma_wait3A = arith.constant 0 : i32
        %dma_wait3A_134 = arith.constant 0 : i32
        %dma_wait3A_135 = tpu.memref_slice %arg2[%dma_wait3A, %dma_wait3A_134] : memref<10240x128xf32, #tpu.memory_space<hbm>> -> memref<10240x128xf32, #tpu.memory_space<hbm>>
        tpu.wait_indirect_dma semaphore(%arg16 : memref<!tpu.dma_semaphore, #tpu.memory_space<semaphore_mem>>) src(%dma_wait3A_135 : memref<10240x128xf32, #tpu.memory_space<hbm>>) dst(%arg12 : memref<120x128xf32, #tpu.memory_space<vmem>>)
        %dma_start3A = arith.constant 0 : i32
        %dma_start3A_136 = arith.constant 0 : i32
        %dma_start3A_137 = tpu.memref_slice %arg19[%dma_start3A, %dma_start3A_136] : memref<10240x128xf32, #tpu.memory_space<vmem_shared>> -> memref<10240x128xf32, #tpu.memory_space<vmem_shared>>
        tpu.enqueue_indirect_dma source(%arg12 : memref<120x128xf32, #tpu.memory_space<vmem>>) target(%dma_start3A_137 : memref<10240x128xf32, #tpu.memory_space<vmem_shared>>) offsets(%arg10 : memref<120xi32, #tpu.memory_space<vmem>>) semaphore(%arg18 : memref<!tpu.dma_semaphore, #tpu.memory_space<semaphore_mem>>) {add = true}
      } else {
      }
      %mul3A_114 = arith.constant 2 : i32
      %mul3A_115 = arith.muli %while3A_82, %mul3A_114 : i32
      %add3A_116 = arith.constant 0 : i32
      %add3A_117 = arith.addi %mul3A_115, %add3A_116 : i32
      %add3A_118 = arith.constant 2 : i32
      %add3A_119 = arith.addi %add3A_117, %add3A_118 : i32
      %lt3A_120 = arith.cmpi slt, %add3A_117, %min3A_27 : i32
      %convert_element_type3A_121 = arith.extui %lt3A_120 : i1 to i32
      %cond3A_122 = arith.constant 0 : i32
      %cond3A_123 = arith.cmpi ne, %convert_element_type3A_121, %cond3A_122 : i32
      scf.if %cond3A_123 {
        %dma_wait3A = arith.constant 0 : i32
        %dma_wait3A_134 = arith.constant 0 : i32
        %dma_wait3A_135 = tpu.memref_slice %arg19[%dma_wait3A, %dma_wait3A_134] : memref<10240x128xf32, #tpu.memory_space<vmem_shared>> -> memref<10240x128xf32, #tpu.memory_space<vmem_shared>>
        tpu.wait_indirect_dma semaphore(%arg17 : memref<!tpu.dma_semaphore, #tpu.memory_space<semaphore_mem>>) src(%arg11 : memref<120x128xf32, #tpu.memory_space<vmem>>) dst(%dma_wait3A_135 : memref<10240x128xf32, #tpu.memory_space<vmem_shared>>)
        %lt3A_136 = arith.cmpi slt, %add3A_119, %min3A_27 : i32
        %convert_element_type3A_137 = arith.extui %lt3A_136 : i1 to i32
        %cond3A_138 = arith.constant 0 : i32
        %cond3A_139 = arith.cmpi ne, %convert_element_type3A_137, %cond3A_138 : i32
        scf.if %cond3A_139 {
          %mul3A_140 = arith.constant 120 : i32
          %mul3A_141 = arith.muli %add3A_119, %mul3A_140 : i32
          %add3A_142 = arith.addi %mul3A_4, %mul3A_141 : i32
          %dma_start3A = tpu.memref_slice %arg3[%add3A_142] : memref<330240xi32, #tpu.memory_space<hbm>> -> memref<120xi32, #tpu.memory_space<hbm>>
          %dma_start3A_143 = tpu.memref_slice %arg3[%add3A_142] : memref<330240xi32, #tpu.memory_space<hbm>> -> memref<120xi32, #tpu.memory_space<hbm>>
          tpu.enqueue_dma source(%dma_start3A_143 : memref<120xi32, #tpu.memory_space<hbm>>) target(%arg7 : memref<120xi32, #tpu.memory_space<vmem>>) target_semaphore(%arg13 : memref<!tpu.dma_semaphore, #tpu.memory_space<semaphore_mem>>)
          %mul3A_144 = arith.constant 120 : i32
          %mul3A_145 = arith.muli %add3A_119, %mul3A_144 : i32
          %add3A_146 = arith.addi %mul3A_4, %mul3A_145 : i32
          %dma_start3A_147 = tpu.memref_slice %arg4[%add3A_146] : memref<330240xi32, #tpu.memory_space<hbm>> -> memref<120xi32, #tpu.memory_space<hbm>>
          %dma_start3A_148 = tpu.memref_slice %arg4[%add3A_146] : memref<330240xi32, #tpu.memory_space<hbm>> -> memref<120xi32, #tpu.memory_space<hbm>>
          tpu.enqueue_dma source(%dma_start3A_148 : memref<120xi32, #tpu.memory_space<hbm>>) target(%arg9 : memref<120xi32, #tpu.memory_space<vmem>>) target_semaphore(%arg13 : memref<!tpu.dma_semaphore, #tpu.memory_space<semaphore_mem>>)
        } else {
        }
      } else {
      }
      %mul3A_124 = arith.constant 2 : i32
      %mul3A_125 = arith.muli %while3A_82, %mul3A_124 : i32
      %add3A_126 = arith.constant 1 : i32
      %add3A_127 = arith.addi %mul3A_125, %add3A_126 : i32
      %add3A_128 = arith.constant 2 : i32
      %add3A_129 = arith.addi %add3A_127, %add3A_128 : i32
      %lt3A_130 = arith.cmpi slt, %add3A_127, %min3A_27 : i32
      %convert_element_type3A_131 = arith.extui %lt3A_130 : i1 to i32
      %cond3A_132 = arith.constant 0 : i32
      %cond3A_133 = arith.cmpi ne, %convert_element_type3A_131, %cond3A_132 : i32
      scf.if %cond3A_133 {
        %dma_wait3A = arith.constant 0 : i32
        %dma_wait3A_134 = arith.constant 0 : i32
        %dma_wait3A_135 = tpu.memref_slice %arg19[%dma_wait3A, %dma_wait3A_134] : memref<10240x128xf32, #tpu.memory_space<vmem_shared>> -> memref<10240x128xf32, #tpu.memory_space<vmem_shared>>
        tpu.wait_indirect_dma semaphore(%arg18 : memref<!tpu.dma_semaphore, #tpu.memory_space<semaphore_mem>>) src(%arg12 : memref<120x128xf32, #tpu.memory_space<vmem>>) dst(%dma_wait3A_135 : memref<10240x128xf32, #tpu.memory_space<vmem_shared>>)
        %lt3A_136 = arith.cmpi slt, %add3A_129, %min3A_27 : i32
        %convert_element_type3A_137 = arith.extui %lt3A_136 : i1 to i32
        %cond3A_138 = arith.constant 0 : i32
        %cond3A_139 = arith.cmpi ne, %convert_element_type3A_137, %cond3A_138 : i32
        scf.if %cond3A_139 {
          %mul3A_140 = arith.constant 120 : i32
          %mul3A_141 = arith.muli %add3A_129, %mul3A_140 : i32
          %add3A_142 = arith.addi %mul3A_4, %mul3A_141 : i32
          %dma_start3A = tpu.memref_slice %arg3[%add3A_142] : memref<330240xi32, #tpu.memory_space<hbm>> -> memref<120xi32, #tpu.memory_space<hbm>>
          %dma_start3A_143 = tpu.memref_slice %arg3[%add3A_142] : memref<330240xi32, #tpu.memory_space<hbm>> -> memref<120xi32, #tpu.memory_space<hbm>>
          tpu.enqueue_dma source(%dma_start3A_143 : memref<120xi32, #tpu.memory_space<hbm>>) target(%arg8 : memref<120xi32, #tpu.memory_space<vmem>>) target_semaphore(%arg14 : memref<!tpu.dma_semaphore, #tpu.memory_space<semaphore_mem>>)
          %mul3A_144 = arith.constant 120 : i32
          %mul3A_145 = arith.muli %add3A_129, %mul3A_144 : i32
          %add3A_146 = arith.addi %mul3A_4, %mul3A_145 : i32
          %dma_start3A_147 = tpu.memref_slice %arg4[%add3A_146] : memref<330240xi32, #tpu.memory_space<hbm>> -> memref<120xi32, #tpu.memory_space<hbm>>
          %dma_start3A_148 = tpu.memref_slice %arg4[%add3A_146] : memref<330240xi32, #tpu.memory_space<hbm>> -> memref<120xi32, #tpu.memory_space<hbm>>
          tpu.enqueue_dma source(%dma_start3A_148 : memref<120xi32, #tpu.memory_space<hbm>>) target(%arg10 : memref<120xi32, #tpu.memory_space<vmem>>) target_semaphore(%arg14 : memref<!tpu.dma_semaphore, #tpu.memory_space<semaphore_mem>>)
        } else {
        }
      } else {
      }
    }
    %while3A_73 = arith.constant 1 : i32
    scf.for %while3A_82 = %while3A_71 to %while3A_67 step %while3A_73  : i32 {
      %mul3A_83 = arith.constant 2 : i32
      %mul3A_84 = arith.muli %while3A_82, %mul3A_83 : i32
      %add3A_85 = arith.constant 0 : i32
      %add3A_86 = arith.addi %mul3A_84, %add3A_85 : i32
      %lt3A = arith.cmpi slt, %add3A_86, %min3A_27 : i32
      %convert_element_type3A_87 = arith.extui %lt3A : i1 to i32
      %cond3A_88 = arith.constant 0 : i32
      %cond3A_89 = arith.cmpi ne, %convert_element_type3A_87, %cond3A_88 : i32
      scf.if %cond3A_89 {
        %mul3A_134 = arith.constant 120 : i32
        %mul3A_135 = arith.muli %add3A_86, %mul3A_134 : i32
        %add3A_136 = arith.addi %mul3A_4, %mul3A_135 : i32
        %dma_wait3A = tpu.memref_slice %arg3[%add3A_136] : memref<330240xi32, #tpu.memory_space<hbm>> -> memref<120xi32, #tpu.memory_space<hbm>>
        %dma_wait3A_137 = tpu.memref_slice %arg3[%add3A_136] : memref<330240xi32, #tpu.memory_space<hbm>> -> memref<120xi32, #tpu.memory_space<hbm>>
        tpu.wait_dma2 semaphore(%arg13 : memref<!tpu.dma_semaphore, #tpu.memory_space<semaphore_mem>>) src(%dma_wait3A_137 : memref<120xi32, #tpu.memory_space<hbm>>) dst(%arg7 : memref<120xi32, #tpu.memory_space<vmem>>)
        %mul3A_138 = arith.constant 120 : i32
        %mul3A_139 = arith.muli %add3A_86, %mul3A_138 : i32
        %add3A_140 = arith.addi %mul3A_4, %mul3A_139 : i32
        %dma_wait3A_141 = tpu.memref_slice %arg4[%add3A_140] : memref<330240xi32, #tpu.memory_space<hbm>> -> memref<120xi32, #tpu.memory_space<hbm>>
        %dma_wait3A_142 = tpu.memref_slice %arg4[%add3A_140] : memref<330240xi32, #tpu.memory_space<hbm>> -> memref<120xi32, #tpu.memory_space<hbm>>
        tpu.wait_dma2 semaphore(%arg13 : memref<!tpu.dma_semaphore, #tpu.memory_space<semaphore_mem>>) src(%dma_wait3A_142 : memref<120xi32, #tpu.memory_space<hbm>>) dst(%arg9 : memref<120xi32, #tpu.memory_space<vmem>>)
        %dma_start3A = arith.constant 0 : i32
        %dma_start3A_143 = arith.constant 0 : i32
        %dma_start3A_144 = tpu.memref_slice %arg2[%dma_start3A, %dma_start3A_143] : memref<10240x128xf32, #tpu.memory_space<hbm>> -> memref<10240x128xf32, #tpu.memory_space<hbm>>
        tpu.enqueue_indirect_dma source(%dma_start3A_144 : memref<10240x128xf32, #tpu.memory_space<hbm>>) target(%arg11 : memref<120x128xf32, #tpu.memory_space<vmem>>) offsets(%arg7 : memref<120xi32, #tpu.memory_space<vmem>>) semaphore(%arg15 : memref<!tpu.dma_semaphore, #tpu.memory_space<semaphore_mem>>)
      } else {
      }
      %mul3A_90 = arith.constant 2 : i32
      %mul3A_91 = arith.muli %while3A_82, %mul3A_90 : i32
      %add3A_92 = arith.constant 1 : i32
      %add3A_93 = arith.addi %mul3A_91, %add3A_92 : i32
      %lt3A_94 = arith.cmpi slt, %add3A_93, %min3A_27 : i32
      %convert_element_type3A_95 = arith.extui %lt3A_94 : i1 to i32
      %cond3A_96 = arith.constant 0 : i32
      %cond3A_97 = arith.cmpi ne, %convert_element_type3A_95, %cond3A_96 : i32
      scf.if %cond3A_97 {
        %mul3A_134 = arith.constant 120 : i32
        %mul3A_135 = arith.muli %add3A_93, %mul3A_134 : i32
        %add3A_136 = arith.addi %mul3A_4, %mul3A_135 : i32
        %dma_wait3A = tpu.memref_slice %arg3[%add3A_136] : memref<330240xi32, #tpu.memory_space<hbm>> -> memref<120xi32, #tpu.memory_space<hbm>>
        %dma_wait3A_137 = tpu.memref_slice %arg3[%add3A_136] : memref<330240xi32, #tpu.memory_space<hbm>> -> memref<120xi32, #tpu.memory_space<hbm>>
        tpu.wait_dma2 semaphore(%arg14 : memref<!tpu.dma_semaphore, #tpu.memory_space<semaphore_mem>>) src(%dma_wait3A_137 : memref<120xi32, #tpu.memory_space<hbm>>) dst(%arg8 : memref<120xi32, #tpu.memory_space<vmem>>)
        %mul3A_138 = arith.constant 120 : i32
        %mul3A_139 = arith.muli %add3A_93, %mul3A_138 : i32
        %add3A_140 = arith.addi %mul3A_4, %mul3A_139 : i32
        %dma_wait3A_141 = tpu.memref_slice %arg4[%add3A_140] : memref<330240xi32, #tpu.memory_space<hbm>> -> memref<120xi32, #tpu.memory_space<hbm>>
        %dma_wait3A_142 = tpu.memref_slice %arg4[%add3A_140] : memref<330240xi32, #tpu.memory_space<hbm>> -> memref<120xi32, #tpu.memory_space<hbm>>
        tpu.wait_dma2 semaphore(%arg14 : memref<!tpu.dma_semaphore, #tpu.memory_space<semaphore_mem>>) src(%dma_wait3A_142 : memref<120xi32, #tpu.memory_space<hbm>>) dst(%arg10 : memref<120xi32, #tpu.memory_space<vmem>>)
        %dma_start3A = arith.constant 0 : i32
        %dma_start3A_143 = arith.constant 0 : i32
        %dma_start3A_144 = tpu.memref_slice %arg2[%dma_start3A, %dma_start3A_143] : memref<10240x128xf32, #tpu.memory_space<hbm>> -> memref<10240x128xf32, #tpu.memory_space<hbm>>
        tpu.enqueue_indirect_dma source(%dma_start3A_144 : memref<10240x128xf32, #tpu.memory_space<hbm>>) target(%arg12 : memref<120x128xf32, #tpu.memory_space<vmem>>) offsets(%arg8 : memref<120xi32, #tpu.memory_space<vmem>>) semaphore(%arg16 : memref<!tpu.dma_semaphore, #tpu.memory_space<semaphore_mem>>)
      } else {
      }
      %mul3A_98 = arith.constant 2 : i32
      %mul3A_99 = arith.muli %while3A_82, %mul3A_98 : i32
      %add3A_100 = arith.constant 0 : i32
      %add3A_101 = arith.addi %mul3A_99, %add3A_100 : i32
      %lt3A_102 = arith.cmpi slt, %add3A_101, %min3A_27 : i32
      %convert_element_type3A_103 = arith.extui %lt3A_102 : i1 to i32
      %cond3A_104 = arith.constant 0 : i32
      %cond3A_105 = arith.cmpi ne, %convert_element_type3A_103, %cond3A_104 : i32
      scf.if %cond3A_105 {
        %dma_wait3A = arith.constant 0 : i32
        %dma_wait3A_134 = arith.constant 0 : i32
        %dma_wait3A_135 = tpu.memref_slice %arg2[%dma_wait3A, %dma_wait3A_134] : memref<10240x128xf32, #tpu.memory_space<hbm>> -> memref<10240x128xf32, #tpu.memory_space<hbm>>
        tpu.wait_indirect_dma semaphore(%arg15 : memref<!tpu.dma_semaphore, #tpu.memory_space<semaphore_mem>>) src(%dma_wait3A_135 : memref<10240x128xf32, #tpu.memory_space<hbm>>) dst(%arg11 : memref<120x128xf32, #tpu.memory_space<vmem>>)
        %dma_start3A = arith.constant 0 : i32
        %dma_start3A_136 = arith.constant 0 : i32
        %dma_start3A_137 = tpu.memref_slice %arg19[%dma_start3A, %dma_start3A_136] : memref<10240x128xf32, #tpu.memory_space<vmem_shared>> -> memref<10240x128xf32, #tpu.memory_space<vmem_shared>>
        tpu.enqueue_indirect_dma source(%arg11 : memref<120x128xf32, #tpu.memory_space<vmem>>) target(%dma_start3A_137 : memref<10240x128xf32, #tpu.memory_space<vmem_shared>>) offsets(%arg9 : memref<120xi32, #tpu.memory_space<vmem>>) semaphore(%arg17 : memref<!tpu.dma_semaphore, #tpu.memory_space<semaphore_mem>>) {add = true}
      } else {
      }
      %mul3A_106 = arith.constant 2 : i32
      %mul3A_107 = arith.muli %while3A_82, %mul3A_106 : i32
      %add3A_108 = arith.constant 1 : i32
      %add3A_109 = arith.addi %mul3A_107, %add3A_108 : i32
      %lt3A_110 = arith.cmpi slt, %add3A_109, %min3A_27 : i32
      %convert_element_type3A_111 = arith.extui %lt3A_110 : i1 to i32
      %cond3A_112 = arith.constant 0 : i32
      %cond3A_113 = arith.cmpi ne, %convert_element_type3A_111, %cond3A_112 : i32
      scf.if %cond3A_113 {
        %dma_wait3A = arith.constant 0 : i32
        %dma_wait3A_134 = arith.constant 0 : i32
        %dma_wait3A_135 = tpu.memref_slice %arg2[%dma_wait3A, %dma_wait3A_134] : memref<10240x128xf32, #tpu.memory_space<hbm>> -> memref<10240x128xf32, #tpu.memory_space<hbm>>
        tpu.wait_indirect_dma semaphore(%arg16 : memref<!tpu.dma_semaphore, #tpu.memory_space<semaphore_mem>>) src(%dma_wait3A_135 : memref<10240x128xf32, #tpu.memory_space<hbm>>) dst(%arg12 : memref<120x128xf32, #tpu.memory_space<vmem>>)
        %dma_start3A = arith.constant 0 : i32
        %dma_start3A_136 = arith.constant 0 : i32
        %dma_start3A_137 = tpu.memref_slice %arg19[%dma_start3A, %dma_start3A_136] : memref<10240x128xf32, #tpu.memory_space<vmem_shared>> -> memref<10240x128xf32, #tpu.memory_space<vmem_shared>>
        tpu.enqueue_indirect_dma source(%arg12 : memref<120x128xf32, #tpu.memory_space<vmem>>) target(%dma_start3A_137 : memref<10240x128xf32, #tpu.memory_space<vmem_shared>>) offsets(%arg10 : memref<120xi32, #tpu.memory_space<vmem>>) semaphore(%arg18 : memref<!tpu.dma_semaphore, #tpu.memory_space<semaphore_mem>>) {add = true}
      } else {
      }
      %mul3A_114 = arith.constant 2 : i32
      %mul3A_115 = arith.muli %while3A_82, %mul3A_114 : i32
      %add3A_116 = arith.constant 0 : i32
      %add3A_117 = arith.addi %mul3A_115, %add3A_116 : i32
      %add3A_118 = arith.constant 2 : i32
      %add3A_119 = arith.addi %add3A_117, %add3A_118 : i32
      %lt3A_120 = arith.cmpi slt, %add3A_117, %min3A_27 : i32
      %convert_element_type3A_121 = arith.extui %lt3A_120 : i1 to i32
      %cond3A_122 = arith.constant 0 : i32
      %cond3A_123 = arith.cmpi ne, %convert_element_type3A_121, %cond3A_122 : i32
      scf.if %cond3A_123 {
        %dma_wait3A = arith.constant 0 : i32
        %dma_wait3A_134 = arith.constant 0 : i32
        %dma_wait3A_135 = tpu.memref_slice %arg19[%dma_wait3A, %dma_wait3A_134] : memref<10240x128xf32, #tpu.memory_space<vmem_shared>> -> memref<10240x128xf32, #tpu.memory_space<vmem_shared>>
        tpu.wait_indirect_dma semaphore(%arg17 : memref<!tpu.dma_semaphore, #tpu.memory_space<semaphore_mem>>) src(%arg11 : memref<120x128xf32, #tpu.memory_space<vmem>>) dst(%dma_wait3A_135 : memref<10240x128xf32, #tpu.memory_space<vmem_shared>>)
        %lt3A_136 = arith.cmpi slt, %add3A_119, %min3A_27 : i32
        %convert_element_type3A_137 = arith.extui %lt3A_136 : i1 to i32
        %cond3A_138 = arith.constant 0 : i32
        %cond3A_139 = arith.cmpi ne, %convert_element_type3A_137, %cond3A_138 : i32
        scf.if %cond3A_139 {
          %mul3A_140 = arith.constant 120 : i32
          %mul3A_141 = arith.muli %add3A_119, %mul3A_140 : i32
          %add3A_142 = arith.addi %mul3A_4, %mul3A_141 : i32
          %dma_start3A = tpu.memref_slice %arg3[%add3A_142] : memref<330240xi32, #tpu.memory_space<hbm>> -> memref<120xi32, #tpu.memory_space<hbm>>
          %dma_start3A_143 = tpu.memref_slice %arg3[%add3A_142] : memref<330240xi32, #tpu.memory_space<hbm>> -> memref<120xi32, #tpu.memory_space<hbm>>
          tpu.enqueue_dma source(%dma_start3A_143 : memref<120xi32, #tpu.memory_space<hbm>>) target(%arg7 : memref<120xi32, #tpu.memory_space<vmem>>) target_semaphore(%arg13 : memref<!tpu.dma_semaphore, #tpu.memory_space<semaphore_mem>>)
          %mul3A_144 = arith.constant 120 : i32
          %mul3A_145 = arith.muli %add3A_119, %mul3A_144 : i32
          %add3A_146 = arith.addi %mul3A_4, %mul3A_145 : i32
          %dma_start3A_147 = tpu.memref_slice %arg4[%add3A_146] : memref<330240xi32, #tpu.memory_space<hbm>> -> memref<120xi32, #tpu.memory_space<hbm>>
          %dma_start3A_148 = tpu.memref_slice %arg4[%add3A_146] : memref<330240xi32, #tpu.memory_space<hbm>> -> memref<120xi32, #tpu.memory_space<hbm>>
          tpu.enqueue_dma source(%dma_start3A_148 : memref<120xi32, #tpu.memory_space<hbm>>) target(%arg9 : memref<120xi32, #tpu.memory_space<vmem>>) target_semaphore(%arg13 : memref<!tpu.dma_semaphore, #tpu.memory_space<semaphore_mem>>)
        } else {
        }
      } else {
      }
      %mul3A_124 = arith.constant 2 : i32
      %mul3A_125 = arith.muli %while3A_82, %mul3A_124 : i32
      %add3A_126 = arith.constant 1 : i32
      %add3A_127 = arith.addi %mul3A_125, %add3A_126 : i32
      %add3A_128 = arith.constant 2 : i32
      %add3A_129 = arith.addi %add3A_127, %add3A_128 : i32
      %lt3A_130 = arith.cmpi slt, %add3A_127, %min3A_27 : i32
      %convert_element_type3A_131 = arith.extui %lt3A_130 : i1 to i32
      %cond3A_132 = arith.constant 0 : i32
      %cond3A_133 = arith.cmpi ne, %convert_element_type3A_131, %cond3A_132 : i32
      scf.if %cond3A_133 {
        %dma_wait3A = arith.constant 0 : i32
        %dma_wait3A_134 = arith.constant 0 : i32
        %dma_wait3A_135 = tpu.memref_slice %arg19[%dma_wait3A, %dma_wait3A_134] : memref<10240x128xf32, #tpu.memory_space<vmem_shared>> -> memref<10240x128xf32, #tpu.memory_space<vmem_shared>>
        tpu.wait_indirect_dma semaphore(%arg18 : memref<!tpu.dma_semaphore, #tpu.memory_space<semaphore_mem>>) src(%arg12 : memref<120x128xf32, #tpu.memory_space<vmem>>) dst(%dma_wait3A_135 : memref<10240x128xf32, #tpu.memory_space<vmem_shared>>)
        %lt3A_136 = arith.cmpi slt, %add3A_129, %min3A_27 : i32
        %convert_element_type3A_137 = arith.extui %lt3A_136 : i1 to i32
        %cond3A_138 = arith.constant 0 : i32
        %cond3A_139 = arith.cmpi ne, %convert_element_type3A_137, %cond3A_138 : i32
        scf.if %cond3A_139 {
          %mul3A_140 = arith.constant 120 : i32
          %mul3A_141 = arith.muli %add3A_129, %mul3A_140 : i32
          %add3A_142 = arith.addi %mul3A_4, %mul3A_141 : i32
          %dma_start3A = tpu.memref_slice %arg3[%add3A_142] : memref<330240xi32, #tpu.memory_space<hbm>> -> memref<120xi32, #tpu.memory_space<hbm>>
          %dma_start3A_143 = tpu.memref_slice %arg3[%add3A_142] : memref<330240xi32, #tpu.memory_space<hbm>> -> memref<120xi32, #tpu.memory_space<hbm>>
          tpu.enqueue_dma source(%dma_start3A_143 : memref<120xi32, #tpu.memory_space<hbm>>) target(%arg8 : memref<120xi32, #tpu.memory_space<vmem>>) target_semaphore(%arg14 : memref<!tpu.dma_semaphore, #tpu.memory_space<semaphore_mem>>)
          %mul3A_144 = arith.constant 120 : i32
          %mul3A_145 = arith.muli %add3A_129, %mul3A_144 : i32
          %add3A_146 = arith.addi %mul3A_4, %mul3A_145 : i32
          %dma_start3A_147 = tpu.memref_slice %arg4[%add3A_146] : memref<330240xi32, #tpu.memory_space<hbm>> -> memref<120xi32, #tpu.memory_space<hbm>>
          %dma_start3A_148 = tpu.memref_slice %arg4[%add3A_146] : memref<330240xi32, #tpu.memory_space<hbm>> -> memref<120xi32, #tpu.memory_space<hbm>>
          tpu.enqueue_dma source(%dma_start3A_148 : memref<120xi32, #tpu.memory_space<hbm>>) target(%arg10 : memref<120xi32, #tpu.memory_space<vmem>>) target_semaphore(%arg14 : memref<!tpu.dma_semaphore, #tpu.memory_space<semaphore_mem>>)
        } else {
        }
      } else {
      }
    }
    %barrier3A_74 = arith.constant 0 : index
    tpu.barrier barrier_id(%barrier3A_74)
    %mul3A_75 = arith.constant 640 : i32
    %mul3A_76 = arith.muli %arg1, %mul3A_75 : i32
    %mul3A_77 = arith.constant 10240 : i32
    %mul3A_78 = arith.muli %arg0, %mul3A_77 : i32
    %mul3A_79 = arith.constant 640 : i32
    %mul3A_80 = arith.muli %arg1, %mul3A_79 : i32
    %add3A_81 = arith.addi %mul3A_78, %mul3A_80 : i32
    "tpu.region"() ({
      %run_scoped3A = tpu.sem_alloc : memref<!tpu.dma_semaphore, #tpu.memory_space<semaphore_mem>>
      %dma_start3A = arith.constant 0 : i32
      %dma_start3A_82 = tpu.memref_slice %arg6[%add3A_81, %dma_start3A] : memref<20480x128xf32, #tpu.memory_space<hbm>> -> memref<640x128xf32, #tpu.memory_space<hbm>>
      %dma_start3A_83 = arith.constant 0 : i32
      %dma_start3A_84 = tpu.memref_slice %arg19[%mul3A_76, %dma_start3A_83] : memref<10240x128xf32, #tpu.memory_space<vmem_shared>> -> memref<640x128xf32, #tpu.memory_space<vmem_shared>>
      tpu.enqueue_dma source(%dma_start3A_84 : memref<640x128xf32, #tpu.memory_space<vmem_shared>>) target(%dma_start3A_82 : memref<640x128xf32, #tpu.memory_space<hbm>>) target_semaphore(%run_scoped3A : memref<!tpu.dma_semaphore, #tpu.memory_space<semaphore_mem>>)
      %dma_wait3A = arith.constant 0 : i32
      %dma_wait3A_85 = tpu.memref_slice %arg6[%add3A_81, %dma_wait3A] : memref<20480x128xf32, #tpu.memory_space<hbm>> -> memref<640x128xf32, #tpu.memory_space<hbm>>
      %dma_wait3A_86 = arith.constant 0 : i32
      %dma_wait3A_87 = tpu.memref_slice %arg19[%mul3A_76, %dma_wait3A_86] : memref<10240x128xf32, #tpu.memory_space<vmem_shared>> -> memref<640x128xf32, #tpu.memory_space<vmem_shared>>
      tpu.wait_dma2 semaphore(%run_scoped3A : memref<!tpu.dma_semaphore, #tpu.memory_space<semaphore_mem>>) src(%dma_wait3A_87 : memref<640x128xf32, #tpu.memory_space<vmem_shared>>) dst(%dma_wait3A_85 : memref<640x128xf32, #tpu.memory_space<hbm>>)
      tpu.yield
    }) : () -> ()
    return
  }
}

#map = affine_map<(d0, d1) -> (0, 0)>
#map1 = affine_map<(d0, d1) -> (0)>
module attributes {stable_mosaic.version = 14 : i64} {
  func.func @_sc_passa_body(%arg0: i32, %arg1: i32, %arg2: memref<10240x128xf32, #tpu.memory_space<hbm>>, %arg3: memref<330240xi32, #tpu.memory_space<hbm>>, %arg4: memref<330240xi32, #tpu.memory_space<hbm>>, %arg5: memref<640x128xf32, #tpu.memory_space<hbm>>, %arg6: memref<20480x128xf32, #tpu.memory_space<hbm>>, %arg7: memref<120xi32, #tpu.memory_space<vmem>>, %arg8: memref<120xi32, #tpu.memory_space<vmem>>, %arg9: memref<120xi32, #tpu.memory_space<vmem>>, %arg10: memref<120xi32, #tpu.memory_space<vmem>>, %arg11: memref<120x128xf32, #tpu.memory_space<vmem>>, %arg12: memref<120x128xf32, #tpu.memory_space<vmem>>, %arg13: memref<!tpu.dma_semaphore, #tpu.memory_space<semaphore_mem>>, %arg14: memref<!tpu.dma_semaphore, #tpu.memory_space<semaphore_mem>>, %arg15: memref<!tpu.dma_semaphore, #tpu.memory_space<semaphore_mem>>, %arg16: memref<!tpu.dma_semaphore, #tpu.memory_space<semaphore_mem>>, %arg17: memref<!tpu.dma_semaphore, #tpu.memory_space<semaphore_mem>>, %arg18: memref<!tpu.dma_semaphore, #tpu.memory_space<semaphore_mem>>, %arg19: memref<10240x128xf32, #tpu.memory_space<vmem_shared>>) attributes {dimension_semantics = [#tpu.dimension_semantics<core_parallel>, #tpu.dimension_semantics<subcore_parallel>], iteration_bounds = array<i64: 2, 16>, scalar_prefetch = 0 : i64, scratch_operands = 13 : i64, tpu.core_type = #tpu.core_type<sc_vector_subcore>, window_params = [{transform_indices = #map}, {transform_indices = #map1}, {transform_indices = #map1}, {transform_indices = #map}, {transform_indices = #map}]} {
    %mul3A = arith.constant 2 : i32
    %mul3A_0 = arith.muli %arg1, %mul3A : i32
    %add3A = arith.addi %mul3A_0, %arg0 : i32
    %mul3A_1 = arith.constant 86 : i32
    %mul3A_2 = arith.muli %add3A, %mul3A_1 : i32
    %mul3A_3 = arith.constant 120 : i32
    %mul3A_4 = arith.muli %mul3A_2, %mul3A_3 : i32
    %sub3A = arith.constant 320000 : i32
    %sub3A_5 = arith.subi %sub3A, %mul3A_4 : i32
    %add3A_6 = arith.constant 120 : i32
    %add3A_7 = arith.addi %sub3A_5, %add3A_6 : i32
    %sub3A_8 = arith.constant 1 : i32
    %sub3A_9 = arith.subi %add3A_7, %sub3A_8 : i32
    %jit3A = arith.constant 120 : i32
    %div3A = arith.divsi %sub3A_9, %jit3A : i32
    %sign3A = arith.constant 0 : i32
    %sign3A_10 = arith.cmpi sgt, %sub3A_9, %sign3A : i32
    %sign3A_11 = arith.extui %sign3A_10 : i1 to i32
    %sign3A_12 = arith.constant 0 : i32
    %sign3A_13 = arith.cmpi slt, %sub3A_9, %sign3A_12 : i32
    %sign3A_14 = arith.extui %sign3A_13 : i1 to i32
    %sign3A_15 = arith.subi %sign3A_11, %sign3A_14 : i32
    %sign3A_16 = arith.constant 0 : i32
    %sign3A_17 = arith.cmpi sgt, %jit3A, %sign3A_16 : i32
    %sign3A_18 = arith.extui %sign3A_17 : i1 to i32
    %sign3A_19 = arith.constant 0 : i32
    %sign3A_20 = arith.cmpi slt, %jit3A, %sign3A_19 : i32
    %sign3A_21 = arith.extui %sign3A_20 : i1 to i32
    %sign3A_22 = arith.subi %sign3A_18, %sign3A_21 : i32
    %ne3A = arith.cmpi ne, %sign3A_15, %sign3A_22 : i32
    %rem3A = arith.remsi %sub3A_9, %jit3A : i32
    %ne3A_23 = arith.constant 0 : i32
    %ne3A_24 = arith.cmpi ne, %rem3A, %ne3A_23 : i32
    %and3A = arith.andi %ne3A, %ne3A_24 : i1
    %sub3A_25 = arith.constant 1 : i32
    %sub3A_26 = arith.subi %div3A, %sub3A_25 : i32
    %select_n3A = arith.select %and3A, %sub3A_26, %div3A : i32
    %min3A = arith.constant 86 : i32
    %min3A_27 = arith.minsi %min3A, %select_n3A : i32
    %add3A_28 = arith.constant 2 : i32
    %add3A_29 = arith.addi %min3A_27, %add3A_28 : i32
    %sub3A_30 = arith.constant 1 : i32
    %sub3A_31 = arith.subi %add3A_29, %sub3A_30 : i32
    %jit3A_32 = arith.constant 2 : i32
    %div3A_33 = arith.divsi %sub3A_31, %jit3A_32 : i32
    %sign3A_34 = arith.constant 0 : i32
    %sign3A_35 = arith.cmpi sgt, %sub3A_31, %sign3A_34 : i32
    %sign3A_36 = arith.extui %sign3A_35 : i1 to i32
    %sign3A_37 = arith.constant 0 : i32
    %sign3A_38 = arith.cmpi slt, %sub3A_31, %sign3A_37 : i32
    %sign3A_39 = arith.extui %sign3A_38 : i1 to i32
    %sign3A_40 = arith.subi %sign3A_36, %sign3A_39 : i32
    %sign3A_41 = arith.constant 0 : i32
    %sign3A_42 = arith.cmpi sgt, %jit3A_32, %sign3A_41 : i32
    %sign3A_43 = arith.extui %sign3A_42 : i1 to i32
    %sign3A_44 = arith.constant 0 : i32
    %sign3A_45 = arith.cmpi slt, %jit3A_32, %sign3A_44 : i32
    %sign3A_46 = arith.extui %sign3A_45 : i1 to i32
    %sign3A_47 = arith.subi %sign3A_43, %sign3A_46 : i32
    %ne3A_48 = arith.cmpi ne, %sign3A_40, %sign3A_47 : i32
    %rem3A_49 = arith.remsi %sub3A_31, %jit3A_32 : i32
    %ne3A_50 = arith.constant 0 : i32
    %ne3A_51 = arith.cmpi ne, %rem3A_49, %ne3A_50 : i32
    %and3A_52 = arith.andi %ne3A_48, %ne3A_51 : i1
    %sub3A_53 = arith.constant 1 : i32
    %sub3A_54 = arith.subi %div3A_33, %sub3A_53 : i32
    %select_n3A_55 = arith.select %and3A_52, %sub3A_54, %div3A_33 : i32
    %mul3A_56 = arith.constant 640 : i32
    %mul3A_57 = arith.muli %arg1, %mul3A_56 : i32
    "tpu.region"() ({
      %run_scoped3A = tpu.sem_alloc : memref<!tpu.dma_semaphore, #tpu.memory_space<semaphore_mem>>
      %dma_start3A = arith.constant 0 : i32
      %dma_start3A_82 = tpu.memref_slice %arg19[%mul3A_57, %dma_start3A] : memref<10240x128xf32, #tpu.memory_space<vmem_shared>> -> memref<640x128xf32, #tpu.memory_space<vmem_shared>>
      tpu.enqueue_dma source(%arg5 : memref<640x128xf32, #tpu.memory_space<hbm>>) target(%dma_start3A_82 : memref<640x128xf32, #tpu.memory_space<vmem_shared>>) target_semaphore(%run_scoped3A : memref<!tpu.dma_semaphore, #tpu.memory_space<semaphore_mem>>)
      %dma_wait3A = arith.constant 0 : i32
      %dma_wait3A_83 = tpu.memref_slice %arg19[%mul3A_57, %dma_wait3A] : memref<10240x128xf32, #tpu.memory_space<vmem_shared>> -> memref<640x128xf32, #tpu.memory_space<vmem_shared>>
      tpu.wait_dma2 semaphore(%run_scoped3A : memref<!tpu.dma_semaphore, #tpu.memory_space<semaphore_mem>>) src(%arg5 : memref<640x128xf32, #tpu.memory_space<hbm>>) dst(%dma_wait3A_83 : memref<640x128xf32, #tpu.memory_space<vmem_shared>>)
      tpu.yield
    }) : () -> ()
    %barrier3A = arith.constant 0 : index
    tpu.barrier barrier_id(%barrier3A)
    %gt3A = arith.constant 0 : i32
    %gt3A_58 = arith.cmpi sgt, %min3A_27, %gt3A : i32
    %convert_element_type3A = arith.extui %gt3A_58 : i1 to i32
    %cond3A = arith.constant 0 : i32
    %cond3A_59 = arith.cmpi ne, %convert_element_type3A, %cond3A : i32
    scf.if %cond3A_59 {
      %add3A_82 = arith.constant 0 : i32
      %add3A_83 = arith.addi %mul3A_4, %add3A_82 : i32
      %dma_start3A = tpu.memref_slice %arg3[%add3A_83] : memref<330240xi32, #tpu.memory_space<hbm>> -> memref<120xi32, #tpu.memory_space<hbm>>
      %dma_start3A_84 = tpu.memref_slice %arg3[%add3A_83] : memref<330240xi32, #tpu.memory_space<hbm>> -> memref<120xi32, #tpu.memory_space<hbm>>
      tpu.enqueue_dma source(%dma_start3A_84 : memref<120xi32, #tpu.memory_space<hbm>>) target(%arg7 : memref<120xi32, #tpu.memory_space<vmem>>) target_semaphore(%arg13 : memref<!tpu.dma_semaphore, #tpu.memory_space<semaphore_mem>>)
      %add3A_85 = arith.constant 0 : i32
      %add3A_86 = arith.addi %mul3A_4, %add3A_85 : i32
      %dma_start3A_87 = tpu.memref_slice %arg4[%add3A_86] : memref<330240xi32, #tpu.memory_space<hbm>> -> memref<120xi32, #tpu.memory_space<hbm>>
      %dma_start3A_88 = tpu.memref_slice %arg4[%add3A_86] : memref<330240xi32, #tpu.memory_space<hbm>> -> memref<120xi32, #tpu.memory_space<hbm>>
      tpu.enqueue_dma source(%dma_start3A_88 : memref<120xi32, #tpu.memory_space<hbm>>) target(%arg9 : memref<120xi32, #tpu.memory_space<vmem>>) target_semaphore(%arg13 : memref<!tpu.dma_semaphore, #tpu.memory_space<semaphore_mem>>)
    } else {
    }
    %gt3A_60 = arith.constant 1 : i32
    %gt3A_61 = arith.cmpi sgt, %min3A_27, %gt3A_60 : i32
    %convert_element_type3A_62 = arith.extui %gt3A_61 : i1 to i32
    %cond3A_63 = arith.constant 0 : i32
    %cond3A_64 = arith.cmpi ne, %convert_element_type3A_62, %cond3A_63 : i32
    scf.if %cond3A_64 {
      %add3A_82 = arith.constant 120 : i32
      %add3A_83 = arith.addi %mul3A_4, %add3A_82 : i32
      %dma_start3A = tpu.memref_slice %arg3[%add3A_83] : memref<330240xi32, #tpu.memory_space<hbm>> -> memref<120xi32, #tpu.memory_space<hbm>>
      %dma_start3A_84 = tpu.memref_slice %arg3[%add3A_83] : memref<330240xi32, #tpu.memory_space<hbm>> -> memref<120xi32, #tpu.memory_space<hbm>>
      tpu.enqueue_dma source(%dma_start3A_84 : memref<120xi32, #tpu.memory_space<hbm>>) target(%arg8 : memref<120xi32, #tpu.memory_space<vmem>>) target_semaphore(%arg14 : memref<!tpu.dma_semaphore, #tpu.memory_space<semaphore_mem>>)
      %add3A_85 = arith.constant 120 : i32
      %add3A_86 = arith.addi %mul3A_4, %add3A_85 : i32
      %dma_start3A_87 = tpu.memref_slice %arg4[%add3A_86] : memref<330240xi32, #tpu.memory_space<hbm>> -> memref<120xi32, #tpu.memory_space<hbm>>
      %dma_start3A_88 = tpu.memref_slice %arg4[%add3A_86] : memref<330240xi32, #tpu.memory_space<hbm>> -> memref<120xi32, #tpu.memory_space<hbm>>
      tpu.enqueue_dma source(%dma_start3A_88 : memref<120xi32, #tpu.memory_space<hbm>>) target(%arg10 : memref<120xi32, #tpu.memory_space<vmem>>) target_semaphore(%arg14 : memref<!tpu.dma_semaphore, #tpu.memory_space<semaphore_mem>>)
    } else {
    }
    %while3A = arith.constant 0 : i32
    %while3A_65 = arith.constant 0 : i32
    %while3A_66 = arith.subi %select_n3A_55, %while3A_65 : i32
    %while3A_67 = arith.addi %while3A_65, %while3A_66 : i32
    %while3A_68 = arith.constant 1 : i32
    %while3A_69 = arith.divsi %while3A_66, %while3A_68 : i32
    %while3A_70 = arith.muli %while3A_69, %while3A_68 : i32
    %while3A_71 = arith.addi %while3A_65, %while3A_70 : i32
    %while3A_72 = arith.constant 1 : i32
    scf.for %while3A_82 = %while3A_65 to %while3A_71 step %while3A_72  : i32 {
      %mul3A_83 = arith.constant 2 : i32
      %mul3A_84 = arith.muli %while3A_82, %mul3A_83 : i32
      %add3A_85 = arith.constant 0 : i32
      %add3A_86 = arith.addi %mul3A_84, %add3A_85 : i32
      %lt3A = arith.cmpi slt, %add3A_86, %min3A_27 : i32
      %convert_element_type3A_87 = arith.extui %lt3A : i1 to i32
      %cond3A_88 = arith.constant 0 : i32
      %cond3A_89 = arith.cmpi ne, %convert_element_type3A_87, %cond3A_88 : i32
      scf.if %cond3A_89 {
        %mul3A_134 = arith.constant 120 : i32
        %mul3A_135 = arith.muli %add3A_86, %mul3A_134 : i32
        %add3A_136 = arith.addi %mul3A_4, %mul3A_135 : i32
        %dma_wait3A = tpu.memref_slice %arg3[%add3A_136] : memref<330240xi32, #tpu.memory_space<hbm>> -> memref<120xi32, #tpu.memory_space<hbm>>
        %dma_wait3A_137 = tpu.memref_slice %arg3[%add3A_136] : memref<330240xi32, #tpu.memory_space<hbm>> -> memref<120xi32, #tpu.memory_space<hbm>>
        tpu.wait_dma2 semaphore(%arg13 : memref<!tpu.dma_semaphore, #tpu.memory_space<semaphore_mem>>) src(%dma_wait3A_137 : memref<120xi32, #tpu.memory_space<hbm>>) dst(%arg7 : memref<120xi32, #tpu.memory_space<vmem>>)
        %mul3A_138 = arith.constant 120 : i32
        %mul3A_139 = arith.muli %add3A_86, %mul3A_138 : i32
        %add3A_140 = arith.addi %mul3A_4, %mul3A_139 : i32
        %dma_wait3A_141 = tpu.memref_slice %arg4[%add3A_140] : memref<330240xi32, #tpu.memory_space<hbm>> -> memref<120xi32, #tpu.memory_space<hbm>>
        %dma_wait3A_142 = tpu.memref_slice %arg4[%add3A_140] : memref<330240xi32, #tpu.memory_space<hbm>> -> memref<120xi32, #tpu.memory_space<hbm>>
        tpu.wait_dma2 semaphore(%arg13 : memref<!tpu.dma_semaphore, #tpu.memory_space<semaphore_mem>>) src(%dma_wait3A_142 : memref<120xi32, #tpu.memory_space<hbm>>) dst(%arg9 : memref<120xi32, #tpu.memory_space<vmem>>)
        %dma_start3A = arith.constant 0 : i32
        %dma_start3A_143 = arith.constant 0 : i32
        %dma_start3A_144 = tpu.memref_slice %arg2[%dma_start3A, %dma_start3A_143] : memref<10240x128xf32, #tpu.memory_space<hbm>> -> memref<10240x128xf32, #tpu.memory_space<hbm>>
        tpu.enqueue_indirect_dma source(%dma_start3A_144 : memref<10240x128xf32, #tpu.memory_space<hbm>>) target(%arg11 : memref<120x128xf32, #tpu.memory_space<vmem>>) offsets(%arg7 : memref<120xi32, #tpu.memory_space<vmem>>) semaphore(%arg15 : memref<!tpu.dma_semaphore, #tpu.memory_space<semaphore_mem>>)
      } else {
      }
      %mul3A_90 = arith.constant 2 : i32
      %mul3A_91 = arith.muli %while3A_82, %mul3A_90 : i32
      %add3A_92 = arith.constant 1 : i32
      %add3A_93 = arith.addi %mul3A_91, %add3A_92 : i32
      %lt3A_94 = arith.cmpi slt, %add3A_93, %min3A_27 : i32
      %convert_element_type3A_95 = arith.extui %lt3A_94 : i1 to i32
      %cond3A_96 = arith.constant 0 : i32
      %cond3A_97 = arith.cmpi ne, %convert_element_type3A_95, %cond3A_96 : i32
      scf.if %cond3A_97 {
        %mul3A_134 = arith.constant 120 : i32
        %mul3A_135 = arith.muli %add3A_93, %mul3A_134 : i32
        %add3A_136 = arith.addi %mul3A_4, %mul3A_135 : i32
        %dma_wait3A = tpu.memref_slice %arg3[%add3A_136] : memref<330240xi32, #tpu.memory_space<hbm>> -> memref<120xi32, #tpu.memory_space<hbm>>
        %dma_wait3A_137 = tpu.memref_slice %arg3[%add3A_136] : memref<330240xi32, #tpu.memory_space<hbm>> -> memref<120xi32, #tpu.memory_space<hbm>>
        tpu.wait_dma2 semaphore(%arg14 : memref<!tpu.dma_semaphore, #tpu.memory_space<semaphore_mem>>) src(%dma_wait3A_137 : memref<120xi32, #tpu.memory_space<hbm>>) dst(%arg8 : memref<120xi32, #tpu.memory_space<vmem>>)
        %mul3A_138 = arith.constant 120 : i32
        %mul3A_139 = arith.muli %add3A_93, %mul3A_138 : i32
        %add3A_140 = arith.addi %mul3A_4, %mul3A_139 : i32
        %dma_wait3A_141 = tpu.memref_slice %arg4[%add3A_140] : memref<330240xi32, #tpu.memory_space<hbm>> -> memref<120xi32, #tpu.memory_space<hbm>>
        %dma_wait3A_142 = tpu.memref_slice %arg4[%add3A_140] : memref<330240xi32, #tpu.memory_space<hbm>> -> memref<120xi32, #tpu.memory_space<hbm>>
        tpu.wait_dma2 semaphore(%arg14 : memref<!tpu.dma_semaphore, #tpu.memory_space<semaphore_mem>>) src(%dma_wait3A_142 : memref<120xi32, #tpu.memory_space<hbm>>) dst(%arg10 : memref<120xi32, #tpu.memory_space<vmem>>)
        %dma_start3A = arith.constant 0 : i32
        %dma_start3A_143 = arith.constant 0 : i32
        %dma_start3A_144 = tpu.memref_slice %arg2[%dma_start3A, %dma_start3A_143] : memref<10240x128xf32, #tpu.memory_space<hbm>> -> memref<10240x128xf32, #tpu.memory_space<hbm>>
        tpu.enqueue_indirect_dma source(%dma_start3A_144 : memref<10240x128xf32, #tpu.memory_space<hbm>>) target(%arg12 : memref<120x128xf32, #tpu.memory_space<vmem>>) offsets(%arg8 : memref<120xi32, #tpu.memory_space<vmem>>) semaphore(%arg16 : memref<!tpu.dma_semaphore, #tpu.memory_space<semaphore_mem>>)
      } else {
      }
      %mul3A_98 = arith.constant 2 : i32
      %mul3A_99 = arith.muli %while3A_82, %mul3A_98 : i32
      %add3A_100 = arith.constant 0 : i32
      %add3A_101 = arith.addi %mul3A_99, %add3A_100 : i32
      %lt3A_102 = arith.cmpi slt, %add3A_101, %min3A_27 : i32
      %convert_element_type3A_103 = arith.extui %lt3A_102 : i1 to i32
      %cond3A_104 = arith.constant 0 : i32
      %cond3A_105 = arith.cmpi ne, %convert_element_type3A_103, %cond3A_104 : i32
      scf.if %cond3A_105 {
        %dma_wait3A = arith.constant 0 : i32
        %dma_wait3A_134 = arith.constant 0 : i32
        %dma_wait3A_135 = tpu.memref_slice %arg2[%dma_wait3A, %dma_wait3A_134] : memref<10240x128xf32, #tpu.memory_space<hbm>> -> memref<10240x128xf32, #tpu.memory_space<hbm>>
        tpu.wait_indirect_dma semaphore(%arg15 : memref<!tpu.dma_semaphore, #tpu.memory_space<semaphore_mem>>) src(%dma_wait3A_135 : memref<10240x128xf32, #tpu.memory_space<hbm>>) dst(%arg11 : memref<120x128xf32, #tpu.memory_space<vmem>>)
        %dma_start3A = arith.constant 0 : i32
        %dma_start3A_136 = arith.constant 0 : i32
        %dma_start3A_137 = tpu.memref_slice %arg19[%dma_start3A, %dma_start3A_136] : memref<10240x128xf32, #tpu.memory_space<vmem_shared>> -> memref<10240x128xf32, #tpu.memory_space<vmem_shared>>
        tpu.enqueue_indirect_dma source(%arg11 : memref<120x128xf32, #tpu.memory_space<vmem>>) target(%dma_start3A_137 : memref<10240x128xf32, #tpu.memory_space<vmem_shared>>) offsets(%arg9 : memref<120xi32, #tpu.memory_space<vmem>>) semaphore(%arg17 : memref<!tpu.dma_semaphore, #tpu.memory_space<semaphore_mem>>) {add = true}
      } else {
      }
      %mul3A_106 = arith.constant 2 : i32
      %mul3A_107 = arith.muli %while3A_82, %mul3A_106 : i32
      %add3A_108 = arith.constant 1 : i32
      %add3A_109 = arith.addi %mul3A_107, %add3A_108 : i32
      %lt3A_110 = arith.cmpi slt, %add3A_109, %min3A_27 : i32
      %convert_element_type3A_111 = arith.extui %lt3A_110 : i1 to i32
      %cond3A_112 = arith.constant 0 : i32
      %cond3A_113 = arith.cmpi ne, %convert_element_type3A_111, %cond3A_112 : i32
      scf.if %cond3A_113 {
        %dma_wait3A = arith.constant 0 : i32
        %dma_wait3A_134 = arith.constant 0 : i32
        %dma_wait3A_135 = tpu.memref_slice %arg2[%dma_wait3A, %dma_wait3A_134] : memref<10240x128xf32, #tpu.memory_space<hbm>> -> memref<10240x128xf32, #tpu.memory_space<hbm>>
        tpu.wait_indirect_dma semaphore(%arg16 : memref<!tpu.dma_semaphore, #tpu.memory_space<semaphore_mem>>) src(%dma_wait3A_135 : memref<10240x128xf32, #tpu.memory_space<hbm>>) dst(%arg12 : memref<120x128xf32, #tpu.memory_space<vmem>>)
        %dma_start3A = arith.constant 0 : i32
        %dma_start3A_136 = arith.constant 0 : i32
        %dma_start3A_137 = tpu.memref_slice %arg19[%dma_start3A, %dma_start3A_136] : memref<10240x128xf32, #tpu.memory_space<vmem_shared>> -> memref<10240x128xf32, #tpu.memory_space<vmem_shared>>
        tpu.enqueue_indirect_dma source(%arg12 : memref<120x128xf32, #tpu.memory_space<vmem>>) target(%dma_start3A_137 : memref<10240x128xf32, #tpu.memory_space<vmem_shared>>) offsets(%arg10 : memref<120xi32, #tpu.memory_space<vmem>>) semaphore(%arg18 : memref<!tpu.dma_semaphore, #tpu.memory_space<semaphore_mem>>) {add = true}
      } else {
      }
      %mul3A_114 = arith.constant 2 : i32
      %mul3A_115 = arith.muli %while3A_82, %mul3A_114 : i32
      %add3A_116 = arith.constant 0 : i32
      %add3A_117 = arith.addi %mul3A_115, %add3A_116 : i32
      %add3A_118 = arith.constant 2 : i32
      %add3A_119 = arith.addi %add3A_117, %add3A_118 : i32
      %lt3A_120 = arith.cmpi slt, %add3A_117, %min3A_27 : i32
      %convert_element_type3A_121 = arith.extui %lt3A_120 : i1 to i32
      %cond3A_122 = arith.constant 0 : i32
      %cond3A_123 = arith.cmpi ne, %convert_element_type3A_121, %cond3A_122 : i32
      scf.if %cond3A_123 {
        %dma_wait3A = arith.constant 0 : i32
        %dma_wait3A_134 = arith.constant 0 : i32
        %dma_wait3A_135 = tpu.memref_slice %arg19[%dma_wait3A, %dma_wait3A_134] : memref<10240x128xf32, #tpu.memory_space<vmem_shared>> -> memref<10240x128xf32, #tpu.memory_space<vmem_shared>>
        tpu.wait_indirect_dma semaphore(%arg17 : memref<!tpu.dma_semaphore, #tpu.memory_space<semaphore_mem>>) src(%arg11 : memref<120x128xf32, #tpu.memory_space<vmem>>) dst(%dma_wait3A_135 : memref<10240x128xf32, #tpu.memory_space<vmem_shared>>)
        %lt3A_136 = arith.cmpi slt, %add3A_119, %min3A_27 : i32
        %convert_element_type3A_137 = arith.extui %lt3A_136 : i1 to i32
        %cond3A_138 = arith.constant 0 : i32
        %cond3A_139 = arith.cmpi ne, %convert_element_type3A_137, %cond3A_138 : i32
        scf.if %cond3A_139 {
          %mul3A_140 = arith.constant 120 : i32
          %mul3A_141 = arith.muli %add3A_119, %mul3A_140 : i32
          %add3A_142 = arith.addi %mul3A_4, %mul3A_141 : i32
          %dma_start3A = tpu.memref_slice %arg3[%add3A_142] : memref<330240xi32, #tpu.memory_space<hbm>> -> memref<120xi32, #tpu.memory_space<hbm>>
          %dma_start3A_143 = tpu.memref_slice %arg3[%add3A_142] : memref<330240xi32, #tpu.memory_space<hbm>> -> memref<120xi32, #tpu.memory_space<hbm>>
          tpu.enqueue_dma source(%dma_start3A_143 : memref<120xi32, #tpu.memory_space<hbm>>) target(%arg7 : memref<120xi32, #tpu.memory_space<vmem>>) target_semaphore(%arg13 : memref<!tpu.dma_semaphore, #tpu.memory_space<semaphore_mem>>)
          %mul3A_144 = arith.constant 120 : i32
          %mul3A_145 = arith.muli %add3A_119, %mul3A_144 : i32
          %add3A_146 = arith.addi %mul3A_4, %mul3A_145 : i32
          %dma_start3A_147 = tpu.memref_slice %arg4[%add3A_146] : memref<330240xi32, #tpu.memory_space<hbm>> -> memref<120xi32, #tpu.memory_space<hbm>>
          %dma_start3A_148 = tpu.memref_slice %arg4[%add3A_146] : memref<330240xi32, #tpu.memory_space<hbm>> -> memref<120xi32, #tpu.memory_space<hbm>>
          tpu.enqueue_dma source(%dma_start3A_148 : memref<120xi32, #tpu.memory_space<hbm>>) target(%arg9 : memref<120xi32, #tpu.memory_space<vmem>>) target_semaphore(%arg13 : memref<!tpu.dma_semaphore, #tpu.memory_space<semaphore_mem>>)
        } else {
        }
      } else {
      }
      %mul3A_124 = arith.constant 2 : i32
      %mul3A_125 = arith.muli %while3A_82, %mul3A_124 : i32
      %add3A_126 = arith.constant 1 : i32
      %add3A_127 = arith.addi %mul3A_125, %add3A_126 : i32
      %add3A_128 = arith.constant 2 : i32
      %add3A_129 = arith.addi %add3A_127, %add3A_128 : i32
      %lt3A_130 = arith.cmpi slt, %add3A_127, %min3A_27 : i32
      %convert_element_type3A_131 = arith.extui %lt3A_130 : i1 to i32
      %cond3A_132 = arith.constant 0 : i32
      %cond3A_133 = arith.cmpi ne, %convert_element_type3A_131, %cond3A_132 : i32
      scf.if %cond3A_133 {
        %dma_wait3A = arith.constant 0 : i32
        %dma_wait3A_134 = arith.constant 0 : i32
        %dma_wait3A_135 = tpu.memref_slice %arg19[%dma_wait3A, %dma_wait3A_134] : memref<10240x128xf32, #tpu.memory_space<vmem_shared>> -> memref<10240x128xf32, #tpu.memory_space<vmem_shared>>
        tpu.wait_indirect_dma semaphore(%arg18 : memref<!tpu.dma_semaphore, #tpu.memory_space<semaphore_mem>>) src(%arg12 : memref<120x128xf32, #tpu.memory_space<vmem>>) dst(%dma_wait3A_135 : memref<10240x128xf32, #tpu.memory_space<vmem_shared>>)
        %lt3A_136 = arith.cmpi slt, %add3A_129, %min3A_27 : i32
        %convert_element_type3A_137 = arith.extui %lt3A_136 : i1 to i32
        %cond3A_138 = arith.constant 0 : i32
        %cond3A_139 = arith.cmpi ne, %convert_element_type3A_137, %cond3A_138 : i32
        scf.if %cond3A_139 {
          %mul3A_140 = arith.constant 120 : i32
          %mul3A_141 = arith.muli %add3A_129, %mul3A_140 : i32
          %add3A_142 = arith.addi %mul3A_4, %mul3A_141 : i32
          %dma_start3A = tpu.memref_slice %arg3[%add3A_142] : memref<330240xi32, #tpu.memory_space<hbm>> -> memref<120xi32, #tpu.memory_space<hbm>>
          %dma_start3A_143 = tpu.memref_slice %arg3[%add3A_142] : memref<330240xi32, #tpu.memory_space<hbm>> -> memref<120xi32, #tpu.memory_space<hbm>>
          tpu.enqueue_dma source(%dma_start3A_143 : memref<120xi32, #tpu.memory_space<hbm>>) target(%arg8 : memref<120xi32, #tpu.memory_space<vmem>>) target_semaphore(%arg14 : memref<!tpu.dma_semaphore, #tpu.memory_space<semaphore_mem>>)
          %mul3A_144 = arith.constant 120 : i32
          %mul3A_145 = arith.muli %add3A_129, %mul3A_144 : i32
          %add3A_146 = arith.addi %mul3A_4, %mul3A_145 : i32
          %dma_start3A_147 = tpu.memref_slice %arg4[%add3A_146] : memref<330240xi32, #tpu.memory_space<hbm>> -> memref<120xi32, #tpu.memory_space<hbm>>
          %dma_start3A_148 = tpu.memref_slice %arg4[%add3A_146] : memref<330240xi32, #tpu.memory_space<hbm>> -> memref<120xi32, #tpu.memory_space<hbm>>
          tpu.enqueue_dma source(%dma_start3A_148 : memref<120xi32, #tpu.memory_space<hbm>>) target(%arg10 : memref<120xi32, #tpu.memory_space<vmem>>) target_semaphore(%arg14 : memref<!tpu.dma_semaphore, #tpu.memory_space<semaphore_mem>>)
        } else {
        }
      } else {
      }
    }
    %while3A_73 = arith.constant 1 : i32
    scf.for %while3A_82 = %while3A_71 to %while3A_67 step %while3A_73  : i32 {
      %mul3A_83 = arith.constant 2 : i32
      %mul3A_84 = arith.muli %while3A_82, %mul3A_83 : i32
      %add3A_85 = arith.constant 0 : i32
      %add3A_86 = arith.addi %mul3A_84, %add3A_85 : i32
      %lt3A = arith.cmpi slt, %add3A_86, %min3A_27 : i32
      %convert_element_type3A_87 = arith.extui %lt3A : i1 to i32
      %cond3A_88 = arith.constant 0 : i32
      %cond3A_89 = arith.cmpi ne, %convert_element_type3A_87, %cond3A_88 : i32
      scf.if %cond3A_89 {
        %mul3A_134 = arith.constant 120 : i32
        %mul3A_135 = arith.muli %add3A_86, %mul3A_134 : i32
        %add3A_136 = arith.addi %mul3A_4, %mul3A_135 : i32
        %dma_wait3A = tpu.memref_slice %arg3[%add3A_136] : memref<330240xi32, #tpu.memory_space<hbm>> -> memref<120xi32, #tpu.memory_space<hbm>>
        %dma_wait3A_137 = tpu.memref_slice %arg3[%add3A_136] : memref<330240xi32, #tpu.memory_space<hbm>> -> memref<120xi32, #tpu.memory_space<hbm>>
        tpu.wait_dma2 semaphore(%arg13 : memref<!tpu.dma_semaphore, #tpu.memory_space<semaphore_mem>>) src(%dma_wait3A_137 : memref<120xi32, #tpu.memory_space<hbm>>) dst(%arg7 : memref<120xi32, #tpu.memory_space<vmem>>)
        %mul3A_138 = arith.constant 120 : i32
        %mul3A_139 = arith.muli %add3A_86, %mul3A_138 : i32
        %add3A_140 = arith.addi %mul3A_4, %mul3A_139 : i32
        %dma_wait3A_141 = tpu.memref_slice %arg4[%add3A_140] : memref<330240xi32, #tpu.memory_space<hbm>> -> memref<120xi32, #tpu.memory_space<hbm>>
        %dma_wait3A_142 = tpu.memref_slice %arg4[%add3A_140] : memref<330240xi32, #tpu.memory_space<hbm>> -> memref<120xi32, #tpu.memory_space<hbm>>
        tpu.wait_dma2 semaphore(%arg13 : memref<!tpu.dma_semaphore, #tpu.memory_space<semaphore_mem>>) src(%dma_wait3A_142 : memref<120xi32, #tpu.memory_space<hbm>>) dst(%arg9 : memref<120xi32, #tpu.memory_space<vmem>>)
        %dma_start3A = arith.constant 0 : i32
        %dma_start3A_143 = arith.constant 0 : i32
        %dma_start3A_144 = tpu.memref_slice %arg2[%dma_start3A, %dma_start3A_143] : memref<10240x128xf32, #tpu.memory_space<hbm>> -> memref<10240x128xf32, #tpu.memory_space<hbm>>
        tpu.enqueue_indirect_dma source(%dma_start3A_144 : memref<10240x128xf32, #tpu.memory_space<hbm>>) target(%arg11 : memref<120x128xf32, #tpu.memory_space<vmem>>) offsets(%arg7 : memref<120xi32, #tpu.memory_space<vmem>>) semaphore(%arg15 : memref<!tpu.dma_semaphore, #tpu.memory_space<semaphore_mem>>)
      } else {
      }
      %mul3A_90 = arith.constant 2 : i32
      %mul3A_91 = arith.muli %while3A_82, %mul3A_90 : i32
      %add3A_92 = arith.constant 1 : i32
      %add3A_93 = arith.addi %mul3A_91, %add3A_92 : i32
      %lt3A_94 = arith.cmpi slt, %add3A_93, %min3A_27 : i32
      %convert_element_type3A_95 = arith.extui %lt3A_94 : i1 to i32
      %cond3A_96 = arith.constant 0 : i32
      %cond3A_97 = arith.cmpi ne, %convert_element_type3A_95, %cond3A_96 : i32
      scf.if %cond3A_97 {
        %mul3A_134 = arith.constant 120 : i32
        %mul3A_135 = arith.muli %add3A_93, %mul3A_134 : i32
        %add3A_136 = arith.addi %mul3A_4, %mul3A_135 : i32
        %dma_wait3A = tpu.memref_slice %arg3[%add3A_136] : memref<330240xi32, #tpu.memory_space<hbm>> -> memref<120xi32, #tpu.memory_space<hbm>>
        %dma_wait3A_137 = tpu.memref_slice %arg3[%add3A_136] : memref<330240xi32, #tpu.memory_space<hbm>> -> memref<120xi32, #tpu.memory_space<hbm>>
        tpu.wait_dma2 semaphore(%arg14 : memref<!tpu.dma_semaphore, #tpu.memory_space<semaphore_mem>>) src(%dma_wait3A_137 : memref<120xi32, #tpu.memory_space<hbm>>) dst(%arg8 : memref<120xi32, #tpu.memory_space<vmem>>)
        %mul3A_138 = arith.constant 120 : i32
        %mul3A_139 = arith.muli %add3A_93, %mul3A_138 : i32
        %add3A_140 = arith.addi %mul3A_4, %mul3A_139 : i32
        %dma_wait3A_141 = tpu.memref_slice %arg4[%add3A_140] : memref<330240xi32, #tpu.memory_space<hbm>> -> memref<120xi32, #tpu.memory_space<hbm>>
        %dma_wait3A_142 = tpu.memref_slice %arg4[%add3A_140] : memref<330240xi32, #tpu.memory_space<hbm>> -> memref<120xi32, #tpu.memory_space<hbm>>
        tpu.wait_dma2 semaphore(%arg14 : memref<!tpu.dma_semaphore, #tpu.memory_space<semaphore_mem>>) src(%dma_wait3A_142 : memref<120xi32, #tpu.memory_space<hbm>>) dst(%arg10 : memref<120xi32, #tpu.memory_space<vmem>>)
        %dma_start3A = arith.constant 0 : i32
        %dma_start3A_143 = arith.constant 0 : i32
        %dma_start3A_144 = tpu.memref_slice %arg2[%dma_start3A, %dma_start3A_143] : memref<10240x128xf32, #tpu.memory_space<hbm>> -> memref<10240x128xf32, #tpu.memory_space<hbm>>
        tpu.enqueue_indirect_dma source(%dma_start3A_144 : memref<10240x128xf32, #tpu.memory_space<hbm>>) target(%arg12 : memref<120x128xf32, #tpu.memory_space<vmem>>) offsets(%arg8 : memref<120xi32, #tpu.memory_space<vmem>>) semaphore(%arg16 : memref<!tpu.dma_semaphore, #tpu.memory_space<semaphore_mem>>)
      } else {
      }
      %mul3A_98 = arith.constant 2 : i32
      %mul3A_99 = arith.muli %while3A_82, %mul3A_98 : i32
      %add3A_100 = arith.constant 0 : i32
      %add3A_101 = arith.addi %mul3A_99, %add3A_100 : i32
      %lt3A_102 = arith.cmpi slt, %add3A_101, %min3A_27 : i32
      %convert_element_type3A_103 = arith.extui %lt3A_102 : i1 to i32
      %cond3A_104 = arith.constant 0 : i32
      %cond3A_105 = arith.cmpi ne, %convert_element_type3A_103, %cond3A_104 : i32
      scf.if %cond3A_105 {
        %dma_wait3A = arith.constant 0 : i32
        %dma_wait3A_134 = arith.constant 0 : i32
        %dma_wait3A_135 = tpu.memref_slice %arg2[%dma_wait3A, %dma_wait3A_134] : memref<10240x128xf32, #tpu.memory_space<hbm>> -> memref<10240x128xf32, #tpu.memory_space<hbm>>
        tpu.wait_indirect_dma semaphore(%arg15 : memref<!tpu.dma_semaphore, #tpu.memory_space<semaphore_mem>>) src(%dma_wait3A_135 : memref<10240x128xf32, #tpu.memory_space<hbm>>) dst(%arg11 : memref<120x128xf32, #tpu.memory_space<vmem>>)
        %dma_start3A = arith.constant 0 : i32
        %dma_start3A_136 = arith.constant 0 : i32
        %dma_start3A_137 = tpu.memref_slice %arg19[%dma_start3A, %dma_start3A_136] : memref<10240x128xf32, #tpu.memory_space<vmem_shared>> -> memref<10240x128xf32, #tpu.memory_space<vmem_shared>>
        tpu.enqueue_indirect_dma source(%arg11 : memref<120x128xf32, #tpu.memory_space<vmem>>) target(%dma_start3A_137 : memref<10240x128xf32, #tpu.memory_space<vmem_shared>>) offsets(%arg9 : memref<120xi32, #tpu.memory_space<vmem>>) semaphore(%arg17 : memref<!tpu.dma_semaphore, #tpu.memory_space<semaphore_mem>>) {add = true}
      } else {
      }
      %mul3A_106 = arith.constant 2 : i32
      %mul3A_107 = arith.muli %while3A_82, %mul3A_106 : i32
      %add3A_108 = arith.constant 1 : i32
      %add3A_109 = arith.addi %mul3A_107, %add3A_108 : i32
      %lt3A_110 = arith.cmpi slt, %add3A_109, %min3A_27 : i32
      %convert_element_type3A_111 = arith.extui %lt3A_110 : i1 to i32
      %cond3A_112 = arith.constant 0 : i32
      %cond3A_113 = arith.cmpi ne, %convert_element_type3A_111, %cond3A_112 : i32
      scf.if %cond3A_113 {
        %dma_wait3A = arith.constant 0 : i32
        %dma_wait3A_134 = arith.constant 0 : i32
        %dma_wait3A_135 = tpu.memref_slice %arg2[%dma_wait3A, %dma_wait3A_134] : memref<10240x128xf32, #tpu.memory_space<hbm>> -> memref<10240x128xf32, #tpu.memory_space<hbm>>
        tpu.wait_indirect_dma semaphore(%arg16 : memref<!tpu.dma_semaphore, #tpu.memory_space<semaphore_mem>>) src(%dma_wait3A_135 : memref<10240x128xf32, #tpu.memory_space<hbm>>) dst(%arg12 : memref<120x128xf32, #tpu.memory_space<vmem>>)
        %dma_start3A = arith.constant 0 : i32
        %dma_start3A_136 = arith.constant 0 : i32
        %dma_start3A_137 = tpu.memref_slice %arg19[%dma_start3A, %dma_start3A_136] : memref<10240x128xf32, #tpu.memory_space<vmem_shared>> -> memref<10240x128xf32, #tpu.memory_space<vmem_shared>>
        tpu.enqueue_indirect_dma source(%arg12 : memref<120x128xf32, #tpu.memory_space<vmem>>) target(%dma_start3A_137 : memref<10240x128xf32, #tpu.memory_space<vmem_shared>>) offsets(%arg10 : memref<120xi32, #tpu.memory_space<vmem>>) semaphore(%arg18 : memref<!tpu.dma_semaphore, #tpu.memory_space<semaphore_mem>>) {add = true}
      } else {
      }
      %mul3A_114 = arith.constant 2 : i32
      %mul3A_115 = arith.muli %while3A_82, %mul3A_114 : i32
      %add3A_116 = arith.constant 0 : i32
      %add3A_117 = arith.addi %mul3A_115, %add3A_116 : i32
      %add3A_118 = arith.constant 2 : i32
      %add3A_119 = arith.addi %add3A_117, %add3A_118 : i32
      %lt3A_120 = arith.cmpi slt, %add3A_117, %min3A_27 : i32
      %convert_element_type3A_121 = arith.extui %lt3A_120 : i1 to i32
      %cond3A_122 = arith.constant 0 : i32
      %cond3A_123 = arith.cmpi ne, %convert_element_type3A_121, %cond3A_122 : i32
      scf.if %cond3A_123 {
        %dma_wait3A = arith.constant 0 : i32
        %dma_wait3A_134 = arith.constant 0 : i32
        %dma_wait3A_135 = tpu.memref_slice %arg19[%dma_wait3A, %dma_wait3A_134] : memref<10240x128xf32, #tpu.memory_space<vmem_shared>> -> memref<10240x128xf32, #tpu.memory_space<vmem_shared>>
        tpu.wait_indirect_dma semaphore(%arg17 : memref<!tpu.dma_semaphore, #tpu.memory_space<semaphore_mem>>) src(%arg11 : memref<120x128xf32, #tpu.memory_space<vmem>>) dst(%dma_wait3A_135 : memref<10240x128xf32, #tpu.memory_space<vmem_shared>>)
        %lt3A_136 = arith.cmpi slt, %add3A_119, %min3A_27 : i32
        %convert_element_type3A_137 = arith.extui %lt3A_136 : i1 to i32
        %cond3A_138 = arith.constant 0 : i32
        %cond3A_139 = arith.cmpi ne, %convert_element_type3A_137, %cond3A_138 : i32
        scf.if %cond3A_139 {
          %mul3A_140 = arith.constant 120 : i32
          %mul3A_141 = arith.muli %add3A_119, %mul3A_140 : i32
          %add3A_142 = arith.addi %mul3A_4, %mul3A_141 : i32
          %dma_start3A = tpu.memref_slice %arg3[%add3A_142] : memref<330240xi32, #tpu.memory_space<hbm>> -> memref<120xi32, #tpu.memory_space<hbm>>
          %dma_start3A_143 = tpu.memref_slice %arg3[%add3A_142] : memref<330240xi32, #tpu.memory_space<hbm>> -> memref<120xi32, #tpu.memory_space<hbm>>
          tpu.enqueue_dma source(%dma_start3A_143 : memref<120xi32, #tpu.memory_space<hbm>>) target(%arg7 : memref<120xi32, #tpu.memory_space<vmem>>) target_semaphore(%arg13 : memref<!tpu.dma_semaphore, #tpu.memory_space<semaphore_mem>>)
          %mul3A_144 = arith.constant 120 : i32
          %mul3A_145 = arith.muli %add3A_119, %mul3A_144 : i32
          %add3A_146 = arith.addi %mul3A_4, %mul3A_145 : i32
          %dma_start3A_147 = tpu.memref_slice %arg4[%add3A_146] : memref<330240xi32, #tpu.memory_space<hbm>> -> memref<120xi32, #tpu.memory_space<hbm>>
          %dma_start3A_148 = tpu.memref_slice %arg4[%add3A_146] : memref<330240xi32, #tpu.memory_space<hbm>> -> memref<120xi32, #tpu.memory_space<hbm>>
          tpu.enqueue_dma source(%dma_start3A_148 : memref<120xi32, #tpu.memory_space<hbm>>) target(%arg9 : memref<120xi32, #tpu.memory_space<vmem>>) target_semaphore(%arg13 : memref<!tpu.dma_semaphore, #tpu.memory_space<semaphore_mem>>)
        } else {
        }
      } else {
      }
      %mul3A_124 = arith.constant 2 : i32
      %mul3A_125 = arith.muli %while3A_82, %mul3A_124 : i32
      %add3A_126 = arith.constant 1 : i32
      %add3A_127 = arith.addi %mul3A_125, %add3A_126 : i32
      %add3A_128 = arith.constant 2 : i32
      %add3A_129 = arith.addi %add3A_127, %add3A_128 : i32
      %lt3A_130 = arith.cmpi slt, %add3A_127, %min3A_27 : i32
      %convert_element_type3A_131 = arith.extui %lt3A_130 : i1 to i32
      %cond3A_132 = arith.constant 0 : i32
      %cond3A_133 = arith.cmpi ne, %convert_element_type3A_131, %cond3A_132 : i32
      scf.if %cond3A_133 {
        %dma_wait3A = arith.constant 0 : i32
        %dma_wait3A_134 = arith.constant 0 : i32
        %dma_wait3A_135 = tpu.memref_slice %arg19[%dma_wait3A, %dma_wait3A_134] : memref<10240x128xf32, #tpu.memory_space<vmem_shared>> -> memref<10240x128xf32, #tpu.memory_space<vmem_shared>>
        tpu.wait_indirect_dma semaphore(%arg18 : memref<!tpu.dma_semaphore, #tpu.memory_space<semaphore_mem>>) src(%arg12 : memref<120x128xf32, #tpu.memory_space<vmem>>) dst(%dma_wait3A_135 : memref<10240x128xf32, #tpu.memory_space<vmem_shared>>)
        %lt3A_136 = arith.cmpi slt, %add3A_129, %min3A_27 : i32
        %convert_element_type3A_137 = arith.extui %lt3A_136 : i1 to i32
        %cond3A_138 = arith.constant 0 : i32
        %cond3A_139 = arith.cmpi ne, %convert_element_type3A_137, %cond3A_138 : i32
        scf.if %cond3A_139 {
          %mul3A_140 = arith.constant 120 : i32
          %mul3A_141 = arith.muli %add3A_129, %mul3A_140 : i32
          %add3A_142 = arith.addi %mul3A_4, %mul3A_141 : i32
          %dma_start3A = tpu.memref_slice %arg3[%add3A_142] : memref<330240xi32, #tpu.memory_space<hbm>> -> memref<120xi32, #tpu.memory_space<hbm>>
          %dma_start3A_143 = tpu.memref_slice %arg3[%add3A_142] : memref<330240xi32, #tpu.memory_space<hbm>> -> memref<120xi32, #tpu.memory_space<hbm>>
          tpu.enqueue_dma source(%dma_start3A_143 : memref<120xi32, #tpu.memory_space<hbm>>) target(%arg8 : memref<120xi32, #tpu.memory_space<vmem>>) target_semaphore(%arg14 : memref<!tpu.dma_semaphore, #tpu.memory_space<semaphore_mem>>)
          %mul3A_144 = arith.constant 120 : i32
          %mul3A_145 = arith.muli %add3A_129, %mul3A_144 : i32
          %add3A_146 = arith.addi %mul3A_4, %mul3A_145 : i32
          %dma_start3A_147 = tpu.memref_slice %arg4[%add3A_146] : memref<330240xi32, #tpu.memory_space<hbm>> -> memref<120xi32, #tpu.memory_space<hbm>>
          %dma_start3A_148 = tpu.memref_slice %arg4[%add3A_146] : memref<330240xi32, #tpu.memory_space<hbm>> -> memref<120xi32, #tpu.memory_space<hbm>>
          tpu.enqueue_dma source(%dma_start3A_148 : memref<120xi32, #tpu.memory_space<hbm>>) target(%arg10 : memref<120xi32, #tpu.memory_space<vmem>>) target_semaphore(%arg14 : memref<!tpu.dma_semaphore, #tpu.memory_space<semaphore_mem>>)
        } else {
        }
      } else {
      }
    }
    %barrier3A_74 = arith.constant 0 : index
    tpu.barrier barrier_id(%barrier3A_74)
    %mul3A_75 = arith.constant 640 : i32
    %mul3A_76 = arith.muli %arg1, %mul3A_75 : i32
    %mul3A_77 = arith.constant 10240 : i32
    %mul3A_78 = arith.muli %arg0, %mul3A_77 : i32
    %mul3A_79 = arith.constant 640 : i32
    %mul3A_80 = arith.muli %arg1, %mul3A_79 : i32
    %add3A_81 = arith.addi %mul3A_78, %mul3A_80 : i32
    "tpu.region"() ({
      %run_scoped3A = tpu.sem_alloc : memref<!tpu.dma_semaphore, #tpu.memory_space<semaphore_mem>>
      %dma_start3A = arith.constant 0 : i32
      %dma_start3A_82 = tpu.memref_slice %arg6[%add3A_81, %dma_start3A] : memref<20480x128xf32, #tpu.memory_space<hbm>> -> memref<640x128xf32, #tpu.memory_space<hbm>>
      %dma_start3A_83 = arith.constant 0 : i32
      %dma_start3A_84 = tpu.memref_slice %arg19[%mul3A_76, %dma_start3A_83] : memref<10240x128xf32, #tpu.memory_space<vmem_shared>> -> memref<640x128xf32, #tpu.memory_space<vmem_shared>>
      tpu.enqueue_dma source(%dma_start3A_84 : memref<640x128xf32, #tpu.memory_space<vmem_shared>>) target(%dma_start3A_82 : memref<640x128xf32, #tpu.memory_space<hbm>>) target_semaphore(%run_scoped3A : memref<!tpu.dma_semaphore, #tpu.memory_space<semaphore_mem>>)
      %dma_wait3A = arith.constant 0 : i32
      %dma_wait3A_85 = tpu.memref_slice %arg6[%add3A_81, %dma_wait3A] : memref<20480x128xf32, #tpu.memory_space<hbm>> -> memref<640x128xf32, #tpu.memory_space<hbm>>
      %dma_wait3A_86 = arith.constant 0 : i32
      %dma_wait3A_87 = tpu.memref_slice %arg19[%mul3A_76, %dma_wait3A_86] : memref<10240x128xf32, #tpu.memory_space<vmem_shared>> -> memref<640x128xf32, #tpu.memory_space<vmem_shared>>
      tpu.wait_dma2 semaphore(%run_scoped3A : memref<!tpu.dma_semaphore, #tpu.memory_space<semaphore_mem>>) src(%dma_wait3A_87 : memref<640x128xf32, #tpu.memory_space<vmem_shared>>) dst(%dma_wait3A_85 : memref<640x128xf32, #tpu.memory_space<hbm>>)
      tpu.yield
    }) : () -> ()
    return
  }
}

#map = affine_map<(d0, d1) -> (0)>
#map1 = affine_map<(d0, d1) -> (0, 0)>
module attributes {stable_mosaic.version = 14 : i64} {
  func.func @_sc_passz_body(%arg0: i32, %arg1: i32, %arg2: memref<10567680xf32, #tpu.memory_space<hbm>>, %arg3: memref<330240xi32, #tpu.memory_space<hbm>>, %arg4: memref<640x128xf32, #tpu.memory_space<hbm>>, %arg5: memref<20480x128xf32, #tpu.memory_space<hbm>>, %arg6: memref<64xi32, #tpu.memory_space<vmem>>, %arg7: memref<64xi32, #tpu.memory_space<vmem>>, %arg8: memref<64xi32, #tpu.memory_space<vmem>>, %arg9: memref<2048xf32, #tpu.memory_space<vmem>>, %arg10: memref<2048xf32, #tpu.memory_space<vmem>>, %arg11: memref<2048xf32, #tpu.memory_space<vmem>>, %arg12: memref<64x128xf32, #tpu.memory_space<vmem>>, %arg13: memref<64x128xf32, #tpu.memory_space<vmem>>, %arg14: memref<64x128xf32, #tpu.memory_space<vmem>>, %arg15: memref<!tpu.dma_semaphore, #tpu.memory_space<semaphore_mem>>, %arg16: memref<!tpu.dma_semaphore, #tpu.memory_space<semaphore_mem>>, %arg17: memref<!tpu.dma_semaphore, #tpu.memory_space<semaphore_mem>>, %arg18: memref<!tpu.dma_semaphore, #tpu.memory_space<semaphore_mem>>, %arg19: memref<!tpu.dma_semaphore, #tpu.memory_space<semaphore_mem>>, %arg20: memref<!tpu.dma_semaphore, #tpu.memory_space<semaphore_mem>>, %arg21: memref<10240x128xf32, #tpu.memory_space<vmem_shared>>) attributes {dimension_semantics = [#tpu.dimension_semantics<core_parallel>, #tpu.dimension_semantics<subcore_parallel>], iteration_bounds = array<i64: 2, 16>, scalar_prefetch = 0 : i64, scratch_operands = 16 : i64, tpu.core_type = #tpu.core_type<sc_vector_subcore>, window_params = [{transform_indices = #map}, {transform_indices = #map}, {transform_indices = #map1}, {transform_indices = #map1}]} {
    %mul3A = arith.constant 2 : i32
    %mul3A_0 = arith.muli %arg1, %mul3A : i32
    %add3A = arith.addi %mul3A_0, %arg0 : i32
    %mul3A_1 = arith.constant 160 : i32
    %mul3A_2 = arith.muli %add3A, %mul3A_1 : i32
    %mul3A_3 = arith.constant 64 : i32
    %mul3A_4 = arith.muli %mul3A_2, %mul3A_3 : i32
    %sub3A = arith.constant 320000 : i32
    %sub3A_5 = arith.subi %sub3A, %mul3A_4 : i32
    %add3A_6 = arith.constant 64 : i32
    %add3A_7 = arith.addi %sub3A_5, %add3A_6 : i32
    %sub3A_8 = arith.constant 1 : i32
    %sub3A_9 = arith.subi %add3A_7, %sub3A_8 : i32
    %jit3A = arith.constant 64 : i32
    %div3A = arith.divsi %sub3A_9, %jit3A : i32
    %sign3A = arith.constant 0 : i32
    %sign3A_10 = arith.cmpi sgt, %sub3A_9, %sign3A : i32
    %sign3A_11 = arith.extui %sign3A_10 : i1 to i32
    %sign3A_12 = arith.constant 0 : i32
    %sign3A_13 = arith.cmpi slt, %sub3A_9, %sign3A_12 : i32
    %sign3A_14 = arith.extui %sign3A_13 : i1 to i32
    %sign3A_15 = arith.subi %sign3A_11, %sign3A_14 : i32
    %sign3A_16 = arith.constant 0 : i32
    %sign3A_17 = arith.cmpi sgt, %jit3A, %sign3A_16 : i32
    %sign3A_18 = arith.extui %sign3A_17 : i1 to i32
    %sign3A_19 = arith.constant 0 : i32
    %sign3A_20 = arith.cmpi slt, %jit3A, %sign3A_19 : i32
    %sign3A_21 = arith.extui %sign3A_20 : i1 to i32
    %sign3A_22 = arith.subi %sign3A_18, %sign3A_21 : i32
    %ne3A = arith.cmpi ne, %sign3A_15, %sign3A_22 : i32
    %rem3A = arith.remsi %sub3A_9, %jit3A : i32
    %ne3A_23 = arith.constant 0 : i32
    %ne3A_24 = arith.cmpi ne, %rem3A, %ne3A_23 : i32
    %and3A = arith.andi %ne3A, %ne3A_24 : i1
    %sub3A_25 = arith.constant 1 : i32
    %sub3A_26 = arith.subi %div3A, %sub3A_25 : i32
    %select_n3A = arith.select %and3A, %sub3A_26, %div3A : i32
    %min3A = arith.constant 160 : i32
    %min3A_27 = arith.minsi %min3A, %select_n3A : i32
    %add3A_28 = arith.constant 3 : i32
    %add3A_29 = arith.addi %min3A_27, %add3A_28 : i32
    %sub3A_30 = arith.constant 1 : i32
    %sub3A_31 = arith.subi %add3A_29, %sub3A_30 : i32
    %jit3A_32 = arith.constant 3 : i32
    %div3A_33 = arith.divsi %sub3A_31, %jit3A_32 : i32
    %sign3A_34 = arith.constant 0 : i32
    %sign3A_35 = arith.cmpi sgt, %sub3A_31, %sign3A_34 : i32
    %sign3A_36 = arith.extui %sign3A_35 : i1 to i32
    %sign3A_37 = arith.constant 0 : i32
    %sign3A_38 = arith.cmpi slt, %sub3A_31, %sign3A_37 : i32
    %sign3A_39 = arith.extui %sign3A_38 : i1 to i32
    %sign3A_40 = arith.subi %sign3A_36, %sign3A_39 : i32
    %sign3A_41 = arith.constant 0 : i32
    %sign3A_42 = arith.cmpi sgt, %jit3A_32, %sign3A_41 : i32
    %sign3A_43 = arith.extui %sign3A_42 : i1 to i32
    %sign3A_44 = arith.constant 0 : i32
    %sign3A_45 = arith.cmpi slt, %jit3A_32, %sign3A_44 : i32
    %sign3A_46 = arith.extui %sign3A_45 : i1 to i32
    %sign3A_47 = arith.subi %sign3A_43, %sign3A_46 : i32
    %ne3A_48 = arith.cmpi ne, %sign3A_40, %sign3A_47 : i32
    %rem3A_49 = arith.remsi %sub3A_31, %jit3A_32 : i32
    %ne3A_50 = arith.constant 0 : i32
    %ne3A_51 = arith.cmpi ne, %rem3A_49, %ne3A_50 : i32
    %and3A_52 = arith.andi %ne3A_48, %ne3A_51 : i1
    %sub3A_53 = arith.constant 1 : i32
    %sub3A_54 = arith.subi %div3A_33, %sub3A_53 : i32
    %select_n3A_55 = arith.select %and3A_52, %sub3A_54, %div3A_33 : i32
    %mul3A_56 = arith.constant 640 : i32
    %mul3A_57 = arith.muli %arg1, %mul3A_56 : i32
    "tpu.region"() ({
      %run_scoped3A = tpu.sem_alloc : memref<!tpu.dma_semaphore, #tpu.memory_space<semaphore_mem>>
      %dma_start3A = arith.constant 0 : i32
      %dma_start3A_87 = tpu.memref_slice %arg21[%mul3A_57, %dma_start3A] : memref<10240x128xf32, #tpu.memory_space<vmem_shared>> -> memref<640x128xf32, #tpu.memory_space<vmem_shared>>
      tpu.enqueue_dma source(%arg4 : memref<640x128xf32, #tpu.memory_space<hbm>>) target(%dma_start3A_87 : memref<640x128xf32, #tpu.memory_space<vmem_shared>>) target_semaphore(%run_scoped3A : memref<!tpu.dma_semaphore, #tpu.memory_space<semaphore_mem>>)
      %dma_wait3A = arith.constant 0 : i32
      %dma_wait3A_88 = tpu.memref_slice %arg21[%mul3A_57, %dma_wait3A] : memref<10240x128xf32, #tpu.memory_space<vmem_shared>> -> memref<640x128xf32, #tpu.memory_space<vmem_shared>>
      tpu.wait_dma2 semaphore(%run_scoped3A : memref<!tpu.dma_semaphore, #tpu.memory_space<semaphore_mem>>) src(%arg4 : memref<640x128xf32, #tpu.memory_space<hbm>>) dst(%dma_wait3A_88 : memref<640x128xf32, #tpu.memory_space<vmem_shared>>)
      tpu.yield
    }) : () -> ()
    "tpu.region"() ({
      %run_scoped3A = tpu.sem_alloc : memref<!tpu.dma_semaphore, #tpu.memory_space<semaphore_mem>>
      %dma_start3A = arith.constant 0 : i32
      %dma_start3A_87 = arith.constant 0 : i32
      %dma_start3A_88 = tpu.memref_slice %arg4[%dma_start3A, %dma_start3A_87] : memref<640x128xf32, #tpu.memory_space<hbm>> -> memref<64x128xf32, #tpu.memory_space<hbm>>
      %dma_start3A_89 = arith.constant 0 : i32
      %dma_start3A_90 = arith.constant 0 : i32
      %dma_start3A_91 = tpu.memref_slice %arg4[%dma_start3A_89, %dma_start3A_90] : memref<640x128xf32, #tpu.memory_space<hbm>> -> memref<64x128xf32, #tpu.memory_space<hbm>>
      tpu.enqueue_dma source(%dma_start3A_91 : memref<64x128xf32, #tpu.memory_space<hbm>>) target(%arg12 : memref<64x128xf32, #tpu.memory_space<vmem>>) target_semaphore(%run_scoped3A : memref<!tpu.dma_semaphore, #tpu.memory_space<semaphore_mem>>)
      %dma_wait3A = arith.constant 0 : i32
      %dma_wait3A_92 = arith.constant 0 : i32
      %dma_wait3A_93 = tpu.memref_slice %arg4[%dma_wait3A, %dma_wait3A_92] : memref<640x128xf32, #tpu.memory_space<hbm>> -> memref<64x128xf32, #tpu.memory_space<hbm>>
      %dma_wait3A_94 = arith.constant 0 : i32
      %dma_wait3A_95 = arith.constant 0 : i32
      %dma_wait3A_96 = tpu.memref_slice %arg4[%dma_wait3A_94, %dma_wait3A_95] : memref<640x128xf32, #tpu.memory_space<hbm>> -> memref<64x128xf32, #tpu.memory_space<hbm>>
      tpu.wait_dma2 semaphore(%run_scoped3A : memref<!tpu.dma_semaphore, #tpu.memory_space<semaphore_mem>>) src(%dma_wait3A_96 : memref<64x128xf32, #tpu.memory_space<hbm>>) dst(%arg12 : memref<64x128xf32, #tpu.memory_space<vmem>>)
      tpu.yield
    }) : () -> ()
    "tpu.region"() ({
      %run_scoped3A = tpu.sem_alloc : memref<!tpu.dma_semaphore, #tpu.memory_space<semaphore_mem>>
      %dma_start3A = arith.constant 0 : i32
      %dma_start3A_87 = arith.constant 0 : i32
      %dma_start3A_88 = tpu.memref_slice %arg4[%dma_start3A, %dma_start3A_87] : memref<640x128xf32, #tpu.memory_space<hbm>> -> memref<64x128xf32, #tpu.memory_space<hbm>>
      %dma_start3A_89 = arith.constant 0 : i32
      %dma_start3A_90 = arith.constant 0 : i32
      %dma_start3A_91 = tpu.memref_slice %arg4[%dma_start3A_89, %dma_start3A_90] : memref<640x128xf32, #tpu.memory_space<hbm>> -> memref<64x128xf32, #tpu.memory_space<hbm>>
      tpu.enqueue_dma source(%dma_start3A_91 : memref<64x128xf32, #tpu.memory_space<hbm>>) target(%arg13 : memref<64x128xf32, #tpu.memory_space<vmem>>) target_semaphore(%run_scoped3A : memref<!tpu.dma_semaphore, #tpu.memory_space<semaphore_mem>>)
      %dma_wait3A = arith.constant 0 : i32
      %dma_wait3A_92 = arith.constant 0 : i32
      %dma_wait3A_93 = tpu.memref_slice %arg4[%dma_wait3A, %dma_wait3A_92] : memref<640x128xf32, #tpu.memory_space<hbm>> -> memref<64x128xf32, #tpu.memory_space<hbm>>
      %dma_wait3A_94 = arith.constant 0 : i32
      %dma_wait3A_95 = arith.constant 0 : i32
      %dma_wait3A_96 = tpu.memref_slice %arg4[%dma_wait3A_94, %dma_wait3A_95] : memref<640x128xf32, #tpu.memory_space<hbm>> -> memref<64x128xf32, #tpu.memory_space<hbm>>
      tpu.wait_dma2 semaphore(%run_scoped3A : memref<!tpu.dma_semaphore, #tpu.memory_space<semaphore_mem>>) src(%dma_wait3A_96 : memref<64x128xf32, #tpu.memory_space<hbm>>) dst(%arg13 : memref<64x128xf32, #tpu.memory_space<vmem>>)
      tpu.yield
    }) : () -> ()
    "tpu.region"() ({
      %run_scoped3A = tpu.sem_alloc : memref<!tpu.dma_semaphore, #tpu.memory_space<semaphore_mem>>
      %dma_start3A = arith.constant 0 : i32
      %dma_start3A_87 = arith.constant 0 : i32
      %dma_start3A_88 = tpu.memref_slice %arg4[%dma_start3A, %dma_start3A_87] : memref<640x128xf32, #tpu.memory_space<hbm>> -> memref<64x128xf32, #tpu.memory_space<hbm>>
      %dma_start3A_89 = arith.constant 0 : i32
      %dma_start3A_90 = arith.constant 0 : i32
      %dma_start3A_91 = tpu.memref_slice %arg4[%dma_start3A_89, %dma_start3A_90] : memref<640x128xf32, #tpu.memory_space<hbm>> -> memref<64x128xf32, #tpu.memory_space<hbm>>
      tpu.enqueue_dma source(%dma_start3A_91 : memref<64x128xf32, #tpu.memory_space<hbm>>) target(%arg14 : memref<64x128xf32, #tpu.memory_space<vmem>>) target_semaphore(%run_scoped3A : memref<!tpu.dma_semaphore, #tpu.memory_space<semaphore_mem>>)
      %dma_wait3A = arith.constant 0 : i32
      %dma_wait3A_92 = arith.constant 0 : i32
      %dma_wait3A_93 = tpu.memref_slice %arg4[%dma_wait3A, %dma_wait3A_92] : memref<640x128xf32, #tpu.memory_space<hbm>> -> memref<64x128xf32, #tpu.memory_space<hbm>>
      %dma_wait3A_94 = arith.constant 0 : i32
      %dma_wait3A_95 = arith.constant 0 : i32
      %dma_wait3A_96 = tpu.memref_slice %arg4[%dma_wait3A_94, %dma_wait3A_95] : memref<640x128xf32, #tpu.memory_space<hbm>> -> memref<64x128xf32, #tpu.memory_space<hbm>>
      tpu.wait_dma2 semaphore(%run_scoped3A : memref<!tpu.dma_semaphore, #tpu.memory_space<semaphore_mem>>) src(%dma_wait3A_96 : memref<64x128xf32, #tpu.memory_space<hbm>>) dst(%arg14 : memref<64x128xf32, #tpu.memory_space<vmem>>)
      tpu.yield
    }) : () -> ()
    %barrier3A = arith.constant 0 : index
    tpu.barrier barrier_id(%barrier3A)
    %gt3A = arith.constant 0 : i32
    %gt3A_58 = arith.cmpi sgt, %min3A_27, %gt3A : i32
    %convert_element_type3A = arith.extui %gt3A_58 : i1 to i32
    %cond3A = arith.constant 0 : i32
    %cond3A_59 = arith.cmpi ne, %convert_element_type3A, %cond3A : i32
    scf.if %cond3A_59 {
      %add3A_87 = arith.constant 0 : i32
      %add3A_88 = arith.addi %mul3A_4, %add3A_87 : i32
      %dma_start3A = tpu.memref_slice %arg3[%add3A_88] : memref<330240xi32, #tpu.memory_space<hbm>> -> memref<64xi32, #tpu.memory_space<hbm>>
      %dma_start3A_89 = tpu.memref_slice %arg3[%add3A_88] : memref<330240xi32, #tpu.memory_space<hbm>> -> memref<64xi32, #tpu.memory_space<hbm>>
      tpu.enqueue_dma source(%dma_start3A_89 : memref<64xi32, #tpu.memory_space<hbm>>) target(%arg6 : memref<64xi32, #tpu.memory_space<vmem>>) target_semaphore(%arg15 : memref<!tpu.dma_semaphore, #tpu.memory_space<semaphore_mem>>)
      %add3A_90 = arith.constant 0 : i32
      %add3A_91 = arith.addi %mul3A_4, %add3A_90 : i32
      %mul3A_92 = arith.constant 32 : i32
      %mul3A_93 = arith.muli %add3A_91, %mul3A_92 : i32
      %dma_start3A_94 = tpu.memref_slice %arg2[%mul3A_93] : memref<10567680xf32, #tpu.memory_space<hbm>> -> memref<2048xf32, #tpu.memory_space<hbm>>
      %dma_start3A_95 = tpu.memref_slice %arg2[%mul3A_93] : memref<10567680xf32, #tpu.memory_space<hbm>> -> memref<2048xf32, #tpu.memory_space<hbm>>
      tpu.enqueue_dma source(%dma_start3A_95 : memref<2048xf32, #tpu.memory_space<hbm>>) target(%arg9 : memref<2048xf32, #tpu.memory_space<vmem>>) target_semaphore(%arg15 : memref<!tpu.dma_semaphore, #tpu.memory_space<semaphore_mem>>)
    } else {
    }
    %gt3A_60 = arith.constant 1 : i32
    %gt3A_61 = arith.cmpi sgt, %min3A_27, %gt3A_60 : i32
    %convert_element_type3A_62 = arith.extui %gt3A_61 : i1 to i32
    %cond3A_63 = arith.constant 0 : i32
    %cond3A_64 = arith.cmpi ne, %convert_element_type3A_62, %cond3A_63 : i32
    scf.if %cond3A_64 {
      %add3A_87 = arith.constant 64 : i32
      %add3A_88 = arith.addi %mul3A_4, %add3A_87 : i32
      %dma_start3A = tpu.memref_slice %arg3[%add3A_88] : memref<330240xi32, #tpu.memory_space<hbm>> -> memref<64xi32, #tpu.memory_space<hbm>>
      %dma_start3A_89 = tpu.memref_slice %arg3[%add3A_88] : memref<330240xi32, #tpu.memory_space<hbm>> -> memref<64xi32, #tpu.memory_space<hbm>>
      tpu.enqueue_dma source(%dma_start3A_89 : memref<64xi32, #tpu.memory_space<hbm>>) target(%arg7 : memref<64xi32, #tpu.memory_space<vmem>>) target_semaphore(%arg16 : memref<!tpu.dma_semaphore, #tpu.memory_space<semaphore_mem>>)
      %add3A_90 = arith.constant 64 : i32
      %add3A_91 = arith.addi %mul3A_4, %add3A_90 : i32
      %mul3A_92 = arith.constant 32 : i32
      %mul3A_93 = arith.muli %add3A_91, %mul3A_92 : i32
      %dma_start3A_94 = tpu.memref_slice %arg2[%mul3A_93] : memref<10567680xf32, #tpu.memory_space<hbm>> -> memref<2048xf32, #tpu.memory_space<hbm>>
      %dma_start3A_95 = tpu.memref_slice %arg2[%mul3A_93] : memref<10567680xf32, #tpu.memory_space<hbm>> -> memref<2048xf32, #tpu.memory_space<hbm>>
      tpu.enqueue_dma source(%dma_start3A_95 : memref<2048xf32, #tpu.memory_space<hbm>>) target(%arg10 : memref<2048xf32, #tpu.memory_space<vmem>>) target_semaphore(%arg16 : memref<!tpu.dma_semaphore, #tpu.memory_space<semaphore_mem>>)
    } else {
    }
    %gt3A_65 = arith.constant 2 : i32
    %gt3A_66 = arith.cmpi sgt, %min3A_27, %gt3A_65 : i32
    %convert_element_type3A_67 = arith.extui %gt3A_66 : i1 to i32
    %cond3A_68 = arith.constant 0 : i32
    %cond3A_69 = arith.cmpi ne, %convert_element_type3A_67, %cond3A_68 : i32
    scf.if %cond3A_69 {
      %add3A_87 = arith.constant 128 : i32
      %add3A_88 = arith.addi %mul3A_4, %add3A_87 : i32
      %dma_start3A = tpu.memref_slice %arg3[%add3A_88] : memref<330240xi32, #tpu.memory_space<hbm>> -> memref<64xi32, #tpu.memory_space<hbm>>
      %dma_start3A_89 = tpu.memref_slice %arg3[%add3A_88] : memref<330240xi32, #tpu.memory_space<hbm>> -> memref<64xi32, #tpu.memory_space<hbm>>
      tpu.enqueue_dma source(%dma_start3A_89 : memref<64xi32, #tpu.memory_space<hbm>>) target(%arg8 : memref<64xi32, #tpu.memory_space<vmem>>) target_semaphore(%arg17 : memref<!tpu.dma_semaphore, #tpu.memory_space<semaphore_mem>>)
      %add3A_90 = arith.constant 128 : i32
      %add3A_91 = arith.addi %mul3A_4, %add3A_90 : i32
      %mul3A_92 = arith.constant 32 : i32
      %mul3A_93 = arith.muli %add3A_91, %mul3A_92 : i32
      %dma_start3A_94 = tpu.memref_slice %arg2[%mul3A_93] : memref<10567680xf32, #tpu.memory_space<hbm>> -> memref<2048xf32, #tpu.memory_space<hbm>>
      %dma_start3A_95 = tpu.memref_slice %arg2[%mul3A_93] : memref<10567680xf32, #tpu.memory_space<hbm>> -> memref<2048xf32, #tpu.memory_space<hbm>>
      tpu.enqueue_dma source(%dma_start3A_95 : memref<2048xf32, #tpu.memory_space<hbm>>) target(%arg11 : memref<2048xf32, #tpu.memory_space<vmem>>) target_semaphore(%arg17 : memref<!tpu.dma_semaphore, #tpu.memory_space<semaphore_mem>>)
    } else {
    }
    %while3A = arith.constant 0 : i32
    %while3A_70 = arith.constant 0 : i32
    %while3A_71 = arith.subi %select_n3A_55, %while3A_70 : i32
    %while3A_72 = arith.addi %while3A_70, %while3A_71 : i32
    %while3A_73 = arith.constant 1 : i32
    %while3A_74 = arith.divsi %while3A_71, %while3A_73 : i32
    %while3A_75 = arith.muli %while3A_74, %while3A_73 : i32
    %while3A_76 = arith.addi %while3A_70, %while3A_75 : i32
    %while3A_77 = arith.constant 1 : i32
    scf.for %while3A_87 = %while3A_70 to %while3A_76 step %while3A_77  : i32 {
      %mul3A_88 = arith.constant 3 : i32
      %mul3A_89 = arith.muli %while3A_87, %mul3A_88 : i32
      %add3A_90 = arith.constant 0 : i32
      %add3A_91 = arith.addi %mul3A_89, %add3A_90 : i32
      %lt3A = arith.cmpi slt, %add3A_91, %min3A_27 : i32
      %convert_element_type3A_92 = arith.extui %lt3A : i1 to i32
      %cond3A_93 = arith.constant 0 : i32
      %cond3A_94 = arith.cmpi ne, %convert_element_type3A_92, %cond3A_93 : i32
      scf.if %cond3A_94 {
        %mul3A_141 = arith.constant 64 : i32
        %mul3A_142 = arith.muli %add3A_91, %mul3A_141 : i32
        %add3A_143 = arith.addi %mul3A_4, %mul3A_142 : i32
        %dma_wait3A = tpu.memref_slice %arg3[%add3A_143] : memref<330240xi32, #tpu.memory_space<hbm>> -> memref<64xi32, #tpu.memory_space<hbm>>
        %dma_wait3A_144 = tpu.memref_slice %arg3[%add3A_143] : memref<330240xi32, #tpu.memory_space<hbm>> -> memref<64xi32, #tpu.memory_space<hbm>>
        tpu.wait_dma2 semaphore(%arg15 : memref<!tpu.dma_semaphore, #tpu.memory_space<semaphore_mem>>) src(%dma_wait3A_144 : memref<64xi32, #tpu.memory_space<hbm>>) dst(%arg6 : memref<64xi32, #tpu.memory_space<vmem>>)
        %mul3A_145 = arith.constant 64 : i32
        %mul3A_146 = arith.muli %add3A_91, %mul3A_145 : i32
        %add3A_147 = arith.addi %mul3A_4, %mul3A_146 : i32
        %mul3A_148 = arith.constant 32 : i32
        %mul3A_149 = arith.muli %add3A_147, %mul3A_148 : i32
        %dma_wait3A_150 = tpu.memref_slice %arg2[%mul3A_149] : memref<10567680xf32, #tpu.memory_space<hbm>> -> memref<2048xf32, #tpu.memory_space<hbm>>
        %dma_wait3A_151 = tpu.memref_slice %arg2[%mul3A_149] : memref<10567680xf32, #tpu.memory_space<hbm>> -> memref<2048xf32, #tpu.memory_space<hbm>>
        tpu.wait_dma2 semaphore(%arg15 : memref<!tpu.dma_semaphore, #tpu.memory_space<semaphore_mem>>) src(%dma_wait3A_151 : memref<2048xf32, #tpu.memory_space<hbm>>) dst(%arg9 : memref<2048xf32, #tpu.memory_space<vmem>>)
        %scan3A = arith.constant 0 : i32
        %scan3A_152 = arith.constant 0 : i32
        %scan3A_153 = arith.constant 64 : i32
        %scan3A_154 = arith.addi %scan3A_152, %scan3A_153 : i32
        %scan3A_155 = arith.constant 1 : i32
        scf.for %scan3A_159 = %scan3A_152 to %scan3A_154 step %scan3A_155  : i32 {
          %mul3A_160 = arith.constant 32 : i32
          %mul3A_161 = arith.muli %scan3A_159, %mul3A_160 : i32
          %get3A = arith.index_cast %mul3A_161 : i32 to index
          %get3A_162 = tpu.vector_load %arg9[%get3A] {strides = array<i32>} : memref<2048xf32, #tpu.memory_space<vmem>>, vector<16xf32>,
          %get3A_163 = vector.shape_cast %get3A_162 : vector<16xf32> to vector<16xf32>
          %swap3A = arith.index_cast %scan3A_159 : i32 to index
          %swap3A_164 = arith.constant 0 : index
          %swap3A_165 = tpu.vector_load %arg12[%swap3A, %swap3A_164] {strides = array<i32>} : memref<64x128xf32, #tpu.memory_space<vmem>>, vector<1x16xf32>,
          %swap3A_166 = vector.shape_cast %swap3A_165 : vector<1x16xf32> to vector<16xf32>
          %swap3A_167 = vector.shape_cast %get3A_163 : vector<16xf32> to vector<1x16xf32>
          tpu.vector_store %arg12[%swap3A, %swap3A_164], %swap3A_167 {strides = array<i32>} : memref<64x128xf32, #tpu.memory_space<vmem>>, vector<1x16xf32>,
          %mul3A_168 = arith.constant 32 : i32
          %mul3A_169 = arith.muli %scan3A_159, %mul3A_168 : i32
          %add3A_170 = arith.constant 16 : i32
          %add3A_171 = arith.addi %mul3A_169, %add3A_170 : i32
          %get3A_172 = arith.index_cast %add3A_171 : i32 to index
          %get3A_173 = tpu.vector_load %arg9[%get3A_172] {strides = array<i32>} : memref<2048xf32, #tpu.memory_space<vmem>>, vector<16xf32>,
          %get3A_174 = vector.shape_cast %get3A_173 : vector<16xf32> to vector<16xf32>
          %swap3A_175 = arith.index_cast %scan3A_159 : i32 to index
          %swap3A_176 = arith.constant 16 : index
          %swap3A_177 = tpu.vector_load %arg12[%swap3A_175, %swap3A_176] {strides = array<i32>} : memref<64x128xf32, #tpu.memory_space<vmem>>, vector<1x16xf32>,
          %swap3A_178 = vector.shape_cast %swap3A_177 : vector<1x16xf32> to vector<16xf32>
          %swap3A_179 = vector.shape_cast %get3A_174 : vector<16xf32> to vector<1x16xf32>
          tpu.vector_store %arg12[%swap3A_175, %swap3A_176], %swap3A_179 {strides = array<i32>} : memref<64x128xf32, #tpu.memory_space<vmem>>, vector<1x16xf32>,
        }
        %scan3A_156 = arith.constant 64 : i32
        %dma_start3A = arith.constant 0 : i32
        %dma_start3A_157 = arith.constant 0 : i32
        %dma_start3A_158 = tpu.memref_slice %arg21[%dma_start3A, %dma_start3A_157] : memref<10240x128xf32, #tpu.memory_space<vmem_shared>> -> memref<10240x128xf32, #tpu.memory_space<vmem_shared>>
        tpu.enqueue_indirect_dma source(%arg12 : memref<64x128xf32, #tpu.memory_space<vmem>>) target(%dma_start3A_158 : memref<10240x128xf32, #tpu.memory_space<vmem_shared>>) offsets(%arg6 : memref<64xi32, #tpu.memory_space<vmem>>) semaphore(%arg18 : memref<!tpu.dma_semaphore, #tpu.memory_space<semaphore_mem>>) {add = true}
      } else {
      }
      %mul3A_95 = arith.constant 3 : i32
      %mul3A_96 = arith.muli %while3A_87, %mul3A_95 : i32
      %add3A_97 = arith.constant 1 : i32
      %add3A_98 = arith.addi %mul3A_96, %add3A_97 : i32
      %lt3A_99 = arith.cmpi slt, %add3A_98, %min3A_27 : i32
      %convert_element_type3A_100 = arith.extui %lt3A_99 : i1 to i32
      %cond3A_101 = arith.constant 0 : i32
      %cond3A_102 = arith.cmpi ne, %convert_element_type3A_100, %cond3A_101 : i32
      scf.if %cond3A_102 {
        %mul3A_141 = arith.constant 64 : i32
        %mul3A_142 = arith.muli %add3A_98, %mul3A_141 : i32
        %add3A_143 = arith.addi %mul3A_4, %mul3A_142 : i32
        %dma_wait3A = tpu.memref_slice %arg3[%add3A_143] : memref<330240xi32, #tpu.memory_space<hbm>> -> memref<64xi32, #tpu.memory_space<hbm>>
        %dma_wait3A_144 = tpu.memref_slice %arg3[%add3A_143] : memref<330240xi32, #tpu.memory_space<hbm>> -> memref<64xi32, #tpu.memory_space<hbm>>
        tpu.wait_dma2 semaphore(%arg16 : memref<!tpu.dma_semaphore, #tpu.memory_space<semaphore_mem>>) src(%dma_wait3A_144 : memref<64xi32, #tpu.memory_space<hbm>>) dst(%arg7 : memref<64xi32, #tpu.memory_space<vmem>>)
        %mul3A_145 = arith.constant 64 : i32
        %mul3A_146 = arith.muli %add3A_98, %mul3A_145 : i32
        %add3A_147 = arith.addi %mul3A_4, %mul3A_146 : i32
        %mul3A_148 = arith.constant 32 : i32
        %mul3A_149 = arith.muli %add3A_147, %mul3A_148 : i32
        %dma_wait3A_150 = tpu.memref_slice %arg2[%mul3A_149] : memref<10567680xf32, #tpu.memory_space<hbm>> -> memref<2048xf32, #tpu.memory_space<hbm>>
        %dma_wait3A_151 = tpu.memref_slice %arg2[%mul3A_149] : memref<10567680xf32, #tpu.memory_space<hbm>> -> memref<2048xf32, #tpu.memory_space<hbm>>
        tpu.wait_dma2 semaphore(%arg16 : memref<!tpu.dma_semaphore, #tpu.memory_space<semaphore_mem>>) src(%dma_wait3A_151 : memref<2048xf32, #tpu.memory_space<hbm>>) dst(%arg10 : memref<2048xf32, #tpu.memory_space<vmem>>)
        %scan3A = arith.constant 0 : i32
        %scan3A_152 = arith.constant 0 : i32
        %scan3A_153 = arith.constant 64 : i32
        %scan3A_154 = arith.addi %scan3A_152, %scan3A_153 : i32
        %scan3A_155 = arith.constant 1 : i32
        scf.for %scan3A_159 = %scan3A_152 to %scan3A_154 step %scan3A_155  : i32 {
          %mul3A_160 = arith.constant 32 : i32
          %mul3A_161 = arith.muli %scan3A_159, %mul3A_160 : i32
          %get3A = arith.index_cast %mul3A_161 : i32 to index
          %get3A_162 = tpu.vector_load %arg10[%get3A] {strides = array<i32>} : memref<2048xf32, #tpu.memory_space<vmem>>, vector<16xf32>,
          %get3A_163 = vector.shape_cast %get3A_162 : vector<16xf32> to vector<16xf32>
          %swap3A = arith.index_cast %scan3A_159 : i32 to index
          %swap3A_164 = arith.constant 0 : index
          %swap3A_165 = tpu.vector_load %arg13[%swap3A, %swap3A_164] {strides = array<i32>} : memref<64x128xf32, #tpu.memory_space<vmem>>, vector<1x16xf32>,
          %swap3A_166 = vector.shape_cast %swap3A_165 : vector<1x16xf32> to vector<16xf32>
          %swap3A_167 = vector.shape_cast %get3A_163 : vector<16xf32> to vector<1x16xf32>
          tpu.vector_store %arg13[%swap3A, %swap3A_164], %swap3A_167 {strides = array<i32>} : memref<64x128xf32, #tpu.memory_space<vmem>>, vector<1x16xf32>,
          %mul3A_168 = arith.constant 32 : i32
          %mul3A_169 = arith.muli %scan3A_159, %mul3A_168 : i32
          %add3A_170 = arith.constant 16 : i32
          %add3A_171 = arith.addi %mul3A_169, %add3A_170 : i32
          %get3A_172 = arith.index_cast %add3A_171 : i32 to index
          %get3A_173 = tpu.vector_load %arg10[%get3A_172] {strides = array<i32>} : memref<2048xf32, #tpu.memory_space<vmem>>, vector<16xf32>,
          %get3A_174 = vector.shape_cast %get3A_173 : vector<16xf32> to vector<16xf32>
          %swap3A_175 = arith.index_cast %scan3A_159 : i32 to index
          %swap3A_176 = arith.constant 16 : index
          %swap3A_177 = tpu.vector_load %arg13[%swap3A_175, %swap3A_176] {strides = array<i32>} : memref<64x128xf32, #tpu.memory_space<vmem>>, vector<1x16xf32>,
          %swap3A_178 = vector.shape_cast %swap3A_177 : vector<1x16xf32> to vector<16xf32>
          %swap3A_179 = vector.shape_cast %get3A_174 : vector<16xf32> to vector<1x16xf32>
          tpu.vector_store %arg13[%swap3A_175, %swap3A_176], %swap3A_179 {strides = array<i32>} : memref<64x128xf32, #tpu.memory_space<vmem>>, vector<1x16xf32>,
        }
        %scan3A_156 = arith.constant 64 : i32
        %dma_start3A = arith.constant 0 : i32
        %dma_start3A_157 = arith.constant 0 : i32
        %dma_start3A_158 = tpu.memref_slice %arg21[%dma_start3A, %dma_start3A_157] : memref<10240x128xf32, #tpu.memory_space<vmem_shared>> -> memref<10240x128xf32, #tpu.memory_space<vmem_shared>>
        tpu.enqueue_indirect_dma source(%arg13 : memref<64x128xf32, #tpu.memory_space<vmem>>) target(%dma_start3A_158 : memref<10240x128xf32, #tpu.memory_space<vmem_shared>>) offsets(%arg7 : memref<64xi32, #tpu.memory_space<vmem>>) semaphore(%arg19 : memref<!tpu.dma_semaphore, #tpu.memory_space<semaphore_mem>>) {add = true}
      } else {
      }
      %mul3A_103 = arith.constant 3 : i32
      %mul3A_104 = arith.muli %while3A_87, %mul3A_103 : i32
      %add3A_105 = arith.constant 2 : i32
      %add3A_106 = arith.addi %mul3A_104, %add3A_105 : i32
      %lt3A_107 = arith.cmpi slt, %add3A_106, %min3A_27 : i32
      %convert_element_type3A_108 = arith.extui %lt3A_107 : i1 to i32
      %cond3A_109 = arith.constant 0 : i32
      %cond3A_110 = arith.cmpi ne, %convert_element_type3A_108, %cond3A_109 : i32
      scf.if %cond3A_110 {
        %mul3A_141 = arith.constant 64 : i32
        %mul3A_142 = arith.muli %add3A_106, %mul3A_141 : i32
        %add3A_143 = arith.addi %mul3A_4, %mul3A_142 : i32
        %dma_wait3A = tpu.memref_slice %arg3[%add3A_143] : memref<330240xi32, #tpu.memory_space<hbm>> -> memref<64xi32, #tpu.memory_space<hbm>>
        %dma_wait3A_144 = tpu.memref_slice %arg3[%add3A_143] : memref<330240xi32, #tpu.memory_space<hbm>> -> memref<64xi32, #tpu.memory_space<hbm>>
        tpu.wait_dma2 semaphore(%arg17 : memref<!tpu.dma_semaphore, #tpu.memory_space<semaphore_mem>>) src(%dma_wait3A_144 : memref<64xi32, #tpu.memory_space<hbm>>) dst(%arg8 : memref<64xi32, #tpu.memory_space<vmem>>)
        %mul3A_145 = arith.constant 64 : i32
        %mul3A_146 = arith.muli %add3A_106, %mul3A_145 : i32
        %add3A_147 = arith.addi %mul3A_4, %mul3A_146 : i32
        %mul3A_148 = arith.constant 32 : i32
        %mul3A_149 = arith.muli %add3A_147, %mul3A_148 : i32
        %dma_wait3A_150 = tpu.memref_slice %arg2[%mul3A_149] : memref<10567680xf32, #tpu.memory_space<hbm>> -> memref<2048xf32, #tpu.memory_space<hbm>>
        %dma_wait3A_151 = tpu.memref_slice %arg2[%mul3A_149] : memref<10567680xf32, #tpu.memory_space<hbm>> -> memref<2048xf32, #tpu.memory_space<hbm>>
        tpu.wait_dma2 semaphore(%arg17 : memref<!tpu.dma_semaphore, #tpu.memory_space<semaphore_mem>>) src(%dma_wait3A_151 : memref<2048xf32, #tpu.memory_space<hbm>>) dst(%arg11 : memref<2048xf32, #tpu.memory_space<vmem>>)
        %scan3A = arith.constant 0 : i32
        %scan3A_152 = arith.constant 0 : i32
        %scan3A_153 = arith.constant 64 : i32
        %scan3A_154 = arith.addi %scan3A_152, %scan3A_153 : i32
        %scan3A_155 = arith.constant 1 : i32
        scf.for %scan3A_159 = %scan3A_152 to %scan3A_154 step %scan3A_155  : i32 {
          %mul3A_160 = arith.constant 32 : i32
          %mul3A_161 = arith.muli %scan3A_159, %mul3A_160 : i32
          %get3A = arith.index_cast %mul3A_161 : i32 to index
          %get3A_162 = tpu.vector_load %arg11[%get3A] {strides = array<i32>} : memref<2048xf32, #tpu.memory_space<vmem>>, vector<16xf32>,
          %get3A_163 = vector.shape_cast %get3A_162 : vector<16xf32> to vector<16xf32>
          %swap3A = arith.index_cast %scan3A_159 : i32 to index
          %swap3A_164 = arith.constant 0 : index
          %swap3A_165 = tpu.vector_load %arg14[%swap3A, %swap3A_164] {strides = array<i32>} : memref<64x128xf32, #tpu.memory_space<vmem>>, vector<1x16xf32>,
          %swap3A_166 = vector.shape_cast %swap3A_165 : vector<1x16xf32> to vector<16xf32>
          %swap3A_167 = vector.shape_cast %get3A_163 : vector<16xf32> to vector<1x16xf32>
          tpu.vector_store %arg14[%swap3A, %swap3A_164], %swap3A_167 {strides = array<i32>} : memref<64x128xf32, #tpu.memory_space<vmem>>, vector<1x16xf32>,
          %mul3A_168 = arith.constant 32 : i32
          %mul3A_169 = arith.muli %scan3A_159, %mul3A_168 : i32
          %add3A_170 = arith.constant 16 : i32
          %add3A_171 = arith.addi %mul3A_169, %add3A_170 : i32
          %get3A_172 = arith.index_cast %add3A_171 : i32 to index
          %get3A_173 = tpu.vector_load %arg11[%get3A_172] {strides = array<i32>} : memref<2048xf32, #tpu.memory_space<vmem>>, vector<16xf32>,
          %get3A_174 = vector.shape_cast %get3A_173 : vector<16xf32> to vector<16xf32>
          %swap3A_175 = arith.index_cast %scan3A_159 : i32 to index
          %swap3A_176 = arith.constant 16 : index
          %swap3A_177 = tpu.vector_load %arg14[%swap3A_175, %swap3A_176] {strides = array<i32>} : memref<64x128xf32, #tpu.memory_space<vmem>>, vector<1x16xf32>,
          %swap3A_178 = vector.shape_cast %swap3A_177 : vector<1x16xf32> to vector<16xf32>
          %swap3A_179 = vector.shape_cast %get3A_174 : vector<16xf32> to vector<1x16xf32>
          tpu.vector_store %arg14[%swap3A_175, %swap3A_176], %swap3A_179 {strides = array<i32>} : memref<64x128xf32, #tpu.memory_space<vmem>>, vector<1x16xf32>,
        }
        %scan3A_156 = arith.constant 64 : i32
        %dma_start3A = arith.constant 0 : i32
        %dma_start3A_157 = arith.constant 0 : i32
        %dma_start3A_158 = tpu.memref_slice %arg21[%dma_start3A, %dma_start3A_157] : memref<10240x128xf32, #tpu.memory_space<vmem_shared>> -> memref<10240x128xf32, #tpu.memory_space<vmem_shared>>
        tpu.enqueue_indirect_dma source(%arg14 : memref<64x128xf32, #tpu.memory_space<vmem>>) target(%dma_start3A_158 : memref<10240x128xf32, #tpu.memory_space<vmem_shared>>) offsets(%arg8 : memref<64xi32, #tpu.memory_space<vmem>>) semaphore(%arg20 : memref<!tpu.dma_semaphore, #tpu.memory_space<semaphore_mem>>) {add = true}
      } else {
      }
      %mul3A_111 = arith.constant 3 : i32
      %mul3A_112 = arith.muli %while3A_87, %mul3A_111 : i32
      %add3A_113 = arith.constant 0 : i32
      %add3A_114 = arith.addi %mul3A_112, %add3A_113 : i32
      %add3A_115 = arith.constant 3 : i32
      %add3A_116 = arith.addi %add3A_114, %add3A_115 : i32
      %lt3A_117 = arith.cmpi slt, %add3A_114, %min3A_27 : i32
      %convert_element_type3A_118 = arith.extui %lt3A_117 : i1 to i32
      %cond3A_119 = arith.constant 0 : i32
      %cond3A_120 = arith.cmpi ne, %convert_element_type3A_118, %cond3A_119 : i32
      scf.if %cond3A_120 {
        %dma_wait3A = arith.constant 0 : i32
        %dma_wait3A_141 = arith.constant 0 : i32
        %dma_wait3A_142 = tpu.memref_slice %arg21[%dma_wait3A, %dma_wait3A_141] : memref<10240x128xf32, #tpu.memory_space<vmem_shared>> -> memref<10240x128xf32, #tpu.memory_space<vmem_shared>>
        tpu.wait_indirect_dma semaphore(%arg18 : memref<!tpu.dma_semaphore, #tpu.memory_space<semaphore_mem>>) src(%arg12 : memref<64x128xf32, #tpu.memory_space<vmem>>) dst(%dma_wait3A_142 : memref<10240x128xf32, #tpu.memory_space<vmem_shared>>)
        %lt3A_143 = arith.cmpi slt, %add3A_116, %min3A_27 : i32
        %convert_element_type3A_144 = arith.extui %lt3A_143 : i1 to i32
        %cond3A_145 = arith.constant 0 : i32
        %cond3A_146 = arith.cmpi ne, %convert_element_type3A_144, %cond3A_145 : i32
        scf.if %cond3A_146 {
          %mul3A_147 = arith.constant 64 : i32
          %mul3A_148 = arith.muli %add3A_116, %mul3A_147 : i32
          %add3A_149 = arith.addi %mul3A_4, %mul3A_148 : i32
          %dma_start3A = tpu.memref_slice %arg3[%add3A_149] : memref<330240xi32, #tpu.memory_space<hbm>> -> memref<64xi32, #tpu.memory_space<hbm>>
          %dma_start3A_150 = tpu.memref_slice %arg3[%add3A_149] : memref<330240xi32, #tpu.memory_space<hbm>> -> memref<64xi32, #tpu.memory_space<hbm>>
          tpu.enqueue_dma source(%dma_start3A_150 : memref<64xi32, #tpu.memory_space<hbm>>) target(%arg6 : memref<64xi32, #tpu.memory_space<vmem>>) target_semaphore(%arg15 : memref<!tpu.dma_semaphore, #tpu.memory_space<semaphore_mem>>)
          %mul3A_151 = arith.constant 64 : i32
          %mul3A_152 = arith.muli %add3A_116, %mul3A_151 : i32
          %add3A_153 = arith.addi %mul3A_4, %mul3A_152 : i32
          %mul3A_154 = arith.constant 32 : i32
          %mul3A_155 = arith.muli %add3A_153, %mul3A_154 : i32
          %dma_start3A_156 = tpu.memref_slice %arg2[%mul3A_155] : memref<10567680xf32, #tpu.memory_space<hbm>> -> memref<2048xf32, #tpu.memory_space<hbm>>
          %dma_start3A_157 = tpu.memref_slice %arg2[%mul3A_155] : memref<10567680xf32, #tpu.memory_space<hbm>> -> memref<2048xf32, #tpu.memory_space<hbm>>
          tpu.enqueue_dma source(%dma_start3A_157 : memref<2048xf32, #tpu.memory_space<hbm>>) target(%arg9 : memref<2048xf32, #tpu.memory_space<vmem>>) target_semaphore(%arg15 : memref<!tpu.dma_semaphore, #tpu.memory_space<semaphore_mem>>)
        } else {
        }
      } else {
      }
      %mul3A_121 = arith.constant 3 : i32
      %mul3A_122 = arith.muli %while3A_87, %mul3A_121 : i32
      %add3A_123 = arith.constant 1 : i32
      %add3A_124 = arith.addi %mul3A_122, %add3A_123 : i32
      %add3A_125 = arith.constant 3 : i32
      %add3A_126 = arith.addi %add3A_124, %add3A_125 : i32
      %lt3A_127 = arith.cmpi slt, %add3A_124, %min3A_27 : i32
      %convert_element_type3A_128 = arith.extui %lt3A_127 : i1 to i32
      %cond3A_129 = arith.constant 0 : i32
      %cond3A_130 = arith.cmpi ne, %convert_element_type3A_128, %cond3A_129 : i32
      scf.if %cond3A_130 {
        %dma_wait3A = arith.constant 0 : i32
        %dma_wait3A_141 = arith.constant 0 : i32
        %dma_wait3A_142 = tpu.memref_slice %arg21[%dma_wait3A, %dma_wait3A_141] : memref<10240x128xf32, #tpu.memory_space<vmem_shared>> -> memref<10240x128xf32, #tpu.memory_space<vmem_shared>>
        tpu.wait_indirect_dma semaphore(%arg19 : memref<!tpu.dma_semaphore, #tpu.memory_space<semaphore_mem>>) src(%arg13 : memref<64x128xf32, #tpu.memory_space<vmem>>) dst(%dma_wait3A_142 : memref<10240x128xf32, #tpu.memory_space<vmem_shared>>)
        %lt3A_143 = arith.cmpi slt, %add3A_126, %min3A_27 : i32
        %convert_element_type3A_144 = arith.extui %lt3A_143 : i1 to i32
        %cond3A_145 = arith.constant 0 : i32
        %cond3A_146 = arith.cmpi ne, %convert_element_type3A_144, %cond3A_145 : i32
        scf.if %cond3A_146 {
          %mul3A_147 = arith.constant 64 : i32
          %mul3A_148 = arith.muli %add3A_126, %mul3A_147 : i32
          %add3A_149 = arith.addi %mul3A_4, %mul3A_148 : i32
          %dma_start3A = tpu.memref_slice %arg3[%add3A_149] : memref<330240xi32, #tpu.memory_space<hbm>> -> memref<64xi32, #tpu.memory_space<hbm>>
          %dma_start3A_150 = tpu.memref_slice %arg3[%add3A_149] : memref<330240xi32, #tpu.memory_space<hbm>> -> memref<64xi32, #tpu.memory_space<hbm>>
          tpu.enqueue_dma source(%dma_start3A_150 : memref<64xi32, #tpu.memory_space<hbm>>) target(%arg7 : memref<64xi32, #tpu.memory_space<vmem>>) target_semaphore(%arg16 : memref<!tpu.dma_semaphore, #tpu.memory_space<semaphore_mem>>)
          %mul3A_151 = arith.constant 64 : i32
          %mul3A_152 = arith.muli %add3A_126, %mul3A_151 : i32
          %add3A_153 = arith.addi %mul3A_4, %mul3A_152 : i32
          %mul3A_154 = arith.constant 32 : i32
          %mul3A_155 = arith.muli %add3A_153, %mul3A_154 : i32
          %dma_start3A_156 = tpu.memref_slice %arg2[%mul3A_155] : memref<10567680xf32, #tpu.memory_space<hbm>> -> memref<2048xf32, #tpu.memory_space<hbm>>
          %dma_start3A_157 = tpu.memref_slice %arg2[%mul3A_155] : memref<10567680xf32, #tpu.memory_space<hbm>> -> memref<2048xf32, #tpu.memory_space<hbm>>
          tpu.enqueue_dma source(%dma_start3A_157 : memref<2048xf32, #tpu.memory_space<hbm>>) target(%arg10 : memref<2048xf32, #tpu.memory_space<vmem>>) target_semaphore(%arg16 : memref<!tpu.dma_semaphore, #tpu.memory_space<semaphore_mem>>)
        } else {
        }
      } else {
      }
      %mul3A_131 = arith.constant 3 : i32
      %mul3A_132 = arith.muli %while3A_87, %mul3A_131 : i32
      %add3A_133 = arith.constant 2 : i32
      %add3A_134 = arith.addi %mul3A_132, %add3A_133 : i32
      %add3A_135 = arith.constant 3 : i32
      %add3A_136 = arith.addi %add3A_134, %add3A_135 : i32
      %lt3A_137 = arith.cmpi slt, %add3A_134, %min3A_27 : i32
      %convert_element_type3A_138 = arith.extui %lt3A_137 : i1 to i32
      %cond3A_139 = arith.constant 0 : i32
      %cond3A_140 = arith.cmpi ne, %convert_element_type3A_138, %cond3A_139 : i32
      scf.if %cond3A_140 {
        %dma_wait3A = arith.constant 0 : i32
        %dma_wait3A_141 = arith.constant 0 : i32
        %dma_wait3A_142 = tpu.memref_slice %arg21[%dma_wait3A, %dma_wait3A_141] : memref<10240x128xf32, #tpu.memory_space<vmem_shared>> -> memref<10240x128xf32, #tpu.memory_space<vmem_shared>>
        tpu.wait_indirect_dma semaphore(%arg20 : memref<!tpu.dma_semaphore, #tpu.memory_space<semaphore_mem>>) src(%arg14 : memref<64x128xf32, #tpu.memory_space<vmem>>) dst(%dma_wait3A_142 : memref<10240x128xf32, #tpu.memory_space<vmem_shared>>)
        %lt3A_143 = arith.cmpi slt, %add3A_136, %min3A_27 : i32
        %convert_element_type3A_144 = arith.extui %lt3A_143 : i1 to i32
        %cond3A_145 = arith.constant 0 : i32
        %cond3A_146 = arith.cmpi ne, %convert_element_type3A_144, %cond3A_145 : i32
        scf.if %cond3A_146 {
          %mul3A_147 = arith.constant 64 : i32
          %mul3A_148 = arith.muli %add3A_136, %mul3A_147 : i32
          %add3A_149 = arith.addi %mul3A_4, %mul3A_148 : i32
          %dma_start3A = tpu.memref_slice %arg3[%add3A_149] : memref<330240xi32, #tpu.memory_space<hbm>> -> memref<64xi32, #tpu.memory_space<hbm>>
          %dma_start3A_150 = tpu.memref_slice %arg3[%add3A_149] : memref<330240xi32, #tpu.memory_space<hbm>> -> memref<64xi32, #tpu.memory_space<hbm>>
          tpu.enqueue_dma source(%dma_start3A_150 : memref<64xi32, #tpu.memory_space<hbm>>) target(%arg8 : memref<64xi32, #tpu.memory_space<vmem>>) target_semaphore(%arg17 : memref<!tpu.dma_semaphore, #tpu.memory_space<semaphore_mem>>)
          %mul3A_151 = arith.constant 64 : i32
          %mul3A_152 = arith.muli %add3A_136, %mul3A_151 : i32
          %add3A_153 = arith.addi %mul3A_4, %mul3A_152 : i32
          %mul3A_154 = arith.constant 32 : i32
          %mul3A_155 = arith.muli %add3A_153, %mul3A_154 : i32
          %dma_start3A_156 = tpu.memref_slice %arg2[%mul3A_155] : memref<10567680xf32, #tpu.memory_space<hbm>> -> memref<2048xf32, #tpu.memory_space<hbm>>
          %dma_start3A_157 = tpu.memref_slice %arg2[%mul3A_155] : memref<10567680xf32, #tpu.memory_space<hbm>> -> memref<2048xf32, #tpu.memory_space<hbm>>
          tpu.enqueue_dma source(%dma_start3A_157 : memref<2048xf32, #tpu.memory_space<hbm>>) target(%arg11 : memref<2048xf32, #tpu.memory_space<vmem>>) target_semaphore(%arg17 : memref<!tpu.dma_semaphore, #tpu.memory_space<semaphore_mem>>)
        } else {
        }
      } else {
      }
    }
    %while3A_78 = arith.constant 1 : i32
    scf.for %while3A_87 = %while3A_76 to %while3A_72 step %while3A_78  : i32 {
      %mul3A_88 = arith.constant 3 : i32
      %mul3A_89 = arith.muli %while3A_87, %mul3A_88 : i32
      %add3A_90 = arith.constant 0 : i32
      %add3A_91 = arith.addi %mul3A_89, %add3A_90 : i32
      %lt3A = arith.cmpi slt, %add3A_91, %min3A_27 : i32
      %convert_element_type3A_92 = arith.extui %lt3A : i1 to i32
      %cond3A_93 = arith.constant 0 : i32
      %cond3A_94 = arith.cmpi ne, %convert_element_type3A_92, %cond3A_93 : i32
      scf.if %cond3A_94 {
        %mul3A_141 = arith.constant 64 : i32
        %mul3A_142 = arith.muli %add3A_91, %mul3A_141 : i32
        %add3A_143 = arith.addi %mul3A_4, %mul3A_142 : i32
        %dma_wait3A = tpu.memref_slice %arg3[%add3A_143] : memref<330240xi32, #tpu.memory_space<hbm>> -> memref<64xi32, #tpu.memory_space<hbm>>
        %dma_wait3A_144 = tpu.memref_slice %arg3[%add3A_143] : memref<330240xi32, #tpu.memory_space<hbm>> -> memref<64xi32, #tpu.memory_space<hbm>>
        tpu.wait_dma2 semaphore(%arg15 : memref<!tpu.dma_semaphore, #tpu.memory_space<semaphore_mem>>) src(%dma_wait3A_144 : memref<64xi32, #tpu.memory_space<hbm>>) dst(%arg6 : memref<64xi32, #tpu.memory_space<vmem>>)
        %mul3A_145 = arith.constant 64 : i32
        %mul3A_146 = arith.muli %add3A_91, %mul3A_145 : i32
        %add3A_147 = arith.addi %mul3A_4, %mul3A_146 : i32
        %mul3A_148 = arith.constant 32 : i32
        %mul3A_149 = arith.muli %add3A_147, %mul3A_148 : i32
        %dma_wait3A_150 = tpu.memref_slice %arg2[%mul3A_149] : memref<10567680xf32, #tpu.memory_space<hbm>> -> memref<2048xf32, #tpu.memory_space<hbm>>
        %dma_wait3A_151 = tpu.memref_slice %arg2[%mul3A_149] : memref<10567680xf32, #tpu.memory_space<hbm>> -> memref<2048xf32, #tpu.memory_space<hbm>>
        tpu.wait_dma2 semaphore(%arg15 : memref<!tpu.dma_semaphore, #tpu.memory_space<semaphore_mem>>) src(%dma_wait3A_151 : memref<2048xf32, #tpu.memory_space<hbm>>) dst(%arg9 : memref<2048xf32, #tpu.memory_space<vmem>>)
        %scan3A = arith.constant 0 : i32
        %scan3A_152 = arith.constant 0 : i32
        %scan3A_153 = arith.constant 64 : i32
        %scan3A_154 = arith.addi %scan3A_152, %scan3A_153 : i32
        %scan3A_155 = arith.constant 1 : i32
        scf.for %scan3A_159 = %scan3A_152 to %scan3A_154 step %scan3A_155  : i32 {
          %mul3A_160 = arith.constant 32 : i32
          %mul3A_161 = arith.muli %scan3A_159, %mul3A_160 : i32
          %get3A = arith.index_cast %mul3A_161 : i32 to index
          %get3A_162 = tpu.vector_load %arg9[%get3A] {strides = array<i32>} : memref<2048xf32, #tpu.memory_space<vmem>>, vector<16xf32>,
          %get3A_163 = vector.shape_cast %get3A_162 : vector<16xf32> to vector<16xf32>
          %swap3A = arith.index_cast %scan3A_159 : i32 to index
          %swap3A_164 = arith.constant 0 : index
          %swap3A_165 = tpu.vector_load %arg12[%swap3A, %swap3A_164] {strides = array<i32>} : memref<64x128xf32, #tpu.memory_space<vmem>>, vector<1x16xf32>,
          %swap3A_166 = vector.shape_cast %swap3A_165 : vector<1x16xf32> to vector<16xf32>
          %swap3A_167 = vector.shape_cast %get3A_163 : vector<16xf32> to vector<1x16xf32>
          tpu.vector_store %arg12[%swap3A, %swap3A_164], %swap3A_167 {strides = array<i32>} : memref<64x128xf32, #tpu.memory_space<vmem>>, vector<1x16xf32>,
          %mul3A_168 = arith.constant 32 : i32
          %mul3A_169 = arith.muli %scan3A_159, %mul3A_168 : i32
          %add3A_170 = arith.constant 16 : i32
          %add3A_171 = arith.addi %mul3A_169, %add3A_170 : i32
          %get3A_172 = arith.index_cast %add3A_171 : i32 to index
          %get3A_173 = tpu.vector_load %arg9[%get3A_172] {strides = array<i32>} : memref<2048xf32, #tpu.memory_space<vmem>>, vector<16xf32>,
          %get3A_174 = vector.shape_cast %get3A_173 : vector<16xf32> to vector<16xf32>
          %swap3A_175 = arith.index_cast %scan3A_159 : i32 to index
          %swap3A_176 = arith.constant 16 : index
          %swap3A_177 = tpu.vector_load %arg12[%swap3A_175, %swap3A_176] {strides = array<i32>} : memref<64x128xf32, #tpu.memory_space<vmem>>, vector<1x16xf32>,
          %swap3A_178 = vector.shape_cast %swap3A_177 : vector<1x16xf32> to vector<16xf32>
          %swap3A_179 = vector.shape_cast %get3A_174 : vector<16xf32> to vector<1x16xf32>
          tpu.vector_store %arg12[%swap3A_175, %swap3A_176], %swap3A_179 {strides = array<i32>} : memref<64x128xf32, #tpu.memory_space<vmem>>, vector<1x16xf32>,
        }
        %scan3A_156 = arith.constant 64 : i32
        %dma_start3A = arith.constant 0 : i32
        %dma_start3A_157 = arith.constant 0 : i32
        %dma_start3A_158 = tpu.memref_slice %arg21[%dma_start3A, %dma_start3A_157] : memref<10240x128xf32, #tpu.memory_space<vmem_shared>> -> memref<10240x128xf32, #tpu.memory_space<vmem_shared>>
        tpu.enqueue_indirect_dma source(%arg12 : memref<64x128xf32, #tpu.memory_space<vmem>>) target(%dma_start3A_158 : memref<10240x128xf32, #tpu.memory_space<vmem_shared>>) offsets(%arg6 : memref<64xi32, #tpu.memory_space<vmem>>) semaphore(%arg18 : memref<!tpu.dma_semaphore, #tpu.memory_space<semaphore_mem>>) {add = true}
      } else {
      }
      %mul3A_95 = arith.constant 3 : i32
      %mul3A_96 = arith.muli %while3A_87, %mul3A_95 : i32
      %add3A_97 = arith.constant 1 : i32
      %add3A_98 = arith.addi %mul3A_96, %add3A_97 : i32
      %lt3A_99 = arith.cmpi slt, %add3A_98, %min3A_27 : i32
      %convert_element_type3A_100 = arith.extui %lt3A_99 : i1 to i32
      %cond3A_101 = arith.constant 0 : i32
      %cond3A_102 = arith.cmpi ne, %convert_element_type3A_100, %cond3A_101 : i32
      scf.if %cond3A_102 {
        %mul3A_141 = arith.constant 64 : i32
        %mul3A_142 = arith.muli %add3A_98, %mul3A_141 : i32
        %add3A_143 = arith.addi %mul3A_4, %mul3A_142 : i32
        %dma_wait3A = tpu.memref_slice %arg3[%add3A_143] : memref<330240xi32, #tpu.memory_space<hbm>> -> memref<64xi32, #tpu.memory_space<hbm>>
        %dma_wait3A_144 = tpu.memref_slice %arg3[%add3A_143] : memref<330240xi32, #tpu.memory_space<hbm>> -> memref<64xi32, #tpu.memory_space<hbm>>
        tpu.wait_dma2 semaphore(%arg16 : memref<!tpu.dma_semaphore, #tpu.memory_space<semaphore_mem>>) src(%dma_wait3A_144 : memref<64xi32, #tpu.memory_space<hbm>>) dst(%arg7 : memref<64xi32, #tpu.memory_space<vmem>>)
        %mul3A_145 = arith.constant 64 : i32
        %mul3A_146 = arith.muli %add3A_98, %mul3A_145 : i32
        %add3A_147 = arith.addi %mul3A_4, %mul3A_146 : i32
        %mul3A_148 = arith.constant 32 : i32
        %mul3A_149 = arith.muli %add3A_147, %mul3A_148 : i32
        %dma_wait3A_150 = tpu.memref_slice %arg2[%mul3A_149] : memref<10567680xf32, #tpu.memory_space<hbm>> -> memref<2048xf32, #tpu.memory_space<hbm>>
        %dma_wait3A_151 = tpu.memref_slice %arg2[%mul3A_149] : memref<10567680xf32, #tpu.memory_space<hbm>> -> memref<2048xf32, #tpu.memory_space<hbm>>
        tpu.wait_dma2 semaphore(%arg16 : memref<!tpu.dma_semaphore, #tpu.memory_space<semaphore_mem>>) src(%dma_wait3A_151 : memref<2048xf32, #tpu.memory_space<hbm>>) dst(%arg10 : memref<2048xf32, #tpu.memory_space<vmem>>)
        %scan3A = arith.constant 0 : i32
        %scan3A_152 = arith.constant 0 : i32
        %scan3A_153 = arith.constant 64 : i32
        %scan3A_154 = arith.addi %scan3A_152, %scan3A_153 : i32
        %scan3A_155 = arith.constant 1 : i32
        scf.for %scan3A_159 = %scan3A_152 to %scan3A_154 step %scan3A_155  : i32 {
          %mul3A_160 = arith.constant 32 : i32
          %mul3A_161 = arith.muli %scan3A_159, %mul3A_160 : i32
          %get3A = arith.index_cast %mul3A_161 : i32 to index
          %get3A_162 = tpu.vector_load %arg10[%get3A] {strides = array<i32>} : memref<2048xf32, #tpu.memory_space<vmem>>, vector<16xf32>,
          %get3A_163 = vector.shape_cast %get3A_162 : vector<16xf32> to vector<16xf32>
          %swap3A = arith.index_cast %scan3A_159 : i32 to index
          %swap3A_164 = arith.constant 0 : index
          %swap3A_165 = tpu.vector_load %arg13[%swap3A, %swap3A_164] {strides = array<i32>} : memref<64x128xf32, #tpu.memory_space<vmem>>, vector<1x16xf32>,
          %swap3A_166 = vector.shape_cast %swap3A_165 : vector<1x16xf32> to vector<16xf32>
          %swap3A_167 = vector.shape_cast %get3A_163 : vector<16xf32> to vector<1x16xf32>
          tpu.vector_store %arg13[%swap3A, %swap3A_164], %swap3A_167 {strides = array<i32>} : memref<64x128xf32, #tpu.memory_space<vmem>>, vector<1x16xf32>,
          %mul3A_168 = arith.constant 32 : i32
          %mul3A_169 = arith.muli %scan3A_159, %mul3A_168 : i32
          %add3A_170 = arith.constant 16 : i32
          %add3A_171 = arith.addi %mul3A_169, %add3A_170 : i32
          %get3A_172 = arith.index_cast %add3A_171 : i32 to index
          %get3A_173 = tpu.vector_load %arg10[%get3A_172] {strides = array<i32>} : memref<2048xf32, #tpu.memory_space<vmem>>, vector<16xf32>,
          %get3A_174 = vector.shape_cast %get3A_173 : vector<16xf32> to vector<16xf32>
          %swap3A_175 = arith.index_cast %scan3A_159 : i32 to index
          %swap3A_176 = arith.constant 16 : index
          %swap3A_177 = tpu.vector_load %arg13[%swap3A_175, %swap3A_176] {strides = array<i32>} : memref<64x128xf32, #tpu.memory_space<vmem>>, vector<1x16xf32>,
          %swap3A_178 = vector.shape_cast %swap3A_177 : vector<1x16xf32> to vector<16xf32>
          %swap3A_179 = vector.shape_cast %get3A_174 : vector<16xf32> to vector<1x16xf32>
          tpu.vector_store %arg13[%swap3A_175, %swap3A_176], %swap3A_179 {strides = array<i32>} : memref<64x128xf32, #tpu.memory_space<vmem>>, vector<1x16xf32>,
        }
        %scan3A_156 = arith.constant 64 : i32
        %dma_start3A = arith.constant 0 : i32
        %dma_start3A_157 = arith.constant 0 : i32
        %dma_start3A_158 = tpu.memref_slice %arg21[%dma_start3A, %dma_start3A_157] : memref<10240x128xf32, #tpu.memory_space<vmem_shared>> -> memref<10240x128xf32, #tpu.memory_space<vmem_shared>>
        tpu.enqueue_indirect_dma source(%arg13 : memref<64x128xf32, #tpu.memory_space<vmem>>) target(%dma_start3A_158 : memref<10240x128xf32, #tpu.memory_space<vmem_shared>>) offsets(%arg7 : memref<64xi32, #tpu.memory_space<vmem>>) semaphore(%arg19 : memref<!tpu.dma_semaphore, #tpu.memory_space<semaphore_mem>>) {add = true}
      } else {
      }
      %mul3A_103 = arith.constant 3 : i32
      %mul3A_104 = arith.muli %while3A_87, %mul3A_103 : i32
      %add3A_105 = arith.constant 2 : i32
      %add3A_106 = arith.addi %mul3A_104, %add3A_105 : i32
      %lt3A_107 = arith.cmpi slt, %add3A_106, %min3A_27 : i32
      %convert_element_type3A_108 = arith.extui %lt3A_107 : i1 to i32
      %cond3A_109 = arith.constant 0 : i32
      %cond3A_110 = arith.cmpi ne, %convert_element_type3A_108, %cond3A_109 : i32
      scf.if %cond3A_110 {
        %mul3A_141 = arith.constant 64 : i32
        %mul3A_142 = arith.muli %add3A_106, %mul3A_141 : i32
        %add3A_143 = arith.addi %mul3A_4, %mul3A_142 : i32
        %dma_wait3A = tpu.memref_slice %arg3[%add3A_143] : memref<330240xi32, #tpu.memory_space<hbm>> -> memref<64xi32, #tpu.memory_space<hbm>>
        %dma_wait3A_144 = tpu.memref_slice %arg3[%add3A_143] : memref<330240xi32, #tpu.memory_space<hbm>> -> memref<64xi32, #tpu.memory_space<hbm>>
        tpu.wait_dma2 semaphore(%arg17 : memref<!tpu.dma_semaphore, #tpu.memory_space<semaphore_mem>>) src(%dma_wait3A_144 : memref<64xi32, #tpu.memory_space<hbm>>) dst(%arg8 : memref<64xi32, #tpu.memory_space<vmem>>)
        %mul3A_145 = arith.constant 64 : i32
        %mul3A_146 = arith.muli %add3A_106, %mul3A_145 : i32
        %add3A_147 = arith.addi %mul3A_4, %mul3A_146 : i32
        %mul3A_148 = arith.constant 32 : i32
        %mul3A_149 = arith.muli %add3A_147, %mul3A_148 : i32
        %dma_wait3A_150 = tpu.memref_slice %arg2[%mul3A_149] : memref<10567680xf32, #tpu.memory_space<hbm>> -> memref<2048xf32, #tpu.memory_space<hbm>>
        %dma_wait3A_151 = tpu.memref_slice %arg2[%mul3A_149] : memref<10567680xf32, #tpu.memory_space<hbm>> -> memref<2048xf32, #tpu.memory_space<hbm>>
        tpu.wait_dma2 semaphore(%arg17 : memref<!tpu.dma_semaphore, #tpu.memory_space<semaphore_mem>>) src(%dma_wait3A_151 : memref<2048xf32, #tpu.memory_space<hbm>>) dst(%arg11 : memref<2048xf32, #tpu.memory_space<vmem>>)
        %scan3A = arith.constant 0 : i32
        %scan3A_152 = arith.constant 0 : i32
        %scan3A_153 = arith.constant 64 : i32
        %scan3A_154 = arith.addi %scan3A_152, %scan3A_153 : i32
        %scan3A_155 = arith.constant 1 : i32
        scf.for %scan3A_159 = %scan3A_152 to %scan3A_154 step %scan3A_155  : i32 {
          %mul3A_160 = arith.constant 32 : i32
          %mul3A_161 = arith.muli %scan3A_159, %mul3A_160 : i32
          %get3A = arith.index_cast %mul3A_161 : i32 to index
          %get3A_162 = tpu.vector_load %arg11[%get3A] {strides = array<i32>} : memref<2048xf32, #tpu.memory_space<vmem>>, vector<16xf32>,
          %get3A_163 = vector.shape_cast %get3A_162 : vector<16xf32> to vector<16xf32>
          %swap3A = arith.index_cast %scan3A_159 : i32 to index
          %swap3A_164 = arith.constant 0 : index
          %swap3A_165 = tpu.vector_load %arg14[%swap3A, %swap3A_164] {strides = array<i32>} : memref<64x128xf32, #tpu.memory_space<vmem>>, vector<1x16xf32>,
          %swap3A_166 = vector.shape_cast %swap3A_165 : vector<1x16xf32> to vector<16xf32>
          %swap3A_167 = vector.shape_cast %get3A_163 : vector<16xf32> to vector<1x16xf32>
          tpu.vector_store %arg14[%swap3A, %swap3A_164], %swap3A_167 {strides = array<i32>} : memref<64x128xf32, #tpu.memory_space<vmem>>, vector<1x16xf32>,
          %mul3A_168 = arith.constant 32 : i32
          %mul3A_169 = arith.muli %scan3A_159, %mul3A_168 : i32
          %add3A_170 = arith.constant 16 : i32
          %add3A_171 = arith.addi %mul3A_169, %add3A_170 : i32
          %get3A_172 = arith.index_cast %add3A_171 : i32 to index
          %get3A_173 = tpu.vector_load %arg11[%get3A_172] {strides = array<i32>} : memref<2048xf32, #tpu.memory_space<vmem>>, vector<16xf32>,
          %get3A_174 = vector.shape_cast %get3A_173 : vector<16xf32> to vector<16xf32>
          %swap3A_175 = arith.index_cast %scan3A_159 : i32 to index
          %swap3A_176 = arith.constant 16 : index
          %swap3A_177 = tpu.vector_load %arg14[%swap3A_175, %swap3A_176] {strides = array<i32>} : memref<64x128xf32, #tpu.memory_space<vmem>>, vector<1x16xf32>,
          %swap3A_178 = vector.shape_cast %swap3A_177 : vector<1x16xf32> to vector<16xf32>
          %swap3A_179 = vector.shape_cast %get3A_174 : vector<16xf32> to vector<1x16xf32>
          tpu.vector_store %arg14[%swap3A_175, %swap3A_176], %swap3A_179 {strides = array<i32>} : memref<64x128xf32, #tpu.memory_space<vmem>>, vector<1x16xf32>,
        }
        %scan3A_156 = arith.constant 64 : i32
        %dma_start3A = arith.constant 0 : i32
        %dma_start3A_157 = arith.constant 0 : i32
        %dma_start3A_158 = tpu.memref_slice %arg21[%dma_start3A, %dma_start3A_157] : memref<10240x128xf32, #tpu.memory_space<vmem_shared>> -> memref<10240x128xf32, #tpu.memory_space<vmem_shared>>
        tpu.enqueue_indirect_dma source(%arg14 : memref<64x128xf32, #tpu.memory_space<vmem>>) target(%dma_start3A_158 : memref<10240x128xf32, #tpu.memory_space<vmem_shared>>) offsets(%arg8 : memref<64xi32, #tpu.memory_space<vmem>>) semaphore(%arg20 : memref<!tpu.dma_semaphore, #tpu.memory_space<semaphore_mem>>) {add = true}
      } else {
      }
      %mul3A_111 = arith.constant 3 : i32
      %mul3A_112 = arith.muli %while3A_87, %mul3A_111 : i32
      %add3A_113 = arith.constant 0 : i32
      %add3A_114 = arith.addi %mul3A_112, %add3A_113 : i32
      %add3A_115 = arith.constant 3 : i32
      %add3A_116 = arith.addi %add3A_114, %add3A_115 : i32
      %lt3A_117 = arith.cmpi slt, %add3A_114, %min3A_27 : i32
      %convert_element_type3A_118 = arith.extui %lt3A_117 : i1 to i32
      %cond3A_119 = arith.constant 0 : i32
      %cond3A_120 = arith.cmpi ne, %convert_element_type3A_118, %cond3A_119 : i32
      scf.if %cond3A_120 {
        %dma_wait3A = arith.constant 0 : i32
        %dma_wait3A_141 = arith.constant 0 : i32
        %dma_wait3A_142 = tpu.memref_slice %arg21[%dma_wait3A, %dma_wait3A_141] : memref<10240x128xf32, #tpu.memory_space<vmem_shared>> -> memref<10240x128xf32, #tpu.memory_space<vmem_shared>>
        tpu.wait_indirect_dma semaphore(%arg18 : memref<!tpu.dma_semaphore, #tpu.memory_space<semaphore_mem>>) src(%arg12 : memref<64x128xf32, #tpu.memory_space<vmem>>) dst(%dma_wait3A_142 : memref<10240x128xf32, #tpu.memory_space<vmem_shared>>)
        %lt3A_143 = arith.cmpi slt, %add3A_116, %min3A_27 : i32
        %convert_element_type3A_144 = arith.extui %lt3A_143 : i1 to i32
        %cond3A_145 = arith.constant 0 : i32
        %cond3A_146 = arith.cmpi ne, %convert_element_type3A_144, %cond3A_145 : i32
        scf.if %cond3A_146 {
          %mul3A_147 = arith.constant 64 : i32
          %mul3A_148 = arith.muli %add3A_116, %mul3A_147 : i32
          %add3A_149 = arith.addi %mul3A_4, %mul3A_148 : i32
          %dma_start3A = tpu.memref_slice %arg3[%add3A_149] : memref<330240xi32, #tpu.memory_space<hbm>> -> memref<64xi32, #tpu.memory_space<hbm>>
          %dma_start3A_150 = tpu.memref_slice %arg3[%add3A_149] : memref<330240xi32, #tpu.memory_space<hbm>> -> memref<64xi32, #tpu.memory_space<hbm>>
          tpu.enqueue_dma source(%dma_start3A_150 : memref<64xi32, #tpu.memory_space<hbm>>) target(%arg6 : memref<64xi32, #tpu.memory_space<vmem>>) target_semaphore(%arg15 : memref<!tpu.dma_semaphore, #tpu.memory_space<semaphore_mem>>)
          %mul3A_151 = arith.constant 64 : i32
          %mul3A_152 = arith.muli %add3A_116, %mul3A_151 : i32
          %add3A_153 = arith.addi %mul3A_4, %mul3A_152 : i32
          %mul3A_154 = arith.constant 32 : i32
          %mul3A_155 = arith.muli %add3A_153, %mul3A_154 : i32
          %dma_start3A_156 = tpu.memref_slice %arg2[%mul3A_155] : memref<10567680xf32, #tpu.memory_space<hbm>> -> memref<2048xf32, #tpu.memory_space<hbm>>
          %dma_start3A_157 = tpu.memref_slice %arg2[%mul3A_155] : memref<10567680xf32, #tpu.memory_space<hbm>> -> memref<2048xf32, #tpu.memory_space<hbm>>
          tpu.enqueue_dma source(%dma_start3A_157 : memref<2048xf32, #tpu.memory_space<hbm>>) target(%arg9 : memref<2048xf32, #tpu.memory_space<vmem>>) target_semaphore(%arg15 : memref<!tpu.dma_semaphore, #tpu.memory_space<semaphore_mem>>)
        } else {
        }
      } else {
      }
      %mul3A_121 = arith.constant 3 : i32
      %mul3A_122 = arith.muli %while3A_87, %mul3A_121 : i32
      %add3A_123 = arith.constant 1 : i32
      %add3A_124 = arith.addi %mul3A_122, %add3A_123 : i32
      %add3A_125 = arith.constant 3 : i32
      %add3A_126 = arith.addi %add3A_124, %add3A_125 : i32
      %lt3A_127 = arith.cmpi slt, %add3A_124, %min3A_27 : i32
      %convert_element_type3A_128 = arith.extui %lt3A_127 : i1 to i32
      %cond3A_129 = arith.constant 0 : i32
      %cond3A_130 = arith.cmpi ne, %convert_element_type3A_128, %cond3A_129 : i32
      scf.if %cond3A_130 {
        %dma_wait3A = arith.constant 0 : i32
        %dma_wait3A_141 = arith.constant 0 : i32
        %dma_wait3A_142 = tpu.memref_slice %arg21[%dma_wait3A, %dma_wait3A_141] : memref<10240x128xf32, #tpu.memory_space<vmem_shared>> -> memref<10240x128xf32, #tpu.memory_space<vmem_shared>>
        tpu.wait_indirect_dma semaphore(%arg19 : memref<!tpu.dma_semaphore, #tpu.memory_space<semaphore_mem>>) src(%arg13 : memref<64x128xf32, #tpu.memory_space<vmem>>) dst(%dma_wait3A_142 : memref<10240x128xf32, #tpu.memory_space<vmem_shared>>)
        %lt3A_143 = arith.cmpi slt, %add3A_126, %min3A_27 : i32
        %convert_element_type3A_144 = arith.extui %lt3A_143 : i1 to i32
        %cond3A_145 = arith.constant 0 : i32
        %cond3A_146 = arith.cmpi ne, %convert_element_type3A_144, %cond3A_145 : i32
        scf.if %cond3A_146 {
          %mul3A_147 = arith.constant 64 : i32
          %mul3A_148 = arith.muli %add3A_126, %mul3A_147 : i32
          %add3A_149 = arith.addi %mul3A_4, %mul3A_148 : i32
          %dma_start3A = tpu.memref_slice %arg3[%add3A_149] : memref<330240xi32, #tpu.memory_space<hbm>> -> memref<64xi32, #tpu.memory_space<hbm>>
          %dma_start3A_150 = tpu.memref_slice %arg3[%add3A_149] : memref<330240xi32, #tpu.memory_space<hbm>> -> memref<64xi32, #tpu.memory_space<hbm>>
          tpu.enqueue_dma source(%dma_start3A_150 : memref<64xi32, #tpu.memory_space<hbm>>) target(%arg7 : memref<64xi32, #tpu.memory_space<vmem>>) target_semaphore(%arg16 : memref<!tpu.dma_semaphore, #tpu.memory_space<semaphore_mem>>)
          %mul3A_151 = arith.constant 64 : i32
          %mul3A_152 = arith.muli %add3A_126, %mul3A_151 : i32
          %add3A_153 = arith.addi %mul3A_4, %mul3A_152 : i32
          %mul3A_154 = arith.constant 32 : i32
          %mul3A_155 = arith.muli %add3A_153, %mul3A_154 : i32
          %dma_start3A_156 = tpu.memref_slice %arg2[%mul3A_155] : memref<10567680xf32, #tpu.memory_space<hbm>> -> memref<2048xf32, #tpu.memory_space<hbm>>
          %dma_start3A_157 = tpu.memref_slice %arg2[%mul3A_155] : memref<10567680xf32, #tpu.memory_space<hbm>> -> memref<2048xf32, #tpu.memory_space<hbm>>
          tpu.enqueue_dma source(%dma_start3A_157 : memref<2048xf32, #tpu.memory_space<hbm>>) target(%arg10 : memref<2048xf32, #tpu.memory_space<vmem>>) target_semaphore(%arg16 : memref<!tpu.dma_semaphore, #tpu.memory_space<semaphore_mem>>)
        } else {
        }
      } else {
      }
      %mul3A_131 = arith.constant 3 : i32
      %mul3A_132 = arith.muli %while3A_87, %mul3A_131 : i32
      %add3A_133 = arith.constant 2 : i32
      %add3A_134 = arith.addi %mul3A_132, %add3A_133 : i32
      %add3A_135 = arith.constant 3 : i32
      %add3A_136 = arith.addi %add3A_134, %add3A_135 : i32
      %lt3A_137 = arith.cmpi slt, %add3A_134, %min3A_27 : i32
      %convert_element_type3A_138 = arith.extui %lt3A_137 : i1 to i32
      %cond3A_139 = arith.constant 0 : i32
      %cond3A_140 = arith.cmpi ne, %convert_element_type3A_138, %cond3A_139 : i32
      scf.if %cond3A_140 {
        %dma_wait3A = arith.constant 0 : i32
        %dma_wait3A_141 = arith.constant 0 : i32
        %dma_wait3A_142 = tpu.memref_slice %arg21[%dma_wait3A, %dma_wait3A_141] : memref<10240x128xf32, #tpu.memory_space<vmem_shared>> -> memref<10240x128xf32, #tpu.memory_space<vmem_shared>>
        tpu.wait_indirect_dma semaphore(%arg20 : memref<!tpu.dma_semaphore, #tpu.memory_space<semaphore_mem>>) src(%arg14 : memref<64x128xf32, #tpu.memory_space<vmem>>) dst(%dma_wait3A_142 : memref<10240x128xf32, #tpu.memory_space<vmem_shared>>)
        %lt3A_143 = arith.cmpi slt, %add3A_136, %min3A_27 : i32
        %convert_element_type3A_144 = arith.extui %lt3A_143 : i1 to i32
        %cond3A_145 = arith.constant 0 : i32
        %cond3A_146 = arith.cmpi ne, %convert_element_type3A_144, %cond3A_145 : i32
        scf.if %cond3A_146 {
          %mul3A_147 = arith.constant 64 : i32
          %mul3A_148 = arith.muli %add3A_136, %mul3A_147 : i32
          %add3A_149 = arith.addi %mul3A_4, %mul3A_148 : i32
          %dma_start3A = tpu.memref_slice %arg3[%add3A_149] : memref<330240xi32, #tpu.memory_space<hbm>> -> memref<64xi32, #tpu.memory_space<hbm>>
          %dma_start3A_150 = tpu.memref_slice %arg3[%add3A_149] : memref<330240xi32, #tpu.memory_space<hbm>> -> memref<64xi32, #tpu.memory_space<hbm>>
          tpu.enqueue_dma source(%dma_start3A_150 : memref<64xi32, #tpu.memory_space<hbm>>) target(%arg8 : memref<64xi32, #tpu.memory_space<vmem>>) target_semaphore(%arg17 : memref<!tpu.dma_semaphore, #tpu.memory_space<semaphore_mem>>)
          %mul3A_151 = arith.constant 64 : i32
          %mul3A_152 = arith.muli %add3A_136, %mul3A_151 : i32
          %add3A_153 = arith.addi %mul3A_4, %mul3A_152 : i32
          %mul3A_154 = arith.constant 32 : i32
          %mul3A_155 = arith.muli %add3A_153, %mul3A_154 : i32
          %dma_start3A_156 = tpu.memref_slice %arg2[%mul3A_155] : memref<10567680xf32, #tpu.memory_space<hbm>> -> memref<2048xf32, #tpu.memory_space<hbm>>
          %dma_start3A_157 = tpu.memref_slice %arg2[%mul3A_155] : memref<10567680xf32, #tpu.memory_space<hbm>> -> memref<2048xf32, #tpu.memory_space<hbm>>
          tpu.enqueue_dma source(%dma_start3A_157 : memref<2048xf32, #tpu.memory_space<hbm>>) target(%arg11 : memref<2048xf32, #tpu.memory_space<vmem>>) target_semaphore(%arg17 : memref<!tpu.dma_semaphore, #tpu.memory_space<semaphore_mem>>)
        } else {
        }
      } else {
      }
    }
    %barrier3A_79 = arith.constant 0 : index
    tpu.barrier barrier_id(%barrier3A_79)
    %mul3A_80 = arith.constant 640 : i32
    %mul3A_81 = arith.muli %arg1, %mul3A_80 : i32
    %mul3A_82 = arith.constant 10240 : i32
    %mul3A_83 = arith.muli %arg0, %mul3A_82 : i32
    %mul3A_84 = arith.constant 640 : i32
    %mul3A_85 = arith.muli %arg1, %mul3A_84 : i32
    %add3A_86 = arith.addi %mul3A_83, %mul3A_85 : i32
    "tpu.region"() ({
      %run_scoped3A = tpu.sem_alloc : memref<!tpu.dma_semaphore, #tpu.memory_space<semaphore_mem>>
      %dma_start3A = arith.constant 0 : i32
      %dma_start3A_87 = tpu.memref_slice %arg5[%add3A_86, %dma_start3A] : memref<20480x128xf32, #tpu.memory_space<hbm>> -> memref<640x128xf32, #tpu.memory_space<hbm>>
      %dma_start3A_88 = arith.constant 0 : i32
      %dma_start3A_89 = tpu.memref_slice %arg21[%mul3A_81, %dma_start3A_88] : memref<10240x128xf32, #tpu.memory_space<vmem_shared>> -> memref<640x128xf32, #tpu.memory_space<vmem_shared>>
      tpu.enqueue_dma source(%dma_start3A_89 : memref<640x128xf32, #tpu.memory_space<vmem_shared>>) target(%dma_start3A_87 : memref<640x128xf32, #tpu.memory_space<hbm>>) target_semaphore(%run_scoped3A : memref<!tpu.dma_semaphore, #tpu.memory_space<semaphore_mem>>)
      %dma_wait3A = arith.constant 0 : i32
      %dma_wait3A_90 = tpu.memref_slice %arg5[%add3A_86, %dma_wait3A] : memref<20480x128xf32, #tpu.memory_space<hbm>> -> memref<640x128xf32, #tpu.memory_space<hbm>>
      %dma_wait3A_91 = arith.constant 0 : i32
      %dma_wait3A_92 = tpu.memref_slice %arg21[%mul3A_81, %dma_wait3A_91] : memref<10240x128xf32, #tpu.memory_space<vmem_shared>> -> memref<640x128xf32, #tpu.memory_space<vmem_shared>>
      tpu.wait_dma2 semaphore(%run_scoped3A : memref<!tpu.dma_semaphore, #tpu.memory_space<semaphore_mem>>) src(%dma_wait3A_92 : memref<640x128xf32, #tpu.memory_space<vmem_shared>>) dst(%dma_wait3A_90 : memref<640x128xf32, #tpu.memory_space<hbm>>)
      tpu.yield
    }) : () -> ()
    return
  }
}

module attributes {stable_mosaic.version = 14 : i64} {
  func.func @_wprep_body(%arg0: memref<144x128xf32, #tpu.memory_space<vmem>>, %arg1: memref<1x128xf32, #tpu.memory_space<vmem>>, %arg2: memref<128x128xf32, #tpu.memory_space<vmem>>, %arg3: memref<128x128xf32, #tpu.memory_space<vmem>>, %arg4: memref<128x128xf32, #tpu.memory_space<vmem>>) attributes {dimension_semantics = [], scalar_prefetch = 0 : i64, scratch_operands = 0 : i64, tpu.core_type = #tpu.core_type<tc>} {
    %get3A = arith.constant 0 : index
    %get3A_0 = arith.constant 0 : index
    %get3A_1 = vector.load %arg2[%get3A, %get3A_0] : memref<128x128xf32, #tpu.memory_space<vmem>>, vector<128x128xf32>
    %get3A_2 = arith.constant 0 : index
    %get3A_3 = arith.constant 0 : index
    %get3A_4 = vector.load %arg0[%get3A_2, %get3A_3] : memref<144x128xf32, #tpu.memory_space<vmem>>, vector<128x128xf32>
    %dot_general3A = arith.constant dense<0.000000e+00> : vector<128x128xf32>
    %dot_general3A_5 = tpu.matmul %get3A_4, %get3A_1, %dot_general3A {dimension_numbers = #tpu.dot_dimension_numbers<[1], [0], [0], [1], [0, 0, 1, 1], [], []>, transpose_lhs_hint = false} : vector<128x128xf32>, vector<128x128xf32>, vector<128x128xf32> -> vector<128x128xf32>
    %swap3A = arith.constant 0 : index
    %swap3A_6 = arith.constant 0 : index
    %swap3A_7 = vector.load %arg3[%swap3A, %swap3A_6] : memref<128x128xf32, #tpu.memory_space<vmem>>, vector<128x128xf32>
    tpu.vector_store %arg3[%swap3A, %swap3A_6], %dot_general3A_5 {strides = array<i32>} : memref<128x128xf32, #tpu.memory_space<vmem>>, vector<128x128xf32>,
    %get3A_8 = arith.constant 128 : index
    %get3A_9 = arith.constant 0 : index
    %get3A_10 = vector.load %arg0[%get3A_8, %get3A_9] : memref<144x128xf32, #tpu.memory_space<vmem>>, vector<16x128xf32>
    %dot_general3A_11 = arith.constant dense<0.000000e+00> : vector<16x128xf32>
    %dot_general3A_12 = tpu.matmul %get3A_10, %get3A_1, %dot_general3A_11 {dimension_numbers = #tpu.dot_dimension_numbers<[1], [0], [0], [1], [0, 0, 1, 1], [], []>, transpose_lhs_hint = false} : vector<16x128xf32>, vector<128x128xf32>, vector<16x128xf32> -> vector<16x128xf32>
    %swap3A_13 = arith.constant 0 : index
    %swap3A_14 = arith.constant 0 : index
    %swap3A_15 = vector.load %arg4[%swap3A_13, %swap3A_14] : memref<128x128xf32, #tpu.memory_space<vmem>>, vector<16x128xf32>
    tpu.vector_store %arg4[%swap3A_13, %swap3A_14], %dot_general3A_12 {strides = array<i32>} : memref<128x128xf32, #tpu.memory_space<vmem>>, vector<16x128xf32>,
    %get3A_16 = arith.constant 0 : index
    %get3A_17 = arith.constant 0 : index
    %get3A_18 = vector.load %arg1[%get3A_16, %get3A_17] : memref<1x128xf32, #tpu.memory_space<vmem>>, vector<1x128xf32>
    %dot_general3A_19 = arith.constant dense<0.000000e+00> : vector<1x128xf32>
    %dot_general3A_20 = tpu.matmul %get3A_18, %get3A_1, %dot_general3A_19 {dimension_numbers = #tpu.dot_dimension_numbers<[1], [0], [0], [1], [0, 0, 1, 1], [], []>, transpose_lhs_hint = false} : vector<1x128xf32>, vector<128x128xf32>, vector<1x128xf32> -> vector<1x128xf32>
    %broadcast_in_dim3A = vector.shape_cast %dot_general3A_20 : vector<1x128xf32> to vector<1x128xf32>
    %broadcast_in_dim3A_21 = vector.broadcast %broadcast_in_dim3A : vector<1x128xf32> to vector<16x128xf32>
    %div3A = arith.constant 1.600000e+01 : f32
    %div3A_22 = vector.broadcast %div3A : f32 to vector<16x128xf32>
    %div3A_23 = arith.divf %broadcast_in_dim3A_21, %div3A_22 : vector<16x128xf32>
    %swap3A_24 = arith.constant 16 : index
    %swap3A_25 = arith.constant 0 : index
    %swap3A_26 = vector.load %arg4[%swap3A_24, %swap3A_25] : memref<128x128xf32, #tpu.memory_space<vmem>>, vector<16x128xf32>
    tpu.vector_store %arg4[%swap3A_24, %swap3A_25], %div3A_23 {strides = array<i32>} : memref<128x128xf32, #tpu.memory_space<vmem>>, vector<16x128xf32>,
    %broadcast_in_dim3A_27 = arith.constant 0.000000e+00 : f32
    %broadcast_in_dim3A_28 = vector.broadcast %broadcast_in_dim3A_27 : f32 to vector<96x128xf32>
    %swap3A_29 = arith.constant 32 : index
    %swap3A_30 = arith.constant 0 : index
    %swap3A_31 = vector.load %arg4[%swap3A_29, %swap3A_30] : memref<128x128xf32, #tpu.memory_space<vmem>>, vector<96x128xf32>
    tpu.vector_store %arg4[%swap3A_29, %swap3A_30], %broadcast_in_dim3A_28 {strides = array<i32>} : memref<128x128xf32, #tpu.memory_space<vmem>>, vector<96x128xf32>,
    return
  }
}

module attributes {stable_mosaic.version = 14 : i64} {
  func.func @_dense_body(%arg0: i32, %arg1: memref<512x128xf32, #tpu.memory_space<vmem>>, %arg2: memref<512x128xf32, #tpu.memory_space<vmem>>, %arg3: memref<512x128xf32, #tpu.memory_space<vmem>>, %arg4: memref<512x128xf32, #tpu.memory_space<vmem>>, %arg5: memref<512x128xf32, #tpu.memory_space<vmem>>, %arg6: memref<128x128xf32, #tpu.memory_space<vmem>>, %arg7: memref<128x128xf32, #tpu.memory_space<vmem>>, %arg8: memref<128x128xf32, #tpu.memory_space<vmem>>, %arg9: memref<1x128xf32, #tpu.memory_space<vmem>>, %arg10: memref<512x128xf32, #tpu.memory_space<vmem>>) attributes {dimension_semantics = [#tpu.dimension_semantics<arbitrary>], iteration_bounds = array<i64: 20>, scalar_prefetch = 0 : i64, scratch_operands = 0 : i64, tpu.core_type = #tpu.core_type<tc>, window_params = [{transform_indices = @transform_0, window_bounds = array<i64: 512, 128>}, {transform_indices = @transform_1, window_bounds = array<i64: 512, 128>}, {transform_indices = @transform_2, window_bounds = array<i64: 512, 128>}, {transform_indices = @transform_3, window_bounds = array<i64: 512, 128>}, {transform_indices = @transform_4, window_bounds = array<i64: 512, 128>}, {pipeline_mode = #tpu.pipeline_mode<synchronous>, transform_indices = @transform_5, window_bounds = array<i64: 128, 128>}, {pipeline_mode = #tpu.pipeline_mode<synchronous>, transform_indices = @transform_6, window_bounds = array<i64: 128, 128>}, {pipeline_mode = #tpu.pipeline_mode<synchronous>, transform_indices = @transform_7, window_bounds = array<i64: 128, 128>}, {pipeline_mode = #tpu.pipeline_mode<synchronous>, transform_indices = @transform_8, window_bounds = array<i64: 1, 128>}, {transform_indices = @transform_9, window_bounds = array<i64: 512, 128>}]} {
    %get3A = arith.constant 0 : index
    %get3A_0 = arith.constant 0 : index
    %get3A_1 = vector.load %arg1[%get3A, %get3A_0] : memref<512x128xf32, #tpu.memory_space<vmem>>, vector<512x128xf32>
    %get3A_2 = arith.constant 0 : index
    %get3A_3 = arith.constant 0 : index
    %get3A_4 = vector.load %arg2[%get3A_2, %get3A_3] : memref<512x128xf32, #tpu.memory_space<vmem>>, vector<512x128xf32>
    %add3A = arith.addf %get3A_1, %get3A_4 : vector<512x128xf32>
    %get3A_5 = arith.constant 0 : index
    %get3A_6 = arith.constant 0 : index
    %get3A_7 = vector.load %arg4[%get3A_5, %get3A_6] : memref<512x128xf32, #tpu.memory_space<vmem>>, vector<512x128xf32>
    %get3A_8 = arith.constant 0 : index
    %get3A_9 = arith.constant 0 : index
    %get3A_10 = vector.load %arg5[%get3A_8, %get3A_9] : memref<512x128xf32, #tpu.memory_space<vmem>>, vector<512x128xf32>
    %add3A_11 = arith.addf %get3A_7, %get3A_10 : vector<512x128xf32>
    %get3A_12 = arith.constant 0 : index
    %get3A_13 = arith.constant 0 : index
    %get3A_14 = vector.load %arg6[%get3A_12, %get3A_13] : memref<128x128xf32, #tpu.memory_space<vmem>>, vector<128x128xf32>
    %dot_general3A = arith.constant dense<0.000000e+00> : vector<512x128xf32>
    %dot_general3A_15 = tpu.matmul %add3A, %get3A_14, %dot_general3A {dimension_numbers = #tpu.dot_dimension_numbers<[1], [0], [0], [1], [0, 0, 1, 1], [], []>, transpose_lhs_hint = false} : vector<512x128xf32>, vector<128x128xf32>, vector<512x128xf32> -> vector<512x128xf32>
    %get3A_16 = arith.constant 0 : index
    %get3A_17 = arith.constant 0 : index
    %get3A_18 = vector.load %arg3[%get3A_16, %get3A_17] : memref<512x128xf32, #tpu.memory_space<vmem>>, vector<512x128xf32>
    %get3A_19 = arith.constant 0 : index
    %get3A_20 = arith.constant 0 : index
    %get3A_21 = vector.load %arg7[%get3A_19, %get3A_20] : memref<128x128xf32, #tpu.memory_space<vmem>>, vector<128x128xf32>
    %dot_general3A_22 = arith.constant dense<0.000000e+00> : vector<512x128xf32>
    %dot_general3A_23 = tpu.matmul %get3A_18, %get3A_21, %dot_general3A_22 {dimension_numbers = #tpu.dot_dimension_numbers<[1], [0], [0], [1], [0, 0, 1, 1], [], []>, transpose_lhs_hint = false} : vector<512x128xf32>, vector<128x128xf32>, vector<512x128xf32> -> vector<512x128xf32>
    %add3A_24 = arith.addf %dot_general3A_15, %dot_general3A_23 : vector<512x128xf32>
    %get3A_25 = arith.constant 0 : index
    %get3A_26 = arith.constant 0 : index
    %get3A_27 = vector.load %arg8[%get3A_25, %get3A_26] : memref<128x128xf32, #tpu.memory_space<vmem>>, vector<128x128xf32>
    %dot_general3A_28 = arith.constant dense<0.000000e+00> : vector<512x128xf32>
    %dot_general3A_29 = tpu.matmul %add3A_11, %get3A_27, %dot_general3A_28 {dimension_numbers = #tpu.dot_dimension_numbers<[1], [0], [0], [1], [0, 0, 1, 1], [], []>, transpose_lhs_hint = false} : vector<512x128xf32>, vector<128x128xf32>, vector<512x128xf32> -> vector<512x128xf32>
    %add3A_30 = arith.addf %add3A_24, %dot_general3A_29 : vector<512x128xf32>
    %get3A_31 = arith.constant 0 : index
    %get3A_32 = arith.constant 0 : index
    %get3A_33 = vector.load %arg9[%get3A_31, %get3A_32] : memref<1x128xf32, #tpu.memory_space<vmem>>, vector<1x128xf32>
    %add3A_34 = vector.broadcast %get3A_33 : vector<1x128xf32> to vector<512x128xf32>
    %add3A_35 = arith.addf %add3A_30, %add3A_34 : vector<512x128xf32>
    %max3A = arith.constant 0.000000e+00 : f32
    %max3A_36 = vector.broadcast %max3A : f32 to vector<512x128xf32>
    %max3A_37 = arith.maximumf %add3A_35, %max3A_36 : vector<512x128xf32>
    %swap3A = arith.constant 0 : index
    %swap3A_38 = arith.constant 0 : index
    %swap3A_39 = vector.load %arg10[%swap3A, %swap3A_38] : memref<512x128xf32, #tpu.memory_space<vmem>>, vector<512x128xf32>
    tpu.vector_store %arg10[%swap3A, %swap3A_38], %max3A_37 {strides = array<i32>} : memref<512x128xf32, #tpu.memory_space<vmem>>, vector<512x128xf32>,
    return
  }
  func.func @transform_0(%arg0: i32) -> (i32, i32) {
    %c0_i32 = arith.constant 0 : i32
    %c0_i32_0 = arith.constant 0 : i32
    return %arg0, %c0_i32 : i32, i32
  }
  func.func @transform_1(%arg0: i32) -> (i32, i32) {
    %add3A = arith.constant 20 : i32
    %add3A_0 = arith.addi %add3A, %arg0 : i32
    %c0_i32 = arith.constant 0 : i32
    %c0_i32_1 = arith.constant 0 : i32
    return %add3A_0, %c0_i32 : i32, i32
  }
  func.func @transform_2(%arg0: i32) -> (i32, i32) {
    %c0_i32 = arith.constant 0 : i32
    %c0_i32_0 = arith.constant 0 : i32
    return %arg0, %c0_i32 : i32, i32
  }
  func.func @transform_3(%arg0: i32) -> (i32, i32) {
    %c0_i32 = arith.constant 0 : i32
    %c0_i32_0 = arith.constant 0 : i32
    return %arg0, %c0_i32 : i32, i32
  }
  func.func @transform_4(%arg0: i32) -> (i32, i32) {
    %add3A = arith.constant 20 : i32
    %add3A_0 = arith.addi %add3A, %arg0 : i32
    %c0_i32 = arith.constant 0 : i32
    %c0_i32_1 = arith.constant 0 : i32
    return %add3A_0, %c0_i32 : i32, i32
  }
  func.func @transform_5(%arg0: i32) -> (i32, i32) {
    %c0_i32 = arith.constant 0 : i32
    %c0_i32_0 = arith.constant 0 : i32
    %c0_i32_1 = arith.constant 0 : i32
    return %c0_i32, %c0_i32_0 : i32, i32
  }
  func.func @transform_6(%arg0: i32) -> (i32, i32) {
    %c0_i32 = arith.constant 0 : i32
    %c0_i32_0 = arith.constant 0 : i32
    %c0_i32_1 = arith.constant 0 : i32
    return %c0_i32, %c0_i32_0 : i32, i32
  }
  func.func @transform_7(%arg0: i32) -> (i32, i32) {
    %c0_i32 = arith.constant 0 : i32
    %c0_i32_0 = arith.constant 0 : i32
    %c0_i32_1 = arith.constant 0 : i32
    return %c0_i32, %c0_i32_0 : i32, i32
  }
  func.func @transform_8(%arg0: i32) -> (i32, i32) {
    %c0_i32 = arith.constant 0 : i32
    %c0_i32_0 = arith.constant 0 : i32
    %c0_i32_1 = arith.constant 0 : i32
    return %c0_i32, %c0_i32_0 : i32, i32
  }
  func.func @transform_9(%arg0: i32) -> (i32, i32) {
    %c0_i32 = arith.constant 0 : i32
    %c0_i32_0 = arith.constant 0 : i32
    return %arg0, %c0_i32 : i32, i32
  }
}

module attributes {stable_mosaic.version = 14 : i64} {
  func.func @_dense2_body(%arg0: i32, %arg1: memref<512x128xf32, #tpu.memory_space<vmem>>, %arg2: memref<512x128xf32, #tpu.memory_space<vmem>>, %arg3: memref<512x128xf32, #tpu.memory_space<vmem>>, %arg4: memref<512x128xf32, #tpu.memory_space<vmem>>, %arg5: memref<512x128xf32, #tpu.memory_space<vmem>>, %arg6: memref<128x128xf32, #tpu.memory_space<vmem>>, %arg7: memref<128x128xf32, #tpu.memory_space<vmem>>, %arg8: memref<128x128xf32, #tpu.memory_space<vmem>>, %arg9: memref<1x128xf32, #tpu.memory_space<vmem>>, %arg10: memref<1x1x512xi32, #tpu.memory_space<vmem>>, %arg11: memref<64x128xf32, #tpu.memory_space<vmem>>) attributes {dimension_semantics = [#tpu.dimension_semantics<arbitrary>], iteration_bounds = array<i64: 20>, scalar_prefetch = 0 : i64, scratch_operands = 0 : i64, tpu.core_type = #tpu.core_type<tc>, window_params = [{transform_indices = @transform_0, window_bounds = array<i64: 512, 128>}, {transform_indices = @transform_1, window_bounds = array<i64: 512, 128>}, {transform_indices = @transform_2, window_bounds = array<i64: 512, 128>}, {transform_indices = @transform_3, window_bounds = array<i64: 512, 128>}, {transform_indices = @transform_4, window_bounds = array<i64: 512, 128>}, {pipeline_mode = #tpu.pipeline_mode<synchronous>, transform_indices = @transform_5, window_bounds = array<i64: 128, 128>}, {pipeline_mode = #tpu.pipeline_mode<synchronous>, transform_indices = @transform_6, window_bounds = array<i64: 128, 128>}, {pipeline_mode = #tpu.pipeline_mode<synchronous>, transform_indices = @transform_7, window_bounds = array<i64: 128, 128>}, {pipeline_mode = #tpu.pipeline_mode<synchronous>, transform_indices = @transform_8, window_bounds = array<i64: 1, 128>}, {transform_indices = @transform_9, window_bounds = array<i64: 1, 1, 512>}, {pipeline_mode = #tpu.pipeline_mode<synchronous>, transform_indices = @transform_10, window_bounds = array<i64: 64, 128>}]} {
    %get3A = arith.constant 0 : index
    %get3A_0 = arith.constant 0 : index
    %get3A_1 = vector.load %arg1[%get3A, %get3A_0] : memref<512x128xf32, #tpu.memory_space<vmem>>, vector<512x128xf32>
    %get3A_2 = arith.constant 0 : index
    %get3A_3 = arith.constant 0 : index
    %get3A_4 = vector.load %arg2[%get3A_2, %get3A_3] : memref<512x128xf32, #tpu.memory_space<vmem>>, vector<512x128xf32>
    %add3A = arith.addf %get3A_1, %get3A_4 : vector<512x128xf32>
    %get3A_5 = arith.constant 0 : index
    %get3A_6 = arith.constant 0 : index
    %get3A_7 = vector.load %arg4[%get3A_5, %get3A_6] : memref<512x128xf32, #tpu.memory_space<vmem>>, vector<512x128xf32>
    %get3A_8 = arith.constant 0 : index
    %get3A_9 = arith.constant 0 : index
    %get3A_10 = vector.load %arg5[%get3A_8, %get3A_9] : memref<512x128xf32, #tpu.memory_space<vmem>>, vector<512x128xf32>
    %add3A_11 = arith.addf %get3A_7, %get3A_10 : vector<512x128xf32>
    %get3A_12 = arith.constant 0 : index
    %get3A_13 = arith.constant 0 : index
    %get3A_14 = vector.load %arg6[%get3A_12, %get3A_13] : memref<128x128xf32, #tpu.memory_space<vmem>>, vector<128x128xf32>
    %dot_general3A = arith.constant dense<0.000000e+00> : vector<512x128xf32>
    %dot_general3A_15 = tpu.matmul %add3A, %get3A_14, %dot_general3A {dimension_numbers = #tpu.dot_dimension_numbers<[1], [0], [0], [1], [0, 0, 1, 1], [], []>, transpose_lhs_hint = false} : vector<512x128xf32>, vector<128x128xf32>, vector<512x128xf32> -> vector<512x128xf32>
    %get3A_16 = arith.constant 0 : index
    %get3A_17 = arith.constant 0 : index
    %get3A_18 = vector.load %arg3[%get3A_16, %get3A_17] : memref<512x128xf32, #tpu.memory_space<vmem>>, vector<512x128xf32>
    %get3A_19 = arith.constant 0 : index
    %get3A_20 = arith.constant 0 : index
    %get3A_21 = vector.load %arg7[%get3A_19, %get3A_20] : memref<128x128xf32, #tpu.memory_space<vmem>>, vector<128x128xf32>
    %dot_general3A_22 = arith.constant dense<0.000000e+00> : vector<512x128xf32>
    %dot_general3A_23 = tpu.matmul %get3A_18, %get3A_21, %dot_general3A_22 {dimension_numbers = #tpu.dot_dimension_numbers<[1], [0], [0], [1], [0, 0, 1, 1], [], []>, transpose_lhs_hint = false} : vector<512x128xf32>, vector<128x128xf32>, vector<512x128xf32> -> vector<512x128xf32>
    %add3A_24 = arith.addf %dot_general3A_15, %dot_general3A_23 : vector<512x128xf32>
    %get3A_25 = arith.constant 0 : index
    %get3A_26 = arith.constant 0 : index
    %get3A_27 = vector.load %arg8[%get3A_25, %get3A_26] : memref<128x128xf32, #tpu.memory_space<vmem>>, vector<128x128xf32>
    %dot_general3A_28 = arith.constant dense<0.000000e+00> : vector<512x128xf32>
    %dot_general3A_29 = tpu.matmul %add3A_11, %get3A_27, %dot_general3A_28 {dimension_numbers = #tpu.dot_dimension_numbers<[1], [0], [0], [1], [0, 0, 1, 1], [], []>, transpose_lhs_hint = false} : vector<512x128xf32>, vector<128x128xf32>, vector<512x128xf32> -> vector<512x128xf32>
    %add3A_30 = arith.addf %add3A_24, %dot_general3A_29 : vector<512x128xf32>
    %get3A_31 = arith.constant 0 : index
    %get3A_32 = arith.constant 0 : index
    %get3A_33 = vector.load %arg9[%get3A_31, %get3A_32] : memref<1x128xf32, #tpu.memory_space<vmem>>, vector<1x128xf32>
    %add3A_34 = vector.broadcast %get3A_33 : vector<1x128xf32> to vector<512x128xf32>
    %add3A_35 = arith.addf %add3A_30, %add3A_34 : vector<512x128xf32>
    %max3A = arith.constant 0.000000e+00 : f32
    %max3A_36 = vector.broadcast %max3A : f32 to vector<512x128xf32>
    %max3A_37 = arith.maximumf %add3A_35, %max3A_36 : vector<512x128xf32>
    %get3A_38 = arith.constant 0 : index
    %get3A_39 = arith.constant 0 : index
    %get3A_40 = arith.constant 0 : index
    %get3A_41 = vector.load %arg10[%get3A_38, %get3A_39, %get3A_40] : memref<1x1x512xi32, #tpu.memory_space<vmem>>, vector<1x1x512xi32>
    %get3A_42 = vector.shape_cast %get3A_41 : vector<1x1x512xi32> to vector<1x512xi32>
    %iota3A = tpu.iota {dimensions = array<i32: 0>} : vector<64x512xi32>
    %broadcast_in_dim3A = vector.shape_cast %get3A_42 : vector<1x512xi32> to vector<1x512xi32>
    %broadcast_in_dim3A_43 = vector.broadcast %broadcast_in_dim3A : vector<1x512xi32> to vector<64x512xi32>
    %eq3A = arith.cmpi eq, %broadcast_in_dim3A_43, %iota3A : vector<64x512xi32>
    %jit3A = arith.constant 1.000000e+00 : f32
    %jit3A_44 = arith.constant 0.000000e+00 : f32
    %broadcast_in_dim3A_45 = vector.broadcast %jit3A : f32 to vector<64x512xf32>
    %broadcast_in_dim3A_46 = vector.broadcast %jit3A_44 : f32 to vector<64x512xf32>
    %select_n3A = arith.select %eq3A, %broadcast_in_dim3A_45, %broadcast_in_dim3A_46 : vector<64x512xi1>, vector<64x512xf32>
    %dot_general3A_47 = arith.constant dense<0.000000e+00> : vector<64x128xf32>
    %dot_general3A_48 = tpu.matmul %select_n3A, %max3A_37, %dot_general3A_47 {dimension_numbers = #tpu.dot_dimension_numbers<[1], [0], [0], [1], [0, 0, 1, 1], [], []>, transpose_lhs_hint = false} : vector<64x512xf32>, vector<512x128xf32>, vector<64x128xf32> -> vector<64x128xf32>
    %eq3A_49 = arith.constant 0 : i32
    %eq3A_50 = arith.cmpi eq, %arg0, %eq3A_49 : i32
    %convert_element_type3A = arith.extui %eq3A_50 : i1 to i32
    %cond3A = arith.constant 0 : i32
    %cond3A_51 = arith.cmpi ne, %convert_element_type3A, %cond3A : i32
    scf.if %cond3A_51 {
      %swap3A = arith.constant 0 : index
      %swap3A_56 = arith.constant 0 : index
      %swap3A_57 = vector.load %arg11[%swap3A, %swap3A_56] : memref<64x128xf32, #tpu.memory_space<vmem>>, vector<64x128xf32>
      tpu.vector_store %arg11[%swap3A, %swap3A_56], %dot_general3A_48 {strides = array<i32>} : memref<64x128xf32, #tpu.memory_space<vmem>>, vector<64x128xf32>,
    } else {
    }
    %ne3A = arith.constant 0 : i32
    %ne3A_52 = arith.cmpi ne, %arg0, %ne3A : i32
    %convert_element_type3A_53 = arith.extui %ne3A_52 : i1 to i32
    %cond3A_54 = arith.constant 0 : i32
    %cond3A_55 = arith.cmpi ne, %convert_element_type3A_53, %cond3A_54 : i32
    scf.if %cond3A_55 {
      %get3A_56 = arith.constant 0 : index
      %get3A_57 = arith.constant 0 : index
      %get3A_58 = vector.load %arg11[%get3A_56, %get3A_57] : memref<64x128xf32, #tpu.memory_space<vmem>>, vector<64x128xf32>
      %add3A_59 = arith.addf %get3A_58, %dot_general3A_48 : vector<64x128xf32>
      %swap3A = arith.constant 0 : index
      %swap3A_60 = arith.constant 0 : index
      %swap3A_61 = vector.load %arg11[%swap3A, %swap3A_60] : memref<64x128xf32, #tpu.memory_space<vmem>>, vector<64x128xf32>
      tpu.vector_store %arg11[%swap3A, %swap3A_60], %add3A_59 {strides = array<i32>} : memref<64x128xf32, #tpu.memory_space<vmem>>, vector<64x128xf32>,
    } else {
    }
    return
  }
  func.func @transform_0(%arg0: i32) -> (i32, i32) {
    %c0_i32 = arith.constant 0 : i32
    %c0_i32_0 = arith.constant 0 : i32
    return %arg0, %c0_i32 : i32, i32
  }
  func.func @transform_1(%arg0: i32) -> (i32, i32) {
    %add3A = arith.constant 20 : i32
    %add3A_0 = arith.addi %add3A, %arg0 : i32
    %c0_i32 = arith.constant 0 : i32
    %c0_i32_1 = arith.constant 0 : i32
    return %add3A_0, %c0_i32 : i32, i32
  }
  func.func @transform_2(%arg0: i32) -> (i32, i32) {
    %c0_i32 = arith.constant 0 : i32
    %c0_i32_0 = arith.constant 0 : i32
    return %arg0, %c0_i32 : i32, i32
  }
  func.func @transform_3(%arg0: i32) -> (i32, i32) {
    %c0_i32 = arith.constant 0 : i32
    %c0_i32_0 = arith.constant 0 : i32
    return %arg0, %c0_i32 : i32, i32
  }
  func.func @transform_4(%arg0: i32) -> (i32, i32) {
    %add3A = arith.constant 20 : i32
    %add3A_0 = arith.addi %add3A, %arg0 : i32
    %c0_i32 = arith.constant 0 : i32
    %c0_i32_1 = arith.constant 0 : i32
    return %add3A_0, %c0_i32 : i32, i32
  }
  func.func @transform_5(%arg0: i32) -> (i32, i32) {
    %c0_i32 = arith.constant 0 : i32
    %c0_i32_0 = arith.constant 0 : i32
    %c0_i32_1 = arith.constant 0 : i32
    return %c0_i32, %c0_i32_0 : i32, i32
  }
  func.func @transform_6(%arg0: i32) -> (i32, i32) {
    %c0_i32 = arith.constant 0 : i32
    %c0_i32_0 = arith.constant 0 : i32
    %c0_i32_1 = arith.constant 0 : i32
    return %c0_i32, %c0_i32_0 : i32, i32
  }
  func.func @transform_7(%arg0: i32) -> (i32, i32) {
    %c0_i32 = arith.constant 0 : i32
    %c0_i32_0 = arith.constant 0 : i32
    %c0_i32_1 = arith.constant 0 : i32
    return %c0_i32, %c0_i32_0 : i32, i32
  }
  func.func @transform_8(%arg0: i32) -> (i32, i32) {
    %c0_i32 = arith.constant 0 : i32
    %c0_i32_0 = arith.constant 0 : i32
    %c0_i32_1 = arith.constant 0 : i32
    return %c0_i32, %c0_i32_0 : i32, i32
  }
  func.func @transform_9(%arg0: i32) -> (i32, i32, i32) {
    %c0_i32 = arith.constant 0 : i32
    %c0_i32_0 = arith.constant 0 : i32
    %c0_i32_1 = arith.constant 0 : i32
    return %arg0, %c0_i32, %c0_i32_0 : i32, i32, i32
  }
  func.func @transform_10(%arg0: i32) -> (i32, i32) {
    %c0_i32 = arith.constant 0 : i32
    %c0_i32_0 = arith.constant 0 : i32
    %c0_i32_1 = arith.constant 0 : i32
    return %c0_i32, %c0_i32_0 : i32, i32
  }
}

</mosaic_0001>

<sc_bundles>
// kernel: kernel.12.cloned.1.call-start
scs
__scs_entry_jumppad:
0x0: {  	(pc) =	sbr.rel $0x88, $3  }
0x1: {  	(tag) =	ssettag $0x0;
	lr =	simm.s32 $0x1  }
0x2: {  	[smem:$0x3F93] =	sst lr;
	_ =	strace $0xD0000000  }
0x3: {  	_ = 	snop  }
0x4: {  	_ = 	snop  }
0x5: {  	_ = 	snop  }
0x6: {  	_ = 	snop  }
0x7: {  	_ = 	snop  }
__scs_overlays_trampoline_lowered:
0x8: {  	[smem:$0x3FA2] =	sst s0  }
0x9: {  	[smem:$0x3FA3] =	sst s1  }
0xa: {  	[smem:$0x3FA4] =	sst s2  }
0xb: {  	[smem:$0x3FA5] =	sst s3  }
0xc: {  	[smem:$0x3FA6] =	sst s4  }
0xd: {  	[smem:$0x3FA7] =	sst s5  }
0xe: {  	[smem:$0x3FA8] =	sst s6  }
0xf: {  	[smem:$0x3FA9] =	sst s7  }
0x10: {  	[smem:$0x3FAA] =	sst s8  }
0x11: {  	[smem:$0x3FAB] =	sst s9;
	s0 =	simm.s32 @!p0 $0x0  }
0x12: {  	s1 =	sld [smem:$0x3F91];
	s0 =	simm.s32 @p0 $0x1  }
0x13: {  	[smem:$0x3FAC] =	sst s0;
	s0 =	simm.s32 @!p1 $0x0  }
0x14: {  	s2 =	sld [smem:$0x3F90];
	s0 =	simm.s32 @p1 $0x1  }
0x15: {  	[smem:$0x3FAD] =	sst s0;
	s0 =	simm.s32 @!p2 $0x0  }
0x16: {  	s3 =	sld [smem:$0x3FDB];
	s0 =	simm.s32 @p2 $0x1  }
0x17: {  	s4 =	simm.s32 $0x1BF5;
	[smem:$0x3FAF] =	sst s0  }
0x18: {  	s0 =	sld [smem:$0x3F92];
	_ =	swait.ge [sflag:s4], $0x0  }
0x19: {  	s7 =	sld [smem:$0x3F93]  }
0x1a: {  	s8 =	sadd.s32 $0xFFFFE003, lr  }
0x1b: {  	s9 =	sadd.s32 $0xFFFFFEF7, lr;
	s5 =	simm.s32 $0xFFFFFFFF;
	p2 =	slt.u32 s8, $0xFFFFF086  }
0x1c: {  	p1 =	slt.u32 s9, $0xF7A;
	s5 =	simm.s32 @!p2 $0x0  }
0x1d: {  	s5 =	simm.s32 @p1 $0x1;
	p0 =	seq.s32 s7, s2  }
0x1e: {  	s7 =	smul.u32 @!p0 $0xF7A, s2;
	p2 =	seq.s32 @!p0 s5, $0x0  }
0x1f: {  	s9 =	smul.u32 $0xF7A, s1;
	s8 =	simm.s32 @!p0 $0x1BF5;
	p2 =	por !p2, p0  }
0x20: {  	[sflag:s8] =	ssyncset.s32 @!p0 $0xFFFFF086;
	s6 =	sadd.s32 @!p0 s3, s7;
	s7 =	simm.s32 @!p0 $0x108  }
0x21: {  	s3 =	sadd.s32 s3, s9;
	s6 =	sadd.s32 @!p0 $0x88, s6;
	s7 =	simm.s32 @p2 $0x1082  }
0x22: {  	[simem:s7], [sflag:s8] =	dma.local @!p0 [hbm:s6], $0xF7A  }
0x23: {  	s9 =	sor.u32 $0xD0000000, s2;
	s6 =	simm.s32 $0x108;
	_ =	swait.ge @!p0 [sflag:s8], $0x0  }
0x24: {  	s3 =	sadd.s32 $0x88, s3;
	s6 =	simm.s32 @!p1 $0x1082;
	[sflag:s4] =	ssyncset.s32 $0xFFFFF086  }
0x25: {  	[simem:s6], [sflag:s4] =	dma.local [hbm:s3], $0xF7A  }
0x26: {  	[smem:$0x3F93] =	sst s1;
	(tag) =	ssettag s2;
	_ =	strace s9  }
0x27: {  	s1 =	sld [smem:$0x3FA3]  }
0x28: {  	s2 =	sld [smem:$0x3FA4]  }
0x29: {  	s4 =	sld [smem:$0x3FA6]  }
0x2a: {  	p0 =	seq.s32 s5, $0x0;
	s5 =	sld [smem:$0x3FA7]  }
0x2b: {  	s6 =	sld [smem:$0x3FA8]  }
0x2c: {  	s7 =	sld [smem:$0x3FA9]  }
0x2d: {  	s3 =	simm.s32 $0x108;
	s8 =	sld [smem:$0x3FAA]  }
0x2e: {  	s3 =	simm.s32 @!p0 $0x1082;
	s9 =	sld [smem:$0x3FAB]  }
0x2f: {  	lr =	sadd.s32 s0, s3;
	s0 =	sld [smem:$0x3FA2]  }
0x30: {  	s3 =	sld [smem:$0x3FA5]  }
0x31: {  	[smem:$0x3FAE] =	sst s10  }
0x32: {  	s10 =	sld [smem:$0x3FAC];
	_ =	sdelay $0x3  }
0x33: {  	p0 =	seq.s32 s10, $0x1;
	s10 =	sld [smem:$0x3FAE];
	_ =	sdelay $0x3  }
0x34: {  	[smem:$0x3FAE] =	sst s10  }
0x35: {  	s10 =	sld [smem:$0x3FAD];
	_ =	sdelay $0x3  }
0x36: {  	p1 =	seq.s32 s10, $0x1;
	s10 =	sld [smem:$0x3FAE];
	_ =	sdelay $0x3  }
0x37: {  	[smem:$0x3FAE] =	sst s10  }
0x38: {  	s10 =	sld [smem:$0x3FAF]  }
0x39: {  	_ = 	snop;
	(pc) =	sbr.ind lr, $3  }
0x3a: {  	_ = 	snop  }
0x3b: {  	_ = 	snop  }
0x3c: {  	p2 =	seq.s32 s10, $0x1;
	s10 =	sld [smem:$0x3FAE]  }
0x3d: {  	_ =	shalt  }
0x3e: {  	_ =	shalt  }
0x3f: {  	_ =	shalt  }
0x40: {  	_ =	shalt  }
0x41: {  	_ =	shalt  }
0x42: {  	_ =	shalt  }
0x43: {  	_ =	shalt  }
0x44: {  	_ =	shalt  }
0x45: {  	_ =	shalt  }
0x46: {  	_ =	shalt  }
0x47: {  	_ =	shalt  }
0x48: {  	_ =	shalt  }
0x49: {  	_ =	shalt  }
0x4a: {  	_ =	shalt  }
0x4b: {  	_ =	shalt  }
0x4c: {  	_ =	shalt  }
0x4d: {  	_ =	shalt  }
0x4e: {  	_ =	shalt  }
0x4f: {  	_ =	shalt  }
0x50: {  	_ =	shalt  }
0x51: {  	_ =	shalt  }
0x52: {  	_ =	shalt  }
0x53: {  	_ =	shalt  }
0x54: {  	_ =	shalt  }
0x55: {  	_ =	shalt  }
0x56: {  	_ =	shalt  }
0x57: {  	_ =	shalt  }
0x58: {  	_ =	shalt  }
0x59: {  	_ =	shalt  }
0x5a: {  	_ =	shalt  }
0x5b: {  	_ =	shalt  }
0x5c: {  	_ =	shalt  }
0x5d: {  	_ =	shalt  }
0x5e: {  	_ =	shalt  }
0x5f: {  	_ =	shalt  }
0x60: {  	_ =	shalt  }
0x61: {  	_ =	shalt  }
0x62: {  	_ =	shalt  }
0x63: {  	_ =	shalt  }
0x64: {  	_ =	shalt  }
0x65: {  	_ =	shalt  }
0x66: {  	_ =	shalt  }
0x67: {  	_ =	shalt  }
0x68: {  	_ =	shalt  }
0x69: {  	_ =	shalt  }
0x6a: {  	_ =	shalt  }
0x6b: {  	_ =	shalt  }
0x6c: {  	_ =	shalt  }
0x6d: {  	_ =	shalt  }
0x6e: {  	_ =	shalt  }
0x6f: {  	_ =	shalt  }
0x70: {  	_ =	shalt  }
0x71: {  	_ =	shalt  }
0x72: {  	_ =	shalt  }
0x73: {  	_ =	shalt  }
0x74: {  	_ =	shalt  }
0x75: {  	_ =	shalt  }
0x76: {  	_ =	shalt  }
0x77: {  	_ =	shalt  }
0x78: {  	_ =	shalt  }
0x79: {  	_ =	shalt  }
0x7a: {  	_ =	shalt  }
0x7b: {  	_ =	shalt  }
0x7c: {  	_ =	shalt  }
0x7d: {  	_ =	shalt  }
0x7e: {  	_ =	shalt  }
0x7f: {  	_ =	shalt  }
0x80: {  	_ =	shalt  }
0x81: {  	_ =	shalt  }
0x82: {  	_ =	shalt  }
0x83: {  	_ =	shalt  }
0x84: {  	_ =	shalt  }
0x85: {  	_ =	shalt  }
0x86: {  	_ =	shalt  }
0x87: {  	_ =	shalt  }
.Lfunc_end0:
.L_simem_size_0:
called_computation.1_lowered:
.L_overlay_start_0:
0x88: {  	s2 =	sld [smem:$0x3FD9]  }
0x89: {  	s3 =	sld [smem:$0x3FFE];
	_ =	sdelay $0x1  }
0x8a: {  	s1 =	srdreg.scid  }
0x8b: {  	s0 =	sand.u32 $0x1, s1  }
0x8c: {  	s16 =	sshll.u32 s0, $0xA;
	s2 =	sadd.s32 s3, s2  }
0x8d: {  	s2 =	sadd.s32 s2, s16  }
0x8e: {  	[smem:$0x3FBA] =	sst s2  }
0x8f: {  	_ = 	snop  }
0x90: {  	(tm) =	ssettm $0x1  }
0x91: {  	s17 =	sld [smem:$0x3FFB];
	_ =	sdelay $0x3  }
0x92: {  	_ =	strace s17  }
0x93: {  	s2 =	sld [smem:$0x3FFC];
	_ =	sdelay $0x3  }
0x94: {  	_ =	strace s2  }
0x95: {  	s2 =	sld [smem:$0x3FFD];
	_ =	sdelay $0x3  }
0x96: {  	_ =	strace s2  }
0x97: {  	_ =	strace $0x8FFFFFFF  }
0x98: {  	s18 =	sld [smem:$0x3FDB];
	_ =	sdelay $0x1  }
0x99: {  	s19 =	simm.s32 $_scs_section_size  }
0x9a: {  	s4 =	simm.s32 $_size__tile_overlayer_lowered;
	s5 =	simm.s32 $_tile_overlayer_lowered  }
0x9b: {  	s22 =	simm.s32 $0x1BFF;
	s21 =	sshll.u32 s5, $0x1;
	s2 =	sadd.s32 s19, s18  }
0x9c: {  	s6 =	simm.s32 $0x0;
	s20 =	sshll.u32 s4, $0x1;
	s4 =	sadd.s32 s21, s2  }
0x9d: {  	[timem:s6], [sflag:s22] =	dma.local [hbm:s4], s20  }
0x9e: {  	_ =	swait.ge [sflag:s22], s20  }
0x9f: {  	s3 =	ssub.s32 $0x0, s20;
	[sflag:s22] =	ssyncset.done $0x0  }
0xa0: {  	[sflag:s22] =	ssyncadd.s32 s3;
	_ =	sdelay $0x1  }
0xa1: {  	s23 =	simm.s32 $0x1B8B  }
0xa2: {  	_ =	swait.ge [sflag:s23], $0x1  }
0xa3: {  	[sflag:s23] =	ssyncset.done $0x0  }
0xa4: {  	s25 =	simm.s32 $0x1B8E;
	s24 =	sld [smem:$0x3FFE];
	[sflag:s23] =	ssyncadd.s32 $0xFFFFFFFF  }
0xa5: {  	s26 =	simm.s32 $execute0_lowered;
	[smem:$0x3FD2] =	sst s25  }
0xa6: {  	s4 =	sshll.u32 s26, $0x1;
	_ =	strace $0x80000046;
	[dreg:$0x1] =	wrdreg $0xFFFFFFFF  }
0xa7: {  	s28 =	simm.s32 $_size_execute0_lowered;
	s2 =	sadd.s32 s2, s4;
	[dreg:$0x0] =	wrdreg $0x0  }
0xa8: {  	s4 =	sshll.u32 s28, $0x1;
	[dreg:$0x2] =	wrdreg s2  }
0xa9: {  	[dreg:$0x3] =	wrdreg s4  }
0xaa: {  	[dreg:$0x4] =	wrdreg $0xC0  }
0xab: {  	_ =	task [dreg:s6], $0x5FFFF  }
0xac: {  	[dreg:$0x1] =	wrdreg $0xFFFFFFFF  }
0xad: {  	[dreg:$0x0] =	wrdreg $0x60  }
0xae: {  	[dreg:$0x2] =	wrdreg s24  }
0xaf: {  	[dreg:$0x3] =	wrdreg $0x7A000  }
0xb0: {  	[dreg:$0x4] =	wrdreg $0xA  }
0xb1: {  	_ =	task.clear_ibuf [dreg:s6], $0x5FFFF;
	_ =	strace $0x90000046  }
0xb2: {  	s29 =	simm.s32 $0xA;
	_ =	strace $0x80000048  }
0xb3: {  	_ =	swait.ge [sflag:s29], $0x1  }
0xb4: {  	[sflag:s29] =	ssyncadd.s32 $0xFFFFFFFF  }
0xb5: {  	_ =	strace $0x90000048  }
0xb6: {  	_ =	sfence  }
0xb7: {  	s30 =	sld [smem:$0x0];
	_ =	sdelay $0x2  }
0xb8: {  	s31 =	sshll.u32 s1, $0xD;
	s1 =	sshrl.u32 s1, $0x2  }
0xb9: {  	s3 =	sand.u32 $0x4000, s31;
	s1 =	sadd.s32 s1, s30  }
0xba: {  	s0 =	sor.u32 s3, s0;
	s1 =	sshll.u32 s1, $0x11  }
0xbb: {  	s0 =	sor.u32 s1, s0  }
0xbc: {  	s0 =	sadd.s32 $0x8F2B, s0  }
0xbd: {  	[sflag:s0] =	ssyncadd.remote.s32 $0x1  }
0xbe: {  	_ =	sfence.sel $0xFFFF  }
0xbf: {  	[dreg:$0x0] =	wrdreg $0xFFFFFFFF;
	(pc) =	sbr.abs _section_cstart, $3  }
0xc0: {  	[dreg:$0x1] =	wrdreg $0xFFFFFFFF  }
0xc1: {  	_ =	task.clear_ibuf [dreg:s6], $0x2FFFF;
	_ =	strace $0x9FFFFFFF  }
0xc2: {  	(tm) =	ssettm $0x7FFFFFFF  }
0xc3: {  	_ =	shalt  }
tec
execute0_lowered:
.L_overlay_start_1:
0x0: {  	(tag) =	ssettag $0x1  }
0x1: {  	s8 =	rddreg [dreg:$0x0]  }
0x2: {  	s1 =	srdreg.scid;
	s0 =	stileid.u32  }
0x3: {  	s2 =	rddreg [dreg:$0x1];
	s17 =	simm.s32 $0x0;
	s14 =	sand.u32 $0x1, s1  }
0x4: {  	s4 =	sshll.u32 s0, $0x1;
	[smem:$0x7FF] =	sst s17;
	s9 =	smul.u32 $0x2800, s0  }
0x5: {  	s5 =	sadd.s32 $0xE000, s8;
	s6 =	sadd.s32 $0x3E00, s8;
	s15 =	smul.u32 $0x50000, s0  }
0x6: {  	s18 =	sadd.s32 $0x40200, s8;
	s21 =	smul.u32 $0xFFFFAF60, s0;
	s23 =	sshll.u32 s0, $0x6  }
0x7: {  	s20 =	sor.u32 s14, s4;
	_ =	strace $0x80000047;
	s10 =	smul.u32 $0x28000, s14  }
0x8: {  	s4 =	sadd.s32 $0x18200, s8;
	s13 =	ssub.s32 $0x2, s14;
	s16 =	smul.u32 $0xFFFFD7B0, s14  }
0x9: {  	[dreg:$0x5] =	wrdreg s18;
	s11 =	smul.u32 $0x2850, s20;
	s19 =	sshrl.u32 s13, $0x1  }
0xa: {  	s22 =	sshrl.u32 s15, $0x2;
	p0 =	seq.s32 s20, $0x1F;
	s20 =	simm.s32 $0x7  }
0xb: {  	s9 =	sadd.s32 s9, s10;
	s18 =	ssub.s32 s13, s19;
	s10 =	sor.u32 $0x1C07, s23  }
0xc: {  	s24 =	sadd.s32 s21, s16;
	s19 =	smul.u32 $0x50A0, s0;
	s7 =	ssub.s32 $0x4E270, s11  }
0xd: {  	s17 =	sadd.s32 s9, s8;
	s9 =	sadd.s32 s22, s2;
	s12 =	smulhi.u32 $0x2222223, s7  }
0xe: {  	s25 =	sshrl.u32 s11, $0x3;
	s26 =	sadd.s32 $0x78, s11;
	s22 =	smul.u32 $0x2850, s14  }
0xf: {  	s15 =	sshrl.u32 s26, $0x3;
	s8 =	smin.u32 s12, $0x56;
	s12 =	sadd.s32 $0x4E270, s24  }
0x10: {  	s11 =	sadd.s32 s5, s25;
	s13 =	sadd.s32 s5, s15;
	s28 =	smulhi.u32 $0x88888889, s12  }
0x11: {  	s14 =	sadd.s32 s6, s15;
	s15 =	sadd.s32 $0x42A00, s17;
	s19 =	sadd.s32 s22, s19  }
0x12: {  	s22 =	simm.s32 $0x0;
	s30 =	sadd.s32 $0x168, s19;
	s16 =	sshrl.u32 s28, $0x6  }
0x13: {  	s12 =	sadd.s32 s6, s25;
	s21 =	sadd.s32 $0xFFFFFFFF, s8;
	s16 =	smin.u32 s16, $0x56  }
0x14: {  	s31 =	sshrl.u32 s30, $0x3;
	[dreg:$0x3] =	wrdreg s21;
	s29 =	sadd.s32 $0x1, s16  }
0x15: {  	s16 =	smax.u32 s18, $0x1;
	s18 =	sadd.s32 s31, s6;
	s17 =	sand.u32 $0xFE, s29  }
0x16: {  	[dreg:$0x4] =	wrdreg s17;
	s17 =	sadd.s32 $0xF0, s19;
	s19 =	sadd.s32 s31, s5  }
.LBB2_1:
0x17: {  	s23 =	sshrl.u32 s9, $0x3;
	s0 =	rddreg [dreg:$0x5]  }
0x18: {  	[spmem:s23], [sflag:s10] =	dma.local [hbm:s0], $0x2800  }
0x19: {  	_ =	swait.ge [sflag:s20], $0x2800  }
0x1a: {  	[sflag:s20] =	ssyncset.done $0x0  }
0x1b: {  	[sflag:s20] =	ssyncadd.s32 $0xFFFFD800  }
0x1c: {  	s7 =	simm.s32 $0x0;
	[bflag:$0x0] =	sbarrier.arrive $0xFFFF  }
0x1d: {  	[tilespmem:s7], [sflag:$0x1] =	stream.linear.gather [hbm4b:s11+s7], $0x78, $0x38;
	[tilespmem:$0x1BA00] =	vst v63  }
0x1e: {  	s1 =	simm.s32 $0x100  }
0x1f: {  	[tilespmem:s1], [sflag:$0x1] =	stream.linear.gather [hbm4b:s12+s7], $0x78, $0x38;
	[tilespmem:$0x1BA00] =	vst v63  }
0x20: {  	s24 =	simm.s32 @!p0 $0x0;
	s25 =	simm.s32 @!p0 $0x80  }
0x21: {  	[tilespmem:s25], [sflag:$0x2] =	stream.linear.gather @!p0 [hbm4b:s13+s24], $0x78, $0x38;
	[tilespmem:$0x1BA00] =	vst v63  }
0x22: {  	p1 =	sle.u32 s8, $0x0;
	s25 =	simm.s32 @!p0 $0x180  }
0x23: {  	[tilespmem:s25], [sflag:$0x2] =	stream.linear.gather @!p0 [hbm4b:s14+s24], $0x78, $0x38;
	[tilespmem:$0x1BA00] =	vst v63  }
0x24: {  	s24 =	simm.s32 @!p1 $0x1  }
0x25: {  	_ =	swait.ge @!p1 [sflag:s24], $0x78  }
0x26: {  	[sflag:s24] =	ssyncset.done @!p1 $0x0  }
0x27: {  	[sflag:s24] =	ssyncadd.s32 @!p1 $0xFFFFFF88  }
0x28: {  	s28 =	simm.s32 @!p1 $0x0;
	_ =	swait.ge @!p1 [sflag:s24], $0x78  }
0x29: {  	s25 =	simm.s32 @!p1 $0x200;
	[sflag:s24] =	ssyncset.done @!p1 $0x0;
	s26 =	rddreg [dreg:$0x3]  }
0x2a: {  	[sflag:s24] =	ssyncadd.s32 @!p1 $0xFFFFFF88;
	s24 =	simm.s32 @!p1 $0x78;
	p2 =	sle.u32 s26, $0x0  }
0x2b: {  	[tilespmem:s25], [sflag:$0x3] =	stream.indirect.gather @!p1 [hbm4b:s4+s24], $0x80, s28, s24, $0xb8;
	[tilespmem:$0x1BA00] =	vst v63  }
0x2c: {  	s26 =	simm.s32 @!p2 $0x2  }
0x2d: {  	_ =	swait.ge @!p2 [sflag:s26], $0x78  }
0x2e: {  	[sflag:s26] =	ssyncset.done @!p2 $0x0  }
0x2f: {  	[sflag:s26] =	ssyncadd.s32 @!p2 $0xFFFFFF88  }
0x30: {  	_ =	swait.ge @!p2 [sflag:s26], $0x78  }
0x31: {  	s29 =	simm.s32 @!p1 $0x3;
	s28 =	simm.s32 @!p2 $0x3E00;
	[sflag:s26] =	ssyncset.done @!p2 $0x0  }
0x32: {  	s30 =	simm.s32 @!p2 $0x80;
	[sflag:s26] =	ssyncadd.s32 @!p2 $0xFFFFFF88;
	s26 =	simm.s32 @!p2 $0x78  }
0x33: {  	[tilespmem:s28], [sflag:$0x4] =	stream.indirect.gather @!p2 [hbm4b:s4+s26], $0x80, s30, s26, $0xb8;
	[tilespmem:$0x1BA00] =	vst v63  }
0x34: {  	_ =	swait.ge @!p1 [sflag:s29], $0x3C00  }
0x35: {  	[sflag:s29] =	ssyncset.done @!p1 $0x0  }
0x36: {  	s30 =	simm.s32 @!p2 $0x4;
	[sflag:s29] =	ssyncadd.s32 @!p1 $0xFFFFC400;
	s29 =	simm.s32 @!p1 $0x100  }
0x37: {  	[spmem:s2] =	stream.indirect.scatter.add.f32 @!p1 [tilespmem:s25], [sflag:$0x5], $0x80, s29, s24, $0xb8;
	[tilespmem:$0x1BA00] =	vst v63  }
0x38: {  	_ =	swait.ge @!p2 [sflag:s30], $0x3C00  }
0x39: {  	p3 =	sle.u32 @!p1 s8, $0x2;
	[sflag:s30] =	ssyncset.done @!p2 $0x0  }
0x3a: {  	s24 =	simm.s32 @!p2 $0x180;
	s25 =	simm.s32 @!p1 $0x5;
	[sflag:s30] =	ssyncadd.s32 @!p2 $0xFFFFC400  }
0x3b: {  	[spmem:s2] =	stream.indirect.scatter.add.f32 @!p2 [tilespmem:s28], [sflag:$0x6], $0x80, s24, s26, $0xb8;
	[tilespmem:$0x1BA00] =	vst v63  }
0x3c: {  	p3 =	por p3, p1;
	_ =	swait.ge @!p1 [sflag:s25], $0x3C00  }
0x3d: {  	s24 =	sshrl.u32 @!p3 s17, $0x3;
	[sflag:s25] =	ssyncset.done @!p1 $0x0  }
0x3e: {  	s26 =	simm.s32 @!p3 $0x0;
	[sflag:s25] =	ssyncadd.s32 @!p1 $0xFFFFC400;
	s25 =	sadd.s32 @!p3 s5, s24  }
0x3f: {  	[tilespmem:s26], [sflag:$0x1] =	stream.linear.gather @!p3 [hbm4b:s25+s26], $0x78, $0x38;
	[tilespmem:$0x1BA00] =	vst v63  }
0x40: {  	s28 =	simm.s32 @!p2 $0x6;
	s24 =	sadd.s32 @!p3 s6, s24;
	s25 =	simm.s32 @!p3 $0x100  }
0x41: {  	[tilespmem:s25], [sflag:$0x1] =	stream.linear.gather @!p3 [hbm4b:s24+s26], $0x78, $0x38;
	[tilespmem:$0x1BA00] =	vst v63  }
0x42: {  	_ =	swait.ge @!p2 [sflag:s28], $0x3C00  }
0x43: {  	p1 =	sle.u32 @!p2 s8, $0x3;
	[sflag:s28] =	ssyncset.done @!p2 $0x0;
	s21 =	rddreg [dreg:$0x4]  }
0x44: {  	p1 =	por p1, p2;
	[sflag:s28] =	ssyncadd.s32 @!p2 $0xFFFFC400;
	p2 =	sne.s32 s21, $0x2  }
.Ltmp0:
0x45: {  	_ = 	snop;
	(pc) =	sbr.rel @!p2 .LBB2_3-.Ltmp0, $4  }
0x46: {  	s29 =	smov.u32 s18;
	s31 =	simm.s32 @!p1 $0x0  }
0x47: {  	s30 =	simm.s32 @!p1 $0x180;
	s24 =	simm.s32 @!p1 $0x80;
	s25 =	sadd.s32 $0x1E, s18  }
0x48: {  	[tilespmem:s24], [sflag:$0x2] =	stream.linear.gather @!p1 [hbm4b:s19+s31], $0x78, $0x38;
	[tilespmem:$0x1BA00] =	vst v63  }
0x49: {  	s26 =	sadd.s32 $0x1E, s19;
	s28 =	sadd.s32 $0xF0, s17;
	s24 =	simm.s32 $0x2  }
.LBB2_2:
0x4a: {  	[tilespmem:s30], [sflag:$0x2] =	stream.linear.gather @!p1 [hbm4b:s29+s31], $0x78, $0x38;
	[tilespmem:$0x1BA00] =	vst v63  }
0x4b: {  	p1 =	sge.u32 s24, s8  }
0x4c: {  	s1 =	simm.s32 @!p1 $0x1  }
0x4d: {  	_ =	swait.ge @!p1 [sflag:s1], $0x78  }
0x4e: {  	[sflag:s1] =	ssyncset.done @!p1 $0x0  }
0x4f: {  	[sflag:s1] =	ssyncadd.s32 @!p1 $0xFFFFFF88  }
0x50: {  	s31 =	smov.u32 s24;
	s0 =	simm.s32 @!p1 $0x200;
	_ =	swait.ge @!p1 [sflag:s1], $0x78  }
0x51: {  	s3 =	simm.s32 @!p1 $0x0;
	[sflag:s1] =	ssyncset.done @!p1 $0x0;
	s21 =	rddreg [dreg:$0x3]  }
0x52: {  	[sflag:s1] =	ssyncadd.s32 @!p1 $0xFFFFFF88;
	s1 =	simm.s32 @!p1 $0x78;
	p2 =	sge.u32 s31, s21  }
0x53: {  	[tilespmem:s0], [sflag:$0x3] =	stream.indirect.gather @!p1 [hbm4b:s4+s1], $0x80, s3, s1, $0xb8;
	[tilespmem:$0x1BA00] =	vst v63  }
0x54: {  	s21 =	simm.s32 @!p2 $0x2  }
0x55: {  	_ =	swait.ge @!p2 [sflag:s21], $0x78  }
0x56: {  	[sflag:s21] =	ssyncset.done @!p2 $0x0  }
0x57: {  	[sflag:s21] =	ssyncadd.s32 @!p2 $0xFFFFFF88  }
0x58: {  	s3 =	sadd.s32 $0x3, s31;
	s31 =	simm.s32 @!p1 $0x3;
	_ =	swait.ge @!p2 [sflag:s21], $0x78  }
0x59: {  	s7 =	simm.s32 @!p2 $0x80;
	p4 =	sge.u32 @!p2 s3, s8;
	[sflag:s21] =	ssyncset.done @!p2 $0x0  }
0x5a: {  	s3 =	simm.s32 @!p2 $0x3E00;
	[sflag:s21] =	ssyncadd.s32 @!p2 $0xFFFFFF88;
	s21 =	simm.s32 @!p2 $0x78  }
0x5b: {  	[tilespmem:s3], [sflag:$0x4] =	stream.indirect.gather @!p2 [hbm4b:s4+s21], $0x80, s7, s21, $0xb8;
	[tilespmem:$0x1BA00] =	vst v63  }
0x5c: {  	_ =	swait.ge @!p1 [sflag:s31], $0x3C00  }
0x5d: {  	[sflag:s31] =	ssyncset.done @!p1 $0x0  }
0x5e: {  	s7 =	simm.s32 @!p1 $0x100;
	[sflag:s31] =	ssyncadd.s32 @!p1 $0xFFFFC400;
	s31 =	simm.s32 @!p2 $0x4  }
0x5f: {  	[spmem:s2] =	stream.indirect.scatter.add.f32 @!p1 [tilespmem:s0], [sflag:$0x5], $0x80, s7, s1, $0xb8;
	[tilespmem:$0x1BA00] =	vst v63  }
0x60: {  	s24 =	sadd.s32 $0x2, s24;
	_ =	swait.ge @!p2 [sflag:s31], $0x3C00  }
0x61: {  	p3 =	sge.u32 @!p1 s24, s8;
	[sflag:s31] =	ssyncset.done @!p2 $0x0  }
0x62: {  	s0 =	simm.s32 @!p2 $0x180;
	s1 =	simm.s32 @!p1 $0x5;
	[sflag:s31] =	ssyncadd.s32 @!p2 $0xFFFFC400  }
0x63: {  	[spmem:s2] =	stream.indirect.scatter.add.f32 @!p2 [tilespmem:s3], [sflag:$0x6], $0x80, s0, s21, $0xb8;
	[tilespmem:$0x1BA00] =	vst v63  }
0x64: {  	p3 =	por p3, p1;
	_ =	swait.ge @!p1 [sflag:s1], $0x3C00  }
0x65: {  	s0 =	sshrl.u32 @!p3 s28, $0x3;
	[sflag:s1] =	ssyncset.done @!p1 $0x0  }
0x66: {  	s3 =	simm.s32 @!p3 $0x0;
	[sflag:s1] =	ssyncadd.s32 @!p1 $0xFFFFC400;
	s1 =	sadd.s32 @!p3 s5, s0  }
0x67: {  	[tilespmem:s3], [sflag:$0x1] =	stream.linear.gather @!p3 [hbm4b:s1+s3], $0x78, $0x38;
	[tilespmem:$0x1BA00] =	vst v63  }
0x68: {  	s7 =	simm.s32 @!p2 $0x6;
	s0 =	sadd.s32 @!p3 s6, s0;
	s1 =	simm.s32 @!p3 $0x100  }
0x69: {  	[tilespmem:s1], [sflag:$0x1] =	stream.linear.gather @!p3 [hbm4b:s0+s3], $0x78, $0x38;
	[tilespmem:$0x1BA00] =	vst v63  }
0x6a: {  	_ =	swait.ge @!p2 [sflag:s7], $0x3C00  }
0x6b: {  	[sflag:s7] =	ssyncset.done @!p2 $0x0;
	s21 =	rddreg [dreg:$0x4]  }
0x6c: {  	p1 =	por p4, p2;
	[sflag:s7] =	ssyncadd.s32 @!p2 $0xFFFFC400;
	p2 =	sne.s32 s21, s24  }
.Ltmp1:
0x6d: {  	_ = 	snop;
	(pc) =	sbr.rel @p2 .LBB2_2-.Ltmp1, $4  }
0x6e: {  	s29 =	smov.u32 s25;
	s30 =	smov.u32 s26  }
0x6f: {  	s25 =	sadd.s32 $0x1E, s25;
	s31 =	simm.s32 @!p1 $0x0;
	s1 =	simm.s32 @!p1 $0x80  }
0x70: {  	[tilespmem:s1], [sflag:$0x2] =	stream.linear.gather @!p1 [hbm4b:s30+s31], $0x78, $0x38;
	[tilespmem:$0x1BA00] =	vst v63  }
0x71: {  	s26 =	sadd.s32 $0x1E, s26;
	s28 =	sadd.s32 $0xF0, s28;
	s30 =	simm.s32 @!p1 $0x180  }
.LBB2_3:
0x72: {  	[tilespmem:s30], [sflag:$0x2] =	stream.linear.gather @!p1 [hbm4b:s29+s31], $0x78, $0x38;
	[tilespmem:$0x1BA00] =	vst v63  }
0x73: {  	s22 =	sadd.s32 $0x1, s22  }
0x74: {  	p1 =	sne.s32 s22, s16  }
.Ltmp2:
0x75: {  	[bflag:$0x0] =	sbarrier.arrive $0xFFFF;
	(pc) =	sbr.rel @p1 .LBB2_1-.Ltmp2, $4  }
0x76: {  	[hbm:s15], [sflag:s10] =	dma.local [spmem:s23], $0x2800  }
0x77: {  	_ =	swait.ge [sflag:s20], $0x2800  }
0x78: {  	[sflag:s20] =	ssyncset.done $0x0  }
0x79: {  	[sflag:s20] =	ssyncadd.s32 $0xFFFFD800  }
0x7a: {  	_ =	sfence.sel $0x180000  }
0x7b: {  	[bflag:$0x0] =	sbarrier.arrive $0xFFFF  }
0x7c: {  	_ =	strace $0x90000047  }
0x7d: {  	s0 =	stileid.u32;
	[bflag:$0x2] =	sbarrier.arrive $0xFFFF  }
0x7e: {  	p0 =	sne.s32 s0, $0x0;
	s0 =	rddreg [dreg:$0x2]  }
0x7f: {  	s0 =	sadd.s32 @!p0 $0x100000, s0  }
0x80: {  	[sflag:s0] =	ssyncadd.tile.s32 @!p0 $0x1;
	_ =	shalt  }
.Lfunc_end2:
_tile_overlayer_lowered:
.L_overlay_start_2:
0x81: {  	(tag) =	ssettag $0x2  }
0x82: {  	s0 =	rddreg [dreg:$0x0];
	s2 =	stileid.u32  }
0x83: {  	s1 =	rddreg [dreg:$0x1];
	p0 =	sne.s32 s2, $0x0  }
0x84: {  	s3 =	rddreg [dreg:$0x2];
	[bflag:$0x3] =	sbarrier.arrive $0xFFFF;
	s2 =	simm.s32 @!p0 $0x1C07  }
0x85: {  	[timem:s3], [sflag:s2] =	dma.local @!p0 [hbm:s0], s1  }
0x86: {  	s0 =	simm.s32 @!p0 $0x7  }
0x87: {  	_ =	swait.ge @!p0 [sflag:s0], s1  }
0x88: {  	s1 =	ssub.s32 @!p0 $0x0, s1;
	[sflag:s0] =	ssyncset.done @!p0 $0x0  }
0x89: {  	[sflag:s0] =	ssyncadd.s32 @!p0 s1  }
0x8a: {  	[bflag:$0x3] =	sbarrier.arrive $0xFFFF  }
0x8b: {  	_ =	shalt  }

// kernel: kernel.15.cloned.1.call-start
scs
__scs_entry_jumppad:
0x0: {  	(pc) =	sbr.rel $0x88, $3  }
0x1: {  	(tag) =	ssettag $0x0;
	lr =	simm.s32 $0x1  }
0x2: {  	[smem:$0x3F93] =	sst lr;
	_ =	strace $0xD0000000  }
0x3: {  	_ = 	snop  }
0x4: {  	_ = 	snop  }
0x5: {  	_ = 	snop  }
0x6: {  	_ = 	snop  }
0x7: {  	_ = 	snop  }
__scs_overlays_trampoline_lowered:
0x8: {  	[smem:$0x3FA2] =	sst s0  }
0x9: {  	[smem:$0x3FA3] =	sst s1  }
0xa: {  	[smem:$0x3FA4] =	sst s2  }
0xb: {  	[smem:$0x3FA5] =	sst s3  }
0xc: {  	[smem:$0x3FA6] =	sst s4  }
0xd: {  	[smem:$0x3FA7] =	sst s5  }
0xe: {  	[smem:$0x3FA8] =	sst s6  }
0xf: {  	[smem:$0x3FA9] =	sst s7  }
0x10: {  	[smem:$0x3FAA] =	sst s8  }
0x11: {  	[smem:$0x3FAB] =	sst s9;
	s0 =	simm.s32 @!p0 $0x0  }
0x12: {  	s1 =	sld [smem:$0x3F91];
	s0 =	simm.s32 @p0 $0x1  }
0x13: {  	[smem:$0x3FAC] =	sst s0;
	s0 =	simm.s32 @!p1 $0x0  }
0x14: {  	s2 =	sld [smem:$0x3F90];
	s0 =	simm.s32 @p1 $0x1  }
0x15: {  	[smem:$0x3FAD] =	sst s0;
	s0 =	simm.s32 @!p2 $0x0  }
0x16: {  	s3 =	sld [smem:$0x3FDB];
	s0 =	simm.s32 @p2 $0x1  }
0x17: {  	s4 =	simm.s32 $0x1BF5;
	[smem:$0x3FAF] =	sst s0  }
0x18: {  	s0 =	sld [smem:$0x3F92];
	_ =	swait.ge [sflag:s4], $0x0  }
0x19: {  	s7 =	sld [smem:$0x3F93]  }
0x1a: {  	s8 =	sadd.s32 $0xFFFFE003, lr  }
0x1b: {  	s9 =	sadd.s32 $0xFFFFFEF7, lr;
	s5 =	simm.s32 $0xFFFFFFFF;
	p2 =	slt.u32 s8, $0xFFFFF086  }
0x1c: {  	p1 =	slt.u32 s9, $0xF7A;
	s5 =	simm.s32 @!p2 $0x0  }
0x1d: {  	s5 =	simm.s32 @p1 $0x1;
	p0 =	seq.s32 s7, s2  }
0x1e: {  	s7 =	smul.u32 @!p0 $0xF7A, s2;
	p2 =	seq.s32 @!p0 s5, $0x0  }
0x1f: {  	s9 =	smul.u32 $0xF7A, s1;
	s8 =	simm.s32 @!p0 $0x1BF5;
	p2 =	por !p2, p0  }
0x20: {  	[sflag:s8] =	ssyncset.s32 @!p0 $0xFFFFF086;
	s6 =	sadd.s32 @!p0 s3, s7;
	s7 =	simm.s32 @!p0 $0x108  }
0x21: {  	s3 =	sadd.s32 s3, s9;
	s6 =	sadd.s32 @!p0 $0x88, s6;
	s7 =	simm.s32 @p2 $0x1082  }
0x22: {  	[simem:s7], [sflag:s8] =	dma.local @!p0 [hbm:s6], $0xF7A  }
0x23: {  	s9 =	sor.u32 $0xD0000000, s2;
	s6 =	simm.s32 $0x108;
	_ =	swait.ge @!p0 [sflag:s8], $0x0  }
0x24: {  	s3 =	sadd.s32 $0x88, s3;
	s6 =	simm.s32 @!p1 $0x1082;
	[sflag:s4] =	ssyncset.s32 $0xFFFFF086  }
0x25: {  	[simem:s6], [sflag:s4] =	dma.local [hbm:s3], $0xF7A  }
0x26: {  	[smem:$0x3F93] =	sst s1;
	(tag) =	ssettag s2;
	_ =	strace s9  }
0x27: {  	s1 =	sld [smem:$0x3FA3]  }
0x28: {  	s2 =	sld [smem:$0x3FA4]  }
0x29: {  	s4 =	sld [smem:$0x3FA6]  }
0x2a: {  	p0 =	seq.s32 s5, $0x0;
	s5 =	sld [smem:$0x3FA7]  }
0x2b: {  	s6 =	sld [smem:$0x3FA8]  }
0x2c: {  	s7 =	sld [smem:$0x3FA9]  }
0x2d: {  	s3 =	simm.s32 $0x108;
	s8 =	sld [smem:$0x3FAA]  }
0x2e: {  	s3 =	simm.s32 @!p0 $0x1082;
	s9 =	sld [smem:$0x3FAB]  }
0x2f: {  	lr =	sadd.s32 s0, s3;
	s0 =	sld [smem:$0x3FA2]  }
0x30: {  	s3 =	sld [smem:$0x3FA5]  }
0x31: {  	[smem:$0x3FAE] =	sst s10  }
0x32: {  	s10 =	sld [smem:$0x3FAC];
	_ =	sdelay $0x3  }
0x33: {  	p0 =	seq.s32 s10, $0x1;
	s10 =	sld [smem:$0x3FAE];
	_ =	sdelay $0x3  }
0x34: {  	[smem:$0x3FAE] =	sst s10  }
0x35: {  	s10 =	sld [smem:$0x3FAD];
	_ =	sdelay $0x3  }
0x36: {  	p1 =	seq.s32 s10, $0x1;
	s10 =	sld [smem:$0x3FAE];
	_ =	sdelay $0x3  }
0x37: {  	[smem:$0x3FAE] =	sst s10  }
0x38: {  	s10 =	sld [smem:$0x3FAF]  }
0x39: {  	_ = 	snop;
	(pc) =	sbr.ind lr, $3  }
0x3a: {  	_ = 	snop  }
0x3b: {  	_ = 	snop  }
0x3c: {  	p2 =	seq.s32 s10, $0x1;
	s10 =	sld [smem:$0x3FAE]  }
0x3d: {  	_ =	shalt  }
0x3e: {  	_ =	shalt  }
0x3f: {  	_ =	shalt  }
0x40: {  	_ =	shalt  }
0x41: {  	_ =	shalt  }
0x42: {  	_ =	shalt  }
0x43: {  	_ =	shalt  }
0x44: {  	_ =	shalt  }
0x45: {  	_ =	shalt  }
0x46: {  	_ =	shalt  }
0x47: {  	_ =	shalt  }
0x48: {  	_ =	shalt  }
0x49: {  	_ =	shalt  }
0x4a: {  	_ =	shalt  }
0x4b: {  	_ =	shalt  }
0x4c: {  	_ =	shalt  }
0x4d: {  	_ =	shalt  }
0x4e: {  	_ =	shalt  }
0x4f: {  	_ =	shalt  }
0x50: {  	_ =	shalt  }
0x51: {  	_ =	shalt  }
0x52: {  	_ =	shalt  }
0x53: {  	_ =	shalt  }
0x54: {  	_ =	shalt  }
0x55: {  	_ =	shalt  }
0x56: {  	_ =	shalt  }
0x57: {  	_ =	shalt  }
0x58: {  	_ =	shalt  }
0x59: {  	_ =	shalt  }
0x5a: {  	_ =	shalt  }
0x5b: {  	_ =	shalt  }
0x5c: {  	_ =	shalt  }
0x5d: {  	_ =	shalt  }
0x5e: {  	_ =	shalt  }
0x5f: {  	_ =	shalt  }
0x60: {  	_ =	shalt  }
0x61: {  	_ =	shalt  }
0x62: {  	_ =	shalt  }
0x63: {  	_ =	shalt  }
0x64: {  	_ =	shalt  }
0x65: {  	_ =	shalt  }
0x66: {  	_ =	shalt  }
0x67: {  	_ =	shalt  }
0x68: {  	_ =	shalt  }
0x69: {  	_ =	shalt  }
0x6a: {  	_ =	shalt  }
0x6b: {  	_ =	shalt  }
0x6c: {  	_ =	shalt  }
0x6d: {  	_ =	shalt  }
0x6e: {  	_ =	shalt  }
0x6f: {  	_ =	shalt  }
0x70: {  	_ =	shalt  }
0x71: {  	_ =	shalt  }
0x72: {  	_ =	shalt  }
0x73: {  	_ =	shalt  }
0x74: {  	_ =	shalt  }
0x75: {  	_ =	shalt  }
0x76: {  	_ =	shalt  }
0x77: {  	_ =	shalt  }
0x78: {  	_ =	shalt  }
0x79: {  	_ =	shalt  }
0x7a: {  	_ =	shalt  }
0x7b: {  	_ =	shalt  }
0x7c: {  	_ =	shalt  }
0x7d: {  	_ =	shalt  }
0x7e: {  	_ =	shalt  }
0x7f: {  	_ =	shalt  }
0x80: {  	_ =	shalt  }
0x81: {  	_ =	shalt  }
0x82: {  	_ =	shalt  }
0x83: {  	_ =	shalt  }
0x84: {  	_ =	shalt  }
0x85: {  	_ =	shalt  }
0x86: {  	_ =	shalt  }
0x87: {  	_ =	shalt  }
.Lfunc_end0:
.L_simem_size_0:
called_computation.2_lowered:
.L_overlay_start_0:
0x88: {  	s2 =	sld [smem:$0x3FD9]  }
0x89: {  	s3 =	sld [smem:$0x3FFE];
	_ =	sdelay $0x1  }
0x8a: {  	s1 =	srdreg.scid  }
0x8b: {  	s0 =	sand.u32 $0x1, s1  }
0x8c: {  	s16 =	sshll.u32 s0, $0xA;
	s2 =	sadd.s32 s3, s2  }
0x8d: {  	s2 =	sadd.s32 s2, s16  }
0x8e: {  	[smem:$0x3FBA] =	sst s2  }
0x8f: {  	_ = 	snop  }
0x90: {  	(tm) =	ssettm $0x1  }
0x91: {  	s17 =	sld [smem:$0x3FFB];
	_ =	sdelay $0x3  }
0x92: {  	_ =	strace s17  }
0x93: {  	s2 =	sld [smem:$0x3FFC];
	_ =	sdelay $0x3  }
0x94: {  	_ =	strace s2  }
0x95: {  	s2 =	sld [smem:$0x3FFD];
	_ =	sdelay $0x3  }
0x96: {  	_ =	strace s2  }
0x97: {  	_ =	strace $0x8FFFFFFF  }
0x98: {  	s18 =	sld [smem:$0x3FDB];
	_ =	sdelay $0x1  }
0x99: {  	s19 =	simm.s32 $_scs_section_size  }
0x9a: {  	s4 =	simm.s32 $_size__tile_overlayer_lowered;
	s5 =	simm.s32 $_tile_overlayer_lowered  }
0x9b: {  	s22 =	simm.s32 $0x1BFF;
	s21 =	sshll.u32 s5, $0x1;
	s2 =	sadd.s32 s19, s18  }
0x9c: {  	s6 =	simm.s32 $0x0;
	s20 =	sshll.u32 s4, $0x1;
	s4 =	sadd.s32 s21, s2  }
0x9d: {  	[timem:s6], [sflag:s22] =	dma.local [hbm:s4], s20  }
0x9e: {  	_ =	swait.ge [sflag:s22], s20  }
0x9f: {  	s3 =	ssub.s32 $0x0, s20;
	[sflag:s22] =	ssyncset.done $0x0  }
0xa0: {  	[sflag:s22] =	ssyncadd.s32 s3;
	_ =	sdelay $0x1  }
0xa1: {  	s23 =	simm.s32 $0x1B8B  }
0xa2: {  	_ =	swait.ge [sflag:s23], $0x1  }
0xa3: {  	[sflag:s23] =	ssyncset.done $0x0  }
0xa4: {  	s25 =	simm.s32 $0x1B8E;
	s24 =	sld [smem:$0x3FFE];
	[sflag:s23] =	ssyncadd.s32 $0xFFFFFFFF  }
0xa5: {  	s26 =	simm.s32 $execute0_lowered;
	[smem:$0x3FD2] =	sst s25  }
0xa6: {  	s4 =	sshll.u32 s26, $0x1;
	_ =	strace $0x8000004C;
	[dreg:$0x1] =	wrdreg $0xFFFFFFFF  }
0xa7: {  	s28 =	simm.s32 $_size_execute0_lowered;
	s2 =	sadd.s32 s2, s4;
	[dreg:$0x0] =	wrdreg $0x0  }
0xa8: {  	s4 =	sshll.u32 s28, $0x1;
	[dreg:$0x2] =	wrdreg s2  }
0xa9: {  	[dreg:$0x3] =	wrdreg s4  }
0xaa: {  	[dreg:$0x4] =	wrdreg $0xC0  }
0xab: {  	_ =	task [dreg:s6], $0x5FFFF  }
0xac: {  	[dreg:$0x1] =	wrdreg $0xFFFFFFFF  }
0xad: {  	[dreg:$0x0] =	wrdreg $0x60  }
0xae: {  	[dreg:$0x2] =	wrdreg s24  }
0xaf: {  	[dreg:$0x3] =	wrdreg $0x7A000  }
0xb0: {  	[dreg:$0x4] =	wrdreg $0x9  }
0xb1: {  	_ =	task.clear_ibuf [dreg:s6], $0x5FFFF;
	_ =	strace $0x9000004C  }
0xb2: {  	s29 =	simm.s32 $0x9;
	_ =	strace $0x8000004E  }
0xb3: {  	_ =	swait.ge [sflag:s29], $0x1  }
0xb4: {  	[sflag:s29] =	ssyncadd.s32 $0xFFFFFFFF  }
0xb5: {  	_ =	strace $0x9000004E  }
0xb6: {  	_ =	sfence  }
0xb7: {  	s30 =	sld [smem:$0x0];
	_ =	sdelay $0x2  }
0xb8: {  	s31 =	sshll.u32 s1, $0xD;
	s1 =	sshrl.u32 s1, $0x2  }
0xb9: {  	s3 =	sand.u32 $0x4000, s31;
	s1 =	sadd.s32 s1, s30  }
0xba: {  	s0 =	sor.u32 s3, s0;
	s1 =	sshll.u32 s1, $0x11  }
0xbb: {  	s0 =	sor.u32 s1, s0  }
0xbc: {  	s0 =	sadd.s32 $0x8F2B, s0  }
0xbd: {  	[sflag:s0] =	ssyncadd.remote.s32 $0x1  }
0xbe: {  	_ =	sfence.sel $0xFFFF  }
0xbf: {  	[dreg:$0x0] =	wrdreg $0xFFFFFFFF;
	(pc) =	sbr.abs _section_cstart, $3  }
0xc0: {  	[dreg:$0x1] =	wrdreg $0xFFFFFFFF  }
0xc1: {  	_ =	task.clear_ibuf [dreg:s6], $0x2FFFF;
	_ =	strace $0x9FFFFFFF  }
0xc2: {  	(tm) =	ssettm $0x7FFFFFFF  }
0xc3: {  	_ =	shalt  }
tec
execute0_lowered:
.L_overlay_start_1:
0x0: {  	(tag) =	ssettag $0x1  }
0x1: {  	s8 =	rddreg [dreg:$0x0]  }
0x2: {  	s1 =	srdreg.scid;
	s0 =	stileid.u32  }
0x3: {  	s2 =	rddreg [dreg:$0x1];
	s17 =	simm.s32 $0x0;
	s14 =	sand.u32 $0x1, s1  }
0x4: {  	s4 =	sshll.u32 s0, $0x1;
	[smem:$0x7FF] =	sst s17;
	s9 =	smul.u32 $0x2800, s0  }
0x5: {  	s5 =	sadd.s32 $0xE000, s8;
	s6 =	sadd.s32 $0x3E00, s8;
	s15 =	smul.u32 $0x50000, s0  }
0x6: {  	s18 =	sadd.s32 $0x40200, s8;
	s21 =	smul.u32 $0xFFFFAF60, s0;
	s23 =	sshll.u32 s0, $0x6  }
0x7: {  	s20 =	sor.u32 s14, s4;
	_ =	strace $0x8000004D;
	s10 =	smul.u32 $0x28000, s14  }
0x8: {  	s4 =	sadd.s32 $0x18200, s8;
	s13 =	ssub.s32 $0x2, s14;
	s16 =	smul.u32 $0xFFFFD7B0, s14  }
0x9: {  	[dreg:$0x5] =	wrdreg s18;
	s11 =	smul.u32 $0x2850, s20;
	s19 =	sshrl.u32 s13, $0x1  }
0xa: {  	s22 =	sshrl.u32 s15, $0x2;
	p0 =	seq.s32 s20, $0x1F;
	s20 =	simm.s32 $0x7  }
0xb: {  	s9 =	sadd.s32 s9, s10;
	s18 =	ssub.s32 s13, s19;
	s10 =	sor.u32 $0x1C07, s23  }
0xc: {  	s24 =	sadd.s32 s21, s16;
	s19 =	smul.u32 $0x50A0, s0;
	s7 =	ssub.s32 $0x4E270, s11  }
0xd: {  	s17 =	sadd.s32 s9, s8;
	s9 =	sadd.s32 s22, s2;
	s12 =	smulhi.u32 $0x2222223, s7  }
0xe: {  	s25 =	sshrl.u32 s11, $0x3;
	s26 =	sadd.s32 $0x78, s11;
	s22 =	smul.u32 $0x2850, s14  }
0xf: {  	s15 =	sshrl.u32 s26, $0x3;
	s8 =	smin.u32 s12, $0x56;
	s12 =	sadd.s32 $0x4E270, s24  }
0x10: {  	s11 =	sadd.s32 s5, s25;
	s13 =	sadd.s32 s5, s15;
	s28 =	smulhi.u32 $0x88888889, s12  }
0x11: {  	s14 =	sadd.s32 s6, s15;
	s15 =	sadd.s32 $0x42A00, s17;
	s19 =	sadd.s32 s22, s19  }
0x12: {  	s22 =	simm.s32 $0x0;
	s30 =	sadd.s32 $0x168, s19;
	s16 =	sshrl.u32 s28, $0x6  }
0x13: {  	s12 =	sadd.s32 s6, s25;
	s21 =	sadd.s32 $0xFFFFFFFF, s8;
	s16 =	smin.u32 s16, $0x56  }
0x14: {  	s31 =	sshrl.u32 s30, $0x3;
	[dreg:$0x3] =	wrdreg s21;
	s29 =	sadd.s32 $0x1, s16  }
0x15: {  	s16 =	smax.u32 s18, $0x1;
	s18 =	sadd.s32 s31, s6;
	s17 =	sand.u32 $0xFE, s29  }
0x16: {  	[dreg:$0x4] =	wrdreg s17;
	s17 =	sadd.s32 $0xF0, s19;
	s19 =	sadd.s32 s31, s5  }
.LBB2_1:
0x17: {  	s23 =	sshrl.u32 s9, $0x3;
	s0 =	rddreg [dreg:$0x5]  }
0x18: {  	[spmem:s23], [sflag:s10] =	dma.local [hbm:s0], $0x2800  }
0x19: {  	_ =	swait.ge [sflag:s20], $0x2800  }
0x1a: {  	[sflag:s20] =	ssyncset.done $0x0  }
0x1b: {  	[sflag:s20] =	ssyncadd.s32 $0xFFFFD800  }
0x1c: {  	s7 =	simm.s32 $0x0;
	[bflag:$0x0] =	sbarrier.arrive $0xFFFF  }
0x1d: {  	[tilespmem:s7], [sflag:$0x1] =	stream.linear.gather [hbm4b:s11+s7], $0x78, $0x38;
	[tilespmem:$0x1BA00] =	vst v63  }
0x1e: {  	s1 =	simm.s32 $0x100  }
0x1f: {  	[tilespmem:s1], [sflag:$0x1] =	stream.linear.gather [hbm4b:s12+s7], $0x78, $0x38;
	[tilespmem:$0x1BA00] =	vst v63  }
0x20: {  	s24 =	simm.s32 @!p0 $0x0;
	s25 =	simm.s32 @!p0 $0x80  }
0x21: {  	[tilespmem:s25], [sflag:$0x2] =	stream.linear.gather @!p0 [hbm4b:s13+s24], $0x78, $0x38;
	[tilespmem:$0x1BA00] =	vst v63  }
0x22: {  	p1 =	sle.u32 s8, $0x0;
	s25 =	simm.s32 @!p0 $0x180  }
0x23: {  	[tilespmem:s25], [sflag:$0x2] =	stream.linear.gather @!p0 [hbm4b:s14+s24], $0x78, $0x38;
	[tilespmem:$0x1BA00] =	vst v63  }
0x24: {  	s24 =	simm.s32 @!p1 $0x1  }
0x25: {  	_ =	swait.ge @!p1 [sflag:s24], $0x78  }
0x26: {  	[sflag:s24] =	ssyncset.done @!p1 $0x0  }
0x27: {  	[sflag:s24] =	ssyncadd.s32 @!p1 $0xFFFFFF88  }
0x28: {  	s28 =	simm.s32 @!p1 $0x0;
	_ =	swait.ge @!p1 [sflag:s24], $0x78  }
0x29: {  	s25 =	simm.s32 @!p1 $0x200;
	[sflag:s24] =	ssyncset.done @!p1 $0x0;
	s26 =	rddreg [dreg:$0x3]  }
0x2a: {  	[sflag:s24] =	ssyncadd.s32 @!p1 $0xFFFFFF88;
	s24 =	simm.s32 @!p1 $0x78;
	p2 =	sle.u32 s26, $0x0  }
0x2b: {  	[tilespmem:s25], [sflag:$0x3] =	stream.indirect.gather @!p1 [hbm4b:s4+s24], $0x80, s28, s24, $0xb8;
	[tilespmem:$0x1BA00] =	vst v63  }
0x2c: {  	s26 =	simm.s32 @!p2 $0x2  }
0x2d: {  	_ =	swait.ge @!p2 [sflag:s26], $0x78  }
0x2e: {  	[sflag:s26] =	ssyncset.done @!p2 $0x0  }
0x2f: {  	[sflag:s26] =	ssyncadd.s32 @!p2 $0xFFFFFF88  }
0x30: {  	_ =	swait.ge @!p2 [sflag:s26], $0x78  }
0x31: {  	s29 =	simm.s32 @!p1 $0x3;
	s28 =	simm.s32 @!p2 $0x3E00;
	[sflag:s26] =	ssyncset.done @!p2 $0x0  }
0x32: {  	s30 =	simm.s32 @!p2 $0x80;
	[sflag:s26] =	ssyncadd.s32 @!p2 $0xFFFFFF88;
	s26 =	simm.s32 @!p2 $0x78  }
0x33: {  	[tilespmem:s28], [sflag:$0x4] =	stream.indirect.gather @!p2 [hbm4b:s4+s26], $0x80, s30, s26, $0xb8;
	[tilespmem:$0x1BA00] =	vst v63  }
0x34: {  	_ =	swait.ge @!p1 [sflag:s29], $0x3C00  }
0x35: {  	[sflag:s29] =	ssyncset.done @!p1 $0x0  }
0x36: {  	s30 =	simm.s32 @!p2 $0x4;
	[sflag:s29] =	ssyncadd.s32 @!p1 $0xFFFFC400;
	s29 =	simm.s32 @!p1 $0x100  }
0x37: {  	[spmem:s2] =	stream.indirect.scatter.add.f32 @!p1 [tilespmem:s25], [sflag:$0x5], $0x80, s29, s24, $0xb8;
	[tilespmem:$0x1BA00] =	vst v63  }
0x38: {  	_ =	swait.ge @!p2 [sflag:s30], $0x3C00  }
0x39: {  	p3 =	sle.u32 @!p1 s8, $0x2;
	[sflag:s30] =	ssyncset.done @!p2 $0x0  }
0x3a: {  	s24 =	simm.s32 @!p2 $0x180;
	s25 =	simm.s32 @!p1 $0x5;
	[sflag:s30] =	ssyncadd.s32 @!p2 $0xFFFFC400  }
0x3b: {  	[spmem:s2] =	stream.indirect.scatter.add.f32 @!p2 [tilespmem:s28], [sflag:$0x6], $0x80, s24, s26, $0xb8;
	[tilespmem:$0x1BA00] =	vst v63  }
0x3c: {  	p3 =	por p3, p1;
	_ =	swait.ge @!p1 [sflag:s25], $0x3C00  }
0x3d: {  	s24 =	sshrl.u32 @!p3 s17, $0x3;
	[sflag:s25] =	ssyncset.done @!p1 $0x0  }
0x3e: {  	s26 =	simm.s32 @!p3 $0x0;
	[sflag:s25] =	ssyncadd.s32 @!p1 $0xFFFFC400;
	s25 =	sadd.s32 @!p3 s5, s24  }
0x3f: {  	[tilespmem:s26], [sflag:$0x1] =	stream.linear.gather @!p3 [hbm4b:s25+s26], $0x78, $0x38;
	[tilespmem:$0x1BA00] =	vst v63  }
0x40: {  	s28 =	simm.s32 @!p2 $0x6;
	s24 =	sadd.s32 @!p3 s6, s24;
	s25 =	simm.s32 @!p3 $0x100  }
0x41: {  	[tilespmem:s25], [sflag:$0x1] =	stream.linear.gather @!p3 [hbm4b:s24+s26], $0x78, $0x38;
	[tilespmem:$0x1BA00] =	vst v63  }
0x42: {  	_ =	swait.ge @!p2 [sflag:s28], $0x3C00  }
0x43: {  	p1 =	sle.u32 @!p2 s8, $0x3;
	[sflag:s28] =	ssyncset.done @!p2 $0x0;
	s21 =	rddreg [dreg:$0x4]  }
0x44: {  	p1 =	por p1, p2;
	[sflag:s28] =	ssyncadd.s32 @!p2 $0xFFFFC400;
	p2 =	sne.s32 s21, $0x2  }
.Ltmp0:
0x45: {  	_ = 	snop;
	(pc) =	sbr.rel @!p2 .LBB2_3-.Ltmp0, $4  }
0x46: {  	s29 =	smov.u32 s18;
	s31 =	simm.s32 @!p1 $0x0  }
0x47: {  	s30 =	simm.s32 @!p1 $0x180;
	s24 =	simm.s32 @!p1 $0x80;
	s25 =	sadd.s32 $0x1E, s18  }
0x48: {  	[tilespmem:s24], [sflag:$0x2] =	stream.linear.gather @!p1 [hbm4b:s19+s31], $0x78, $0x38;
	[tilespmem:$0x1BA00] =	vst v63  }
0x49: {  	s26 =	sadd.s32 $0x1E, s19;
	s28 =	sadd.s32 $0xF0, s17;
	s24 =	simm.s32 $0x2  }
.LBB2_2:
0x4a: {  	[tilespmem:s30], [sflag:$0x2] =	stream.linear.gather @!p1 [hbm4b:s29+s31], $0x78, $0x38;
	[tilespmem:$0x1BA00] =	vst v63  }
0x4b: {  	p1 =	sge.u32 s24, s8  }
0x4c: {  	s1 =	simm.s32 @!p1 $0x1  }
0x4d: {  	_ =	swait.ge @!p1 [sflag:s1], $0x78  }
0x4e: {  	[sflag:s1] =	ssyncset.done @!p1 $0x0  }
0x4f: {  	[sflag:s1] =	ssyncadd.s32 @!p1 $0xFFFFFF88  }
0x50: {  	s31 =	smov.u32 s24;
	s0 =	simm.s32 @!p1 $0x200;
	_ =	swait.ge @!p1 [sflag:s1], $0x78  }
0x51: {  	s3 =	simm.s32 @!p1 $0x0;
	[sflag:s1] =	ssyncset.done @!p1 $0x0;
	s21 =	rddreg [dreg:$0x3]  }
0x52: {  	[sflag:s1] =	ssyncadd.s32 @!p1 $0xFFFFFF88;
	s1 =	simm.s32 @!p1 $0x78;
	p2 =	sge.u32 s31, s21  }
0x53: {  	[tilespmem:s0], [sflag:$0x3] =	stream.indirect.gather @!p1 [hbm4b:s4+s1], $0x80, s3, s1, $0xb8;
	[tilespmem:$0x1BA00] =	vst v63  }
0x54: {  	s21 =	simm.s32 @!p2 $0x2  }
0x55: {  	_ =	swait.ge @!p2 [sflag:s21], $0x78  }
0x56: {  	[sflag:s21] =	ssyncset.done @!p2 $0x0  }
0x57: {  	[sflag:s21] =	ssyncadd.s32 @!p2 $0xFFFFFF88  }
0x58: {  	s3 =	sadd.s32 $0x3, s31;
	s31 =	simm.s32 @!p1 $0x3;
	_ =	swait.ge @!p2 [sflag:s21], $0x78  }
0x59: {  	s7 =	simm.s32 @!p2 $0x80;
	p4 =	sge.u32 @!p2 s3, s8;
	[sflag:s21] =	ssyncset.done @!p2 $0x0  }
0x5a: {  	s3 =	simm.s32 @!p2 $0x3E00;
	[sflag:s21] =	ssyncadd.s32 @!p2 $0xFFFFFF88;
	s21 =	simm.s32 @!p2 $0x78  }
0x5b: {  	[tilespmem:s3], [sflag:$0x4] =	stream.indirect.gather @!p2 [hbm4b:s4+s21], $0x80, s7, s21, $0xb8;
	[tilespmem:$0x1BA00] =	vst v63  }
0x5c: {  	_ =	swait.ge @!p1 [sflag:s31], $0x3C00  }
0x5d: {  	[sflag:s31] =	ssyncset.done @!p1 $0x0  }
0x5e: {  	s7 =	simm.s32 @!p1 $0x100;
	[sflag:s31] =	ssyncadd.s32 @!p1 $0xFFFFC400;
	s31 =	simm.s32 @!p2 $0x4  }
0x5f: {  	[spmem:s2] =	stream.indirect.scatter.add.f32 @!p1 [tilespmem:s0], [sflag:$0x5], $0x80, s7, s1, $0xb8;
	[tilespmem:$0x1BA00] =	vst v63  }
0x60: {  	s24 =	sadd.s32 $0x2, s24;
	_ =	swait.ge @!p2 [sflag:s31], $0x3C00  }
0x61: {  	p3 =	sge.u32 @!p1 s24, s8;
	[sflag:s31] =	ssyncset.done @!p2 $0x0  }
0x62: {  	s0 =	simm.s32 @!p2 $0x180;
	s1 =	simm.s32 @!p1 $0x5;
	[sflag:s31] =	ssyncadd.s32 @!p2 $0xFFFFC400  }
0x63: {  	[spmem:s2] =	stream.indirect.scatter.add.f32 @!p2 [tilespmem:s3], [sflag:$0x6], $0x80, s0, s21, $0xb8;
	[tilespmem:$0x1BA00] =	vst v63  }
0x64: {  	p3 =	por p3, p1;
	_ =	swait.ge @!p1 [sflag:s1], $0x3C00  }
0x65: {  	s0 =	sshrl.u32 @!p3 s28, $0x3;
	[sflag:s1] =	ssyncset.done @!p1 $0x0  }
0x66: {  	s3 =	simm.s32 @!p3 $0x0;
	[sflag:s1] =	ssyncadd.s32 @!p1 $0xFFFFC400;
	s1 =	sadd.s32 @!p3 s5, s0  }
0x67: {  	[tilespmem:s3], [sflag:$0x1] =	stream.linear.gather @!p3 [hbm4b:s1+s3], $0x78, $0x38;
	[tilespmem:$0x1BA00] =	vst v63  }
0x68: {  	s7 =	simm.s32 @!p2 $0x6;
	s0 =	sadd.s32 @!p3 s6, s0;
	s1 =	simm.s32 @!p3 $0x100  }
0x69: {  	[tilespmem:s1], [sflag:$0x1] =	stream.linear.gather @!p3 [hbm4b:s0+s3], $0x78, $0x38;
	[tilespmem:$0x1BA00] =	vst v63  }
0x6a: {  	_ =	swait.ge @!p2 [sflag:s7], $0x3C00  }
0x6b: {  	[sflag:s7] =	ssyncset.done @!p2 $0x0;
	s21 =	rddreg [dreg:$0x4]  }
0x6c: {  	p1 =	por p4, p2;
	[sflag:s7] =	ssyncadd.s32 @!p2 $0xFFFFC400;
	p2 =	sne.s32 s21, s24  }
.Ltmp1:
0x6d: {  	_ = 	snop;
	(pc) =	sbr.rel @p2 .LBB2_2-.Ltmp1, $4  }
0x6e: {  	s29 =	smov.u32 s25;
	s30 =	smov.u32 s26  }
0x6f: {  	s25 =	sadd.s32 $0x1E, s25;
	s31 =	simm.s32 @!p1 $0x0;
	s1 =	simm.s32 @!p1 $0x80  }
0x70: {  	[tilespmem:s1], [sflag:$0x2] =	stream.linear.gather @!p1 [hbm4b:s30+s31], $0x78, $0x38;
	[tilespmem:$0x1BA00] =	vst v63  }
0x71: {  	s26 =	sadd.s32 $0x1E, s26;
	s28 =	sadd.s32 $0xF0, s28;
	s30 =	simm.s32 @!p1 $0x180  }
.LBB2_3:
0x72: {  	[tilespmem:s30], [sflag:$0x2] =	stream.linear.gather @!p1 [hbm4b:s29+s31], $0x78, $0x38;
	[tilespmem:$0x1BA00] =	vst v63  }
0x73: {  	s22 =	sadd.s32 $0x1, s22  }
0x74: {  	p1 =	sne.s32 s22, s16  }
.Ltmp2:
0x75: {  	[bflag:$0x0] =	sbarrier.arrive $0xFFFF;
	(pc) =	sbr.rel @p1 .LBB2_1-.Ltmp2, $4  }
0x76: {  	[hbm:s15], [sflag:s10] =	dma.local [spmem:s23], $0x2800  }
0x77: {  	_ =	swait.ge [sflag:s20], $0x2800  }
0x78: {  	[sflag:s20] =	ssyncset.done $0x0  }
0x79: {  	[sflag:s20] =	ssyncadd.s32 $0xFFFFD800  }
0x7a: {  	_ =	sfence.sel $0x180000  }
0x7b: {  	[bflag:$0x0] =	sbarrier.arrive $0xFFFF  }
0x7c: {  	_ =	strace $0x9000004D  }
0x7d: {  	s0 =	stileid.u32;
	[bflag:$0x2] =	sbarrier.arrive $0xFFFF  }
0x7e: {  	p0 =	sne.s32 s0, $0x0;
	s0 =	rddreg [dreg:$0x2]  }
0x7f: {  	s0 =	sadd.s32 @!p0 $0x100000, s0  }
0x80: {  	[sflag:s0] =	ssyncadd.tile.s32 @!p0 $0x1;
	_ =	shalt  }
.Lfunc_end2:
_tile_overlayer_lowered:
.L_overlay_start_2:
0x81: {  	(tag) =	ssettag $0x2  }
0x82: {  	s0 =	rddreg [dreg:$0x0];
	s2 =	stileid.u32  }
0x83: {  	s1 =	rddreg [dreg:$0x1];
	p0 =	sne.s32 s2, $0x0  }
0x84: {  	s3 =	rddreg [dreg:$0x2];
	[bflag:$0x3] =	sbarrier.arrive $0xFFFF;
	s2 =	simm.s32 @!p0 $0x1C07  }
0x85: {  	[timem:s3], [sflag:s2] =	dma.local @!p0 [hbm:s0], s1  }
0x86: {  	s0 =	simm.s32 @!p0 $0x7  }
0x87: {  	_ =	swait.ge @!p0 [sflag:s0], s1  }
0x88: {  	s1 =	ssub.s32 @!p0 $0x0, s1;
	[sflag:s0] =	ssyncset.done @!p0 $0x0  }
0x89: {  	[sflag:s0] =	ssyncadd.s32 @!p0 s1  }
0x8a: {  	[bflag:$0x3] =	sbarrier.arrive $0xFFFF  }
0x8b: {  	_ =	shalt  }

// kernel: kernel.9.cloned.1.call-start
scs
__scs_entry_jumppad:
0x0: {  	(pc) =	sbr.rel $0x88, $3  }
0x1: {  	(tag) =	ssettag $0x0;
	lr =	simm.s32 $0x1  }
0x2: {  	[smem:$0x3F93] =	sst lr;
	_ =	strace $0xD0000000  }
0x3: {  	_ = 	snop  }
0x4: {  	_ = 	snop  }
0x5: {  	_ = 	snop  }
0x6: {  	_ = 	snop  }
0x7: {  	_ = 	snop  }
__scs_overlays_trampoline_lowered:
0x8: {  	[smem:$0x3FA2] =	sst s0  }
0x9: {  	[smem:$0x3FA3] =	sst s1  }
0xa: {  	[smem:$0x3FA4] =	sst s2  }
0xb: {  	[smem:$0x3FA5] =	sst s3  }
0xc: {  	[smem:$0x3FA6] =	sst s4  }
0xd: {  	[smem:$0x3FA7] =	sst s5  }
0xe: {  	[smem:$0x3FA8] =	sst s6  }
0xf: {  	[smem:$0x3FA9] =	sst s7  }
0x10: {  	[smem:$0x3FAA] =	sst s8  }
0x11: {  	[smem:$0x3FAB] =	sst s9;
	s0 =	simm.s32 @!p0 $0x0  }
0x12: {  	s1 =	sld [smem:$0x3F91];
	s0 =	simm.s32 @p0 $0x1  }
0x13: {  	[smem:$0x3FAC] =	sst s0;
	s0 =	simm.s32 @!p1 $0x0  }
0x14: {  	s2 =	sld [smem:$0x3F90];
	s0 =	simm.s32 @p1 $0x1  }
0x15: {  	[smem:$0x3FAD] =	sst s0;
	s0 =	simm.s32 @!p2 $0x0  }
0x16: {  	s3 =	sld [smem:$0x3FDB];
	s0 =	simm.s32 @p2 $0x1  }
0x17: {  	s4 =	simm.s32 $0x1BF5;
	[smem:$0x3FAF] =	sst s0  }
0x18: {  	s0 =	sld [smem:$0x3F92];
	_ =	swait.ge [sflag:s4], $0x0  }
0x19: {  	s7 =	sld [smem:$0x3F93]  }
0x1a: {  	s8 =	sadd.s32 $0xFFFFE003, lr  }
0x1b: {  	s9 =	sadd.s32 $0xFFFFFEF7, lr;
	s5 =	simm.s32 $0xFFFFFFFF;
	p2 =	slt.u32 s8, $0xFFFFF086  }
0x1c: {  	p1 =	slt.u32 s9, $0xF7A;
	s5 =	simm.s32 @!p2 $0x0  }
0x1d: {  	s5 =	simm.s32 @p1 $0x1;
	p0 =	seq.s32 s7, s2  }
0x1e: {  	s7 =	smul.u32 @!p0 $0xF7A, s2;
	p2 =	seq.s32 @!p0 s5, $0x0  }
0x1f: {  	s9 =	smul.u32 $0xF7A, s1;
	s8 =	simm.s32 @!p0 $0x1BF5;
	p2 =	por !p2, p0  }
0x20: {  	[sflag:s8] =	ssyncset.s32 @!p0 $0xFFFFF086;
	s6 =	sadd.s32 @!p0 s3, s7;
	s7 =	simm.s32 @!p0 $0x108  }
0x21: {  	s3 =	sadd.s32 s3, s9;
	s6 =	sadd.s32 @!p0 $0x88, s6;
	s7 =	simm.s32 @p2 $0x1082  }
0x22: {  	[simem:s7], [sflag:s8] =	dma.local @!p0 [hbm:s6], $0xF7A  }
0x23: {  	s9 =	sor.u32 $0xD0000000, s2;
	s6 =	simm.s32 $0x108;
	_ =	swait.ge @!p0 [sflag:s8], $0x0  }
0x24: {  	s3 =	sadd.s32 $0x88, s3;
	s6 =	simm.s32 @!p1 $0x1082;
	[sflag:s4] =	ssyncset.s32 $0xFFFFF086  }
0x25: {  	[simem:s6], [sflag:s4] =	dma.local [hbm:s3], $0xF7A  }
0x26: {  	[smem:$0x3F93] =	sst s1;
	(tag) =	ssettag s2;
	_ =	strace s9  }
0x27: {  	s1 =	sld [smem:$0x3FA3]  }
0x28: {  	s2 =	sld [smem:$0x3FA4]  }
0x29: {  	s4 =	sld [smem:$0x3FA6]  }
0x2a: {  	p0 =	seq.s32 s5, $0x0;
	s5 =	sld [smem:$0x3FA7]  }
0x2b: {  	s6 =	sld [smem:$0x3FA8]  }
0x2c: {  	s7 =	sld [smem:$0x3FA9]  }
0x2d: {  	s3 =	simm.s32 $0x108;
	s8 =	sld [smem:$0x3FAA]  }
0x2e: {  	s3 =	simm.s32 @!p0 $0x1082;
	s9 =	sld [smem:$0x3FAB]  }
0x2f: {  	lr =	sadd.s32 s0, s3;
	s0 =	sld [smem:$0x3FA2]  }
0x30: {  	s3 =	sld [smem:$0x3FA5]  }
0x31: {  	[smem:$0x3FAE] =	sst s10  }
0x32: {  	s10 =	sld [smem:$0x3FAC];
	_ =	sdelay $0x3  }
0x33: {  	p0 =	seq.s32 s10, $0x1;
	s10 =	sld [smem:$0x3FAE];
	_ =	sdelay $0x3  }
0x34: {  	[smem:$0x3FAE] =	sst s10  }
0x35: {  	s10 =	sld [smem:$0x3FAD];
	_ =	sdelay $0x3  }
0x36: {  	p1 =	seq.s32 s10, $0x1;
	s10 =	sld [smem:$0x3FAE];
	_ =	sdelay $0x3  }
0x37: {  	[smem:$0x3FAE] =	sst s10  }
0x38: {  	s10 =	sld [smem:$0x3FAF]  }
0x39: {  	_ = 	snop;
	(pc) =	sbr.ind lr, $3  }
0x3a: {  	_ = 	snop  }
0x3b: {  	_ = 	snop  }
0x3c: {  	p2 =	seq.s32 s10, $0x1;
	s10 =	sld [smem:$0x3FAE]  }
0x3d: {  	_ =	shalt  }
0x3e: {  	_ =	shalt  }
0x3f: {  	_ =	shalt  }
0x40: {  	_ =	shalt  }
0x41: {  	_ =	shalt  }
0x42: {  	_ =	shalt  }
0x43: {  	_ =	shalt  }
0x44: {  	_ =	shalt  }
0x45: {  	_ =	shalt  }
0x46: {  	_ =	shalt  }
0x47: {  	_ =	shalt  }
0x48: {  	_ =	shalt  }
0x49: {  	_ =	shalt  }
0x4a: {  	_ =	shalt  }
0x4b: {  	_ =	shalt  }
0x4c: {  	_ =	shalt  }
0x4d: {  	_ =	shalt  }
0x4e: {  	_ =	shalt  }
0x4f: {  	_ =	shalt  }
0x50: {  	_ =	shalt  }
0x51: {  	_ =	shalt  }
0x52: {  	_ =	shalt  }
0x53: {  	_ =	shalt  }
0x54: {  	_ =	shalt  }
0x55: {  	_ =	shalt  }
0x56: {  	_ =	shalt  }
0x57: {  	_ =	shalt  }
0x58: {  	_ =	shalt  }
0x59: {  	_ =	shalt  }
0x5a: {  	_ =	shalt  }
0x5b: {  	_ =	shalt  }
0x5c: {  	_ =	shalt  }
0x5d: {  	_ =	shalt  }
0x5e: {  	_ =	shalt  }
0x5f: {  	_ =	shalt  }
0x60: {  	_ =	shalt  }
0x61: {  	_ =	shalt  }
0x62: {  	_ =	shalt  }
0x63: {  	_ =	shalt  }
0x64: {  	_ =	shalt  }
0x65: {  	_ =	shalt  }
0x66: {  	_ =	shalt  }
0x67: {  	_ =	shalt  }
0x68: {  	_ =	shalt  }
0x69: {  	_ =	shalt  }
0x6a: {  	_ =	shalt  }
0x6b: {  	_ =	shalt  }
0x6c: {  	_ =	shalt  }
0x6d: {  	_ =	shalt  }
0x6e: {  	_ =	shalt  }
0x6f: {  	_ =	shalt  }
0x70: {  	_ =	shalt  }
0x71: {  	_ =	shalt  }
0x72: {  	_ =	shalt  }
0x73: {  	_ =	shalt  }
0x74: {  	_ =	shalt  }
0x75: {  	_ =	shalt  }
0x76: {  	_ =	shalt  }
0x77: {  	_ =	shalt  }
0x78: {  	_ =	shalt  }
0x79: {  	_ =	shalt  }
0x7a: {  	_ =	shalt  }
0x7b: {  	_ =	shalt  }
0x7c: {  	_ =	shalt  }
0x7d: {  	_ =	shalt  }
0x7e: {  	_ =	shalt  }
0x7f: {  	_ =	shalt  }
0x80: {  	_ =	shalt  }
0x81: {  	_ =	shalt  }
0x82: {  	_ =	shalt  }
0x83: {  	_ =	shalt  }
0x84: {  	_ =	shalt  }
0x85: {  	_ =	shalt  }
0x86: {  	_ =	shalt  }
0x87: {  	_ =	shalt  }
.Lfunc_end0:
.L_simem_size_0:
called_computation_lowered:
.L_overlay_start_0:
0x88: {  	s2 =	sld [smem:$0x3FD9]  }
0x89: {  	s3 =	sld [smem:$0x3FFE];
	_ =	sdelay $0x1  }
0x8a: {  	s1 =	srdreg.scid  }
0x8b: {  	s0 =	sand.u32 $0x1, s1  }
0x8c: {  	s17 =	sshll.u32 s0, $0xA;
	s2 =	sadd.s32 s3, s2  }
0x8d: {  	s2 =	sadd.s32 s2, s17  }
0x8e: {  	[smem:$0x3FBA] =	sst s2  }
0x8f: {  	_ = 	snop  }
0x90: {  	(tm) =	ssettm $0x1  }
0x91: {  	s18 =	sld [smem:$0x3FFB];
	_ =	sdelay $0x3  }
0x92: {  	_ =	strace s18  }
0x93: {  	s2 =	sld [smem:$0x3FFC];
	_ =	sdelay $0x3  }
0x94: {  	_ =	strace s2  }
0x95: {  	s2 =	sld [smem:$0x3FFD];
	_ =	sdelay $0x3  }
0x96: {  	_ =	strace s2  }
0x97: {  	_ =	strace $0x8FFFFFFF  }
0x98: {  	s19 =	sld [smem:$0x3FDB];
	_ =	sdelay $0x1  }
0x99: {  	s20 =	simm.s32 $_scs_section_size  }
0x9a: {  	s4 =	simm.s32 $_size__tile_overlayer_lowered;
	s5 =	simm.s32 $_tile_overlayer_lowered  }
0x9b: {  	s6 =	simm.s32 $0x1BFF;
	s21 =	sshll.u32 s5, $0x1;
	s3 =	sadd.s32 s20, s19  }
0x9c: {  	s22 =	simm.s32 $0x0;
	s4 =	sshll.u32 s4, $0x1;
	s5 =	sadd.s32 s21, s3  }
0x9d: {  	[timem:s22], [sflag:s6] =	dma.local [hbm:s5], s4  }
0x9e: {  	_ =	swait.ge [sflag:s6], s4  }
0x9f: {  	s4 =	ssub.s32 $0x0, s4;
	[sflag:s6] =	ssyncset.done $0x0  }
0xa0: {  	[sflag:s6] =	ssyncadd.s32 s4;
	_ =	sdelay $0x1  }
0xa1: {  	s23 =	simm.s32 $0x1B8B  }
0xa2: {  	_ =	swait.ge [sflag:s23], $0x1  }
0xa3: {  	[sflag:s23] =	ssyncset.done $0x0  }
0xa4: {  	[sflag:s23] =	ssyncadd.s32 $0xFFFFFFFF  }
0xa5: {  	s4 =	sld [smem:$0x0]  }
0xa6: {  	s5 =	sand.u32 $0xFFFFFFFE, s1  }
0xa7: {  	p0 =	sne.s32 s1, s5  }
0xa8: {  	s5 =	sshll.u32 @p0 s5, $0xE  }
0xa9: {  	s5 =	sadd.s32 @p0 $0x11B8D, s5;
	s6 =	sshll.u32 @p0 s4, $0x11  }
0xaa: {  	s5 =	sor.u32 @p0 s6, s5  }
0xab: {  	[sflag:s5] =	ssyncadd.remote.s32 @p0 $0x1;
	_ =	sdelay $0x1  }
0xac: {  	s5 =	simm.s32 @p0 $0x1B8D  }
0xad: {  	_ =	swait.eq @p0 [sflag:s5], $0x1  }
0xae: {  	[sflag:s5] =	ssyncadd.s32 @p0 $0xFFFFFFFF  }
0xaf: {  	s6 =	sshll.u32 @!p0 s1, $0xE  }
0xb0: {  	s6 =	sor.u32 @!p0 $0x4000, s6;
	s5 =	simm.s32 @!p0 $0x1B8D  }
0xb1: {  	s4 =	sshll.u32 @!p0 s4, $0x11;
	s6 =	sadd.s32 @!p0 $0x11B8D, s6;
	_ =	swait.eq @!p0 [sflag:s5], $0x1  }
0xb2: {  	s4 =	sor.u32 @!p0 s4, s6;
	[sflag:s5] =	ssyncadd.s32 @!p0 $0xFFFFFFFF  }
0xb3: {  	s25 =	simm.s32 $0x1B8E;
	s24 =	sld [smem:$0x3FFE];
	[sflag:s4] =	ssyncadd.remote.s32 @!p0 $0x1  }
0xb4: {  	s26 =	simm.s32 $execute0_lowered;
	[smem:$0x3FD2] =	sst s25  }
0xb5: {  	s5 =	sshll.u32 s26, $0x1;
	_ =	strace $0x80000049;
	[dreg:$0x1] =	wrdreg $0xFFFFFFFF  }
0xb6: {  	s28 =	simm.s32 $_size_execute0_lowered;
	s3 =	sadd.s32 s3, s5;
	[dreg:$0x0] =	wrdreg $0x0  }
0xb7: {  	s5 =	sshll.u32 s28, $0x1;
	[dreg:$0x2] =	wrdreg s3  }
0xb8: {  	[dreg:$0x3] =	wrdreg s5  }
0xb9: {  	[dreg:$0x4] =	wrdreg $0xC0  }
0xba: {  	_ =	task [dreg:s22], $0x5FFFF  }
0xbb: {  	[dreg:$0x1] =	wrdreg $0xFFFFFFFF  }
0xbc: {  	[dreg:$0x0] =	wrdreg $0x60  }
0xbd: {  	[dreg:$0x2] =	wrdreg s24  }
0xbe: {  	[dreg:$0x3] =	wrdreg $0x79800  }
0xbf: {  	[dreg:$0x4] =	wrdreg $0x9  }
0xc0: {  	_ =	task.clear_ibuf [dreg:s22], $0x5FFFF;
	_ =	strace $0x90000049  }
0xc1: {  	s29 =	simm.s32 $0x9;
	_ =	strace $0x8000004B  }
0xc2: {  	_ =	swait.ge [sflag:s29], $0x1  }
0xc3: {  	[sflag:s29] =	ssyncadd.s32 $0xFFFFFFFF  }
0xc4: {  	_ =	strace $0x9000004B  }
0xc5: {  	_ =	sfence  }
0xc6: {  	s30 =	sld [smem:$0x0];
	_ =	sdelay $0x2  }
0xc7: {  	s31 =	sshll.u32 s1, $0xD;
	s1 =	sshrl.u32 s1, $0x2  }
0xc8: {  	s4 =	sand.u32 $0x4000, s31;
	s1 =	sadd.s32 s1, s30  }
0xc9: {  	s0 =	sor.u32 s4, s0;
	s1 =	sshll.u32 s1, $0x11  }
0xca: {  	s0 =	sor.u32 s1, s0  }
0xcb: {  	s0 =	sadd.s32 $0x8F2B, s0  }
0xcc: {  	[sflag:s0] =	ssyncadd.remote.s32 $0x1  }
0xcd: {  	_ =	sfence.sel $0xFFFF  }
0xce: {  	[dreg:$0x0] =	wrdreg $0xFFFFFFFF;
	(pc) =	sbr.abs _section_cstart, $3  }
0xcf: {  	[dreg:$0x1] =	wrdreg $0xFFFFFFFF  }
0xd0: {  	_ =	task.clear_ibuf [dreg:s22], $0x2FFFF;
	_ =	strace $0x9FFFFFFF  }
0xd1: {  	(tm) =	ssettm $0x7FFFFFFF  }
tec
execute0_lowered:
.L_overlay_start_1:
0x0: {  	(tag) =	ssettag $0x1  }
0x1: {  	s0 =	rddreg [dreg:$0x0]  }
0x2: {  	s1 =	rddreg [dreg:$0x1]  }
0x3: {  	s3 =	simm.s32 $0x0;
	s2 =	srdreg.scid;
	s13 =	stileid.u32  }
0x4: {  	s28 =	simm.s32 $0x100;
	s30 =	simm.s32 $0x1;
	s31 =	simm.s32 $0x40  }
0x5: {  	[smem:$0x7FF] =	sst s3;
	s2 =	sand.u32 $0x1, s2;
	s7 =	smul.u32 $0x2800, s13  }
0x6: {  	s4 =	sadd.s32 $0x92A00, s0;
	s9 =	sshll.u32 s13, $0x1;
	s11 =	smul.u32 $0x50000, s13  }
0x7: {  	s5 =	sadd.s32 $0x3E00, s0;
	s6 =	sadd.s32 $0x40200, s0;
	s20 =	smul.u32 $0xFFFFB000, s13  }
0x8: {  	s21 =	sshll.u32 s13, $0x6;
	_ =	strace $0x8000004A;
	s8 =	smul.u32 $0x28000, s2  }
0x9: {  	s10 =	sor.u32 s2, s9;
	s16 =	ssub.s32 $0x2, s2;
	s2 =	smul.u32 $0xFFFFD800, s2  }
0xa: {  	s9 =	sor.u32 $0x1C07, s21;
	s21 =	simm.s32 $0x1980;
	s17 =	sshrl.u32 s16, $0x1  }
0xb: {  	s19 =	sshrl.u32 s11, $0x2;
	s8 =	sadd.s32 s7, s8;
	s7 =	smul.u32 $0x2800, s10  }
0xc: {  	s12 =	ssub.s32 s16, s17;
	s19 =	sadd.s32 s19, s1;
	s2 =	sadd.s32 s20, s2  }
0xd: {  	s10 =	smul.u32 $0xA000, s10;
	s20 =	simm.s32 $0x7;
	s0 =	sadd.s32 s8, s0  }
0xe: {  	s2 =	sadd.s32 $0x4E200, s2;
	s19 =	sshrl.u32 s19, $0x3;
	s18 =	ssub.s32 $0x4E200, s7  }
0xf: {  	s22 =	sshrl.u32 s7, $0x3;
	s23 =	sor.u32 $0x40, s7;
	s2 =	sshrl.u32 s2, $0x6  }
0x10: {  	s10 =	sadd.s32 s4, s10;
	s29 =	sor.u32 $0x80, s7;
	s16 =	sadd.s32 $0x1D5200, s0  }
0x11: {  	s0 =	simm.s32 $0x2;
	s8 =	sshrl.u32 s18, $0x6;
	s13 =	sadd.s32 s5, s22  }
0x12: {  	s24 =	sshrl.u32 s23, $0x3;
	[dreg:$0x4] =	wrdreg s10;
	s2 =	smin.u32 s2, $0xA0  }
0x13: {  	s26 =	sshll.u32 s23, $0x2;
	s14 =	sshrl.u32 s29, $0x3;
	s11 =	sshll.u32 s29, $0x2  }
0x14: {  	s18 =	smax.u32 s12, $0x1;
	s22 =	simm.s32 $0x3980;
	s23 =	simm.s32 $0x5980  }
.Ltmp0:
0x15: {  	s8 =	smin.u32 s8, $0xA0;
	[dreg:$0x3] =	wrdreg s13;
	(pc) =	sbr.rel .LBB2_1-.Ltmp0, $4  }
0x16: {  	s25 =	sadd.s32 s5, s24;
	s2 =	sor.u32 $0x2, s2;
	s10 =	sadd.s32 s4, s26  }
0x17: {  	s14 =	sadd.s32 s5, s14;
	[dreg:$0x5] =	wrdreg s25;
	s2 =	smul.u32 $0xAB, s2  }
0x18: {  	s15 =	sadd.s32 s4, s11;
	s24 =	simm.s32 $0x0;
	[dreg:$0x6] =	wrdreg s10  }
0x19: {  	s25 =	simm.s32 $0x80;
	s17 =	sshrl.u32 s2, $0x9;
	s2 =	simm.s32 $0x3  }
.LBB2_15:
0x1a: {  	s24 =	sadd.s32 $0x1, s24  }
0x1b: {  	p0 =	sne.s32 s24, s18  }
.Ltmp1:
0x1c: {  	[bflag:$0x0] =	sbarrier.arrive $0xFFFF;
	(pc) =	sbr.rel @!p0 .LBB2_16-.Ltmp1, $4  }
0x1d: {  	[hbm:s16], [sflag:s9] =	dma.local [spmem:s19], $0x2800  }
0x1e: {  	_ =	swait.ge [sflag:s20], $0x2800  }
0x1f: {  	[sflag:s20] =	ssyncset.done $0x0  }
0x20: {  	[sflag:s20] =	ssyncadd.s32 $0xFFFFD800  }
.LBB2_1:
0x21: {  	[spmem:s19], [sflag:s9] =	dma.local [hbm:s6], $0x2800  }
0x22: {  	_ =	swait.ge [sflag:s20], $0x2800  }
0x23: {  	[sflag:s20] =	ssyncset.done $0x0  }
0x24: {  	[sflag:s20] =	ssyncadd.s32 $0xFFFFD800  }
0x25: {  	[tilespmem:s21], [sflag:$0x7] =	stream.linear.gather [hbm4b:s6+s3], $0x2000, $0x38;
	[tilespmem:$0x1B980] =	vst v63  }
0x26: {  	_ =	swait.ge [sflag:s20], $0x2000  }
0x27: {  	[sflag:s20] =	ssyncset.done $0x0  }
0x28: {  	[sflag:s20] =	ssyncadd.s32 $0xFFFFE000  }
0x29: {  	[tilespmem:s22], [sflag:$0x7] =	stream.linear.gather [hbm4b:s6+s3], $0x2000, $0x38;
	[tilespmem:$0x1B980] =	vst v63  }
0x2a: {  	_ =	swait.ge [sflag:s20], $0x2000  }
0x2b: {  	[sflag:s20] =	ssyncset.done $0x0  }
0x2c: {  	[sflag:s20] =	ssyncadd.s32 $0xFFFFE000  }
0x2d: {  	[tilespmem:s23], [sflag:$0x7] =	stream.linear.gather [hbm4b:s6+s3], $0x2000, $0x38;
	[tilespmem:$0x1B980] =	vst v63  }
0x2e: {  	_ =	swait.ge [sflag:s20], $0x2000  }
0x2f: {  	[sflag:s20] =	ssyncset.done $0x0  }
0x30: {  	[sflag:s20] =	ssyncadd.s32 $0xFFFFE000  }
0x31: {  	[bflag:$0x0] =	sbarrier.arrive $0xFFFF  }
0x32: {  	s10 =	rddreg [dreg:$0x3]  }
0x33: {  	[tilespmem:s3], [sflag:$0x1] =	stream.linear.gather [hbm4b:s10+s3], $0x40, $0x38;
	[tilespmem:$0x1B980] =	vst v63  }
0x34: {  	s11 =	simm.s32 $0x180;
	s29 =	rddreg [dreg:$0x4]  }
0x35: {  	[tilespmem:s11], [sflag:$0x1] =	stream.linear.gather [hbm4b:s29+s3], $0x800, $0x38;
	[tilespmem:$0x1B980] =	vst v63  }
0x36: {  	s12 =	rddreg [dreg:$0x5]  }
0x37: {  	[tilespmem:s25], [sflag:$0x2] =	stream.linear.gather [hbm4b:s12+s3], $0x40, $0x38;
	[tilespmem:$0x1B980] =	vst v63  }
0x38: {  	s26 =	simm.s32 $0x980;
	s13 =	rddreg [dreg:$0x6]  }
0x39: {  	[tilespmem:s26], [sflag:$0x2] =	stream.linear.gather [hbm4b:s13+s3], $0x800, $0x38;
	[tilespmem:$0x1B980] =	vst v63  }
.Ltmp2:
0x3a: {  	_ = 	snop;
	(pc) =	sbr.rel .LBB2_2-.Ltmp2, $4  }
0x3b: {  	_ = 	snop  }
0x3c: {  	[tilespmem:s28], [sflag:$0x3] =	stream.linear.gather [hbm4b:s14+s3], $0x40, $0x38;
	[tilespmem:$0x1B980] =	vst v63  }
0x3d: {  	s29 =	simm.s32 $0x1180;
	s26 =	simm.s32 $0x0  }
0x3e: {  	[tilespmem:s29], [sflag:$0x3] =	stream.linear.gather [hbm4b:s15+s3], $0x800, $0x38;
	[tilespmem:$0x1B980] =	vst v63  }
.LBB2_14:
0x3f: {  	s10 =	sadd.s32 $0x3, s29  }
0x40: {  	p3 =	sge.u32 @!p0 s10, s8  }
0x41: {  	s11 =	simm.s32 @!p0 $0x4;
	p3 =	por p3, p0  }
0x42: {  	_ =	swait.ge @!p0 [sflag:s11], $0x2000;
	s10 =	sshll.u32 @!p3 s10, $0x6  }
0x43: {  	[sflag:s11] =	ssyncset.done @!p0 $0x0;
	s10 =	sadd.s32 @!p3 s7, s10  }
0x44: {  	[sflag:s11] =	ssyncadd.s32 @!p0 $0xFFFFE000;
	s12 =	sshrl.u32 @!p3 s10, $0x3;
	s10 =	sshll.u32 @!p3 s10, $0x2  }
0x45: {  	s11 =	sadd.s32 @!p3 s5, s12;
	s12 =	simm.s32 @!p3 $0x0;
	s10 =	sand.u32 @!p3 $0x1FFFFF00, s10  }
0x46: {  	[tilespmem:s12], [sflag:$0x1] =	stream.linear.gather @!p3 [hbm4b:s11+s12], $0x40, $0x38;
	[tilespmem:$0x1B980] =	vst v63  }
0x47: {  	s10 =	sadd.s32 @!p3 s4, s10;
	s11 =	simm.s32 @!p3 $0x180  }
0x48: {  	[tilespmem:s11], [sflag:$0x1] =	stream.linear.gather @!p3 [hbm4b:s10+s12], $0x800, $0x38;
	[tilespmem:$0x1B980] =	vst v63  }
0x49: {  	s10 =	sadd.s32 $0x4, s29  }
0x4a: {  	p0 =	sge.u32 @!p1 s10, s8  }
0x4b: {  	s11 =	simm.s32 @!p1 $0x5;
	p0 =	por p0, p1  }
0x4c: {  	_ =	swait.ge @!p1 [sflag:s11], $0x2000;
	s10 =	sshll.u32 @!p0 s10, $0x6  }
0x4d: {  	[sflag:s11] =	ssyncset.done @!p1 $0x0;
	s10 =	sadd.s32 @!p0 s7, s10  }
0x4e: {  	[sflag:s11] =	ssyncadd.s32 @!p1 $0xFFFFE000;
	s12 =	simm.s32 @!p0 $0x0;
	s11 =	sshrl.u32 @!p0 s10, $0x3  }
0x4f: {  	s13 =	simm.s32 @!p0 $0x80;
	s10 =	sshll.u32 @!p0 s10, $0x2;
	s11 =	sadd.s32 @!p0 s5, s11  }
0x50: {  	[tilespmem:s13], [sflag:$0x2] =	stream.linear.gather @!p0 [hbm4b:s11+s12], $0x40, $0x38;
	[tilespmem:$0x1B980] =	vst v63  }
0x51: {  	s10 =	sadd.s32 @!p0 s4, s10;
	s11 =	simm.s32 @!p0 $0x980  }
0x52: {  	[tilespmem:s11], [sflag:$0x2] =	stream.linear.gather @!p0 [hbm4b:s10+s12], $0x800, $0x38;
	[tilespmem:$0x1B980] =	vst v63  }
0x53: {  	s10 =	sadd.s32 $0x5, s29  }
0x54: {  	s11 =	simm.s32 @!p2 $0x6;
	p0 =	sge.u32 @!p2 s10, s8  }
0x55: {  	_ =	swait.ge @!p2 [sflag:s11], $0x2000;
	p0 =	por p0, p2  }
0x56: {  	[sflag:s11] =	ssyncset.done @!p2 $0x0;
	s10 =	sshll.u32 @!p0 s10, $0x6  }
0x57: {  	[sflag:s11] =	ssyncadd.s32 @!p2 $0xFFFFE000;
	s10 =	sadd.s32 @!p0 s7, s10  }
0x58: {  	s12 =	simm.s32 @!p0 $0x0;
	s11 =	sshrl.u32 @!p0 s10, $0x3;
	s10 =	sshll.u32 @!p0 s10, $0x2  }
0x59: {  	s13 =	simm.s32 @!p0 $0x100;
	s11 =	sadd.s32 @!p0 s5, s11;
	s10 =	sand.u32 @!p0 $0x1FFFFF00, s10  }
0x5a: {  	[tilespmem:s13], [sflag:$0x3] =	stream.linear.gather @!p0 [hbm4b:s11+s12], $0x40, $0x38;
	[tilespmem:$0x1B980] =	vst v63  }
0x5b: {  	s26 =	sadd.s32 $0x1, s26;
	s10 =	sadd.s32 @!p0 s4, s10;
	s11 =	simm.s32 @!p0 $0x1180  }
0x5c: {  	[tilespmem:s11], [sflag:$0x3] =	stream.linear.gather @!p0 [hbm4b:s10+s12], $0x800, $0x38;
	[tilespmem:$0x1B980] =	vst v63  }
0x5d: {  	p0 =	sne.s32 s26, s17  }
.Ltmp3:
0x5e: {  	_ = 	snop;
	(pc) =	sbr.rel @!p0 .LBB2_15-.Ltmp3, $1  }
0x5f: {  	_ =	sdelay $0x3  }
.LBB2_2:
0x60: {  	s29 =	smul.u32 $0x3, s26;
	_ =	sdelay $0x1  }
0x61: {  	p0 =	sge.u32 s29, s8  }
.Ltmp4:
0x62: {  	_ = 	snop;
	(pc) =	sbr.rel @p0 .LBB2_6-.Ltmp4, $1  }
0x63: {  	_ =	sdelay $0x3  }
0x64: {  	_ =	swait.ge [sflag:s30], $0x40  }
0x65: {  	[sflag:s30] =	ssyncset.done $0x0  }
0x66: {  	[sflag:s30] =	ssyncadd.s32 $0xFFFFFFC0  }
0x67: {  	_ =	swait.ge [sflag:s30], $0x800  }
0x68: {  	[sflag:s30] =	ssyncset.done $0x0  }
0x69: {  	s11 =	simm.s32 $0x0;
	[sflag:s30] =	ssyncadd.s32 $0xFFFFF800  }
0x6a: {  	v0 =	vld [tilespmem:s11+$0x180];
	_ =	sdelay $0x3  }
0x6b: {  	s10 =	simm.s32 $0x1990  }
0x6c: {  	[tilespmem:s10+$0xFFFFFFF0] =	vst v0  }
0x6d: {  	v0 =	vld [tilespmem:s11+$0x190];
	_ =	sdelay $0x4  }
0x6e: {  	s12 =	simm.s32 $0x20;
	s11 =	simm.s32 $0x100;
	[tilespmem:s10+$0x0] =	vst v0  }
.LBB2_4:
0x6f: {  	p1 =	sne.s32 s11, $0x1F80;
	v0 =	vld [tilespmem:s12+$0x180];
	_ =	sdelay $0x3  }
0x70: {  	s10 =	sadd.s32 $0x80, s10  }
0x71: {  	[tilespmem:s10+$0xFFFFFFF0] =	vst v0  }
0x72: {  	v0 =	vld [tilespmem:s12+$0x190]  }
.Ltmp5:
0x73: {  	(pc) =	sbr.rel @p1 .LBB2_4-.Ltmp5, $2  }
0x74: {  	_ =	sdelay $0x2  }
0x75: {  	s12 =	sshra.s32 s11, $0x2;
	s11 =	sadd.s32 $0x80, s11;
	[tilespmem:s10+$0x0] =	vst v0  }
0x76: {  	v0 =	vld [tilespmem:s12+$0x180];
	_ =	sdelay $0x3  }
0x77: {  	s10 =	sadd.s32 $0x80, s10  }
0x78: {  	[tilespmem:s10+$0xFFFFFFF0] =	vst v0  }
0x79: {  	v0 =	vld [tilespmem:s12+$0x190];
	_ =	sdelay $0x4  }
0x7a: {  	[tilespmem:s10+$0x0] =	vst v0  }
0x7b: {  	[spmem:s1] =	stream.indirect.scatter.add.f32 [tilespmem:s21], [sflag:$0x4], $0x80, s3, s31, $0xb8;
	[tilespmem:$0x1B980] =	vst v63  }
.LBB2_6:
0x7c: {  	s10 =	sadd.s32 $0x1, s29  }
0x7d: {  	p1 =	sge.u32 s10, s8  }
.Ltmp6:
0x7e: {  	_ = 	snop;
	(pc) =	sbr.rel @p1 .LBB2_10-.Ltmp6, $1  }
0x7f: {  	_ =	sdelay $0x3  }
0x80: {  	_ =	swait.ge [sflag:s0], $0x40  }
0x81: {  	[sflag:s0] =	ssyncset.done $0x0  }
0x82: {  	[sflag:s0] =	ssyncadd.s32 $0xFFFFFFC0  }
0x83: {  	_ =	swait.ge [sflag:s0], $0x800  }
0x84: {  	[sflag:s0] =	ssyncset.done $0x0  }
0x85: {  	s11 =	simm.s32 $0x0;
	[sflag:s0] =	ssyncadd.s32 $0xFFFFF800  }
0x86: {  	v0 =	vld [tilespmem:s11+$0x980];
	_ =	sdelay $0x3  }
0x87: {  	s10 =	simm.s32 $0x3990  }
0x88: {  	[tilespmem:s10+$0xFFFFFFF0] =	vst v0  }
0x89: {  	v0 =	vld [tilespmem:s11+$0x990];
	_ =	sdelay $0x4  }
0x8a: {  	s12 =	simm.s32 $0x20;
	s11 =	simm.s32 $0x100;
	[tilespmem:s10+$0x0] =	vst v0  }
.LBB2_8:
0x8b: {  	p2 =	sne.s32 s11, $0x1F80;
	v0 =	vld [tilespmem:s12+$0x980];
	_ =	sdelay $0x3  }
0x8c: {  	s10 =	sadd.s32 $0x80, s10  }
0x8d: {  	[tilespmem:s10+$0xFFFFFFF0] =	vst v0  }
0x8e: {  	v0 =	vld [tilespmem:s12+$0x990]  }
.Ltmp7:
0x8f: {  	(pc) =	sbr.rel @p2 .LBB2_8-.Ltmp7, $2  }
0x90: {  	_ =	sdelay $0x2  }
0x91: {  	s12 =	sshra.s32 s11, $0x2;
	s11 =	sadd.s32 $0x80, s11;
	[tilespmem:s10+$0x0] =	vst v0  }
0x92: {  	v0 =	vld [tilespmem:s12+$0x980];
	_ =	sdelay $0x3  }
0x93: {  	s10 =	sadd.s32 $0x80, s10  }
0x94: {  	[tilespmem:s10+$0xFFFFFFF0] =	vst v0  }
0x95: {  	v0 =	vld [tilespmem:s12+$0x990];
	_ =	sdelay $0x4  }
0x96: {  	[tilespmem:s10+$0x0] =	vst v0  }
0x97: {  	[spmem:s1] =	stream.indirect.scatter.add.f32 [tilespmem:s22], [sflag:$0x5], $0x80, s25, s31, $0xb8;
	[tilespmem:$0x1B980] =	vst v63  }
.LBB2_10:
0x98: {  	s10 =	sadd.s32 $0x2, s29  }
0x99: {  	p2 =	sge.u32 s10, s8  }
.Ltmp8:
0x9a: {  	_ = 	snop;
	(pc) =	sbr.rel @p2 .LBB2_14-.Ltmp8, $1  }
0x9b: {  	_ =	sdelay $0x3  }
0x9c: {  	_ =	swait.ge [sflag:s2], $0x40  }
0x9d: {  	[sflag:s2] =	ssyncset.done $0x0  }
0x9e: {  	[sflag:s2] =	ssyncadd.s32 $0xFFFFFFC0  }
0x9f: {  	_ =	swait.ge [sflag:s2], $0x800  }
0xa0: {  	[sflag:s2] =	ssyncset.done $0x0  }
0xa1: {  	s11 =	simm.s32 $0x0;
	[sflag:s2] =	ssyncadd.s32 $0xFFFFF800  }
0xa2: {  	v0 =	vld [tilespmem:s11+$0x1180];
	_ =	sdelay $0x3  }
0xa3: {  	s10 =	simm.s32 $0x5990  }
0xa4: {  	[tilespmem:s10+$0xFFFFFFF0] =	vst v0  }
0xa5: {  	v0 =	vld [tilespmem:s11+$0x1190];
	_ =	sdelay $0x4  }
0xa6: {  	s12 =	simm.s32 $0x20;
	s11 =	simm.s32 $0x100;
	[tilespmem:s10+$0x0] =	vst v0  }
.LBB2_12:
0xa7: {  	p3 =	sne.s32 s11, $0x1F80;
	v0 =	vld [tilespmem:s12+$0x1180];
	_ =	sdelay $0x3  }
0xa8: {  	s10 =	sadd.s32 $0x80, s10  }
0xa9: {  	[tilespmem:s10+$0xFFFFFFF0] =	vst v0  }
0xaa: {  	v0 =	vld [tilespmem:s12+$0x1190]  }
.Ltmp9:
0xab: {  	(pc) =	sbr.rel @p3 .LBB2_12-.Ltmp9, $2  }
0xac: {  	_ =	sdelay $0x2  }
0xad: {  	s12 =	sshra.s32 s11, $0x2;
	s11 =	sadd.s32 $0x80, s11;
	[tilespmem:s10+$0x0] =	vst v0  }
0xae: {  	v0 =	vld [tilespmem:s12+$0x1180];
	_ =	sdelay $0x3  }
0xaf: {  	s10 =	sadd.s32 $0x80, s10  }
0xb0: {  	[tilespmem:s10+$0xFFFFFFF0] =	vst v0  }
0xb1: {  	v0 =	vld [tilespmem:s12+$0x1190];
	_ =	sdelay $0x1  }
.Ltmp10:
0xb2: {  	_ = 	snop;
	(pc) =	sbr.rel .LBB2_14-.Ltmp10, $3  }
0xb3: {  	_ =	sdelay $0x1  }
0xb4: {  	[tilespmem:s10+$0x0] =	vst v0  }
0xb5: {  	[spmem:s1] =	stream.indirect.scatter.add.f32 [tilespmem:s23], [sflag:$0x6], $0x80, s28, s31, $0xb8;
	[tilespmem:$0x1B980] =	vst v63  }
.LBB2_16:
0xb6: {  	_ =	sfence.sel $0x180000  }
0xb7: {  	[bflag:$0x0] =	sbarrier.arrive $0xFFFF  }
0xb8: {  	_ =	strace $0x9000004A  }
0xb9: {  	s0 =	stileid.u32;
	[bflag:$0x2] =	sbarrier.arrive $0xFFFF  }
0xba: {  	p0 =	sne.s32 s0, $0x0;
	s0 =	rddreg [dreg:$0x2]  }
0xbb: {  	s0 =	sadd.s32 @!p0 $0x100000, s0  }
0xbc: {  	[sflag:s0] =	ssyncadd.tile.s32 @!p0 $0x1;
	_ =	shalt  }
.Lfunc_end2:
_tile_overlayer_lowered:
.L_overlay_start_2:
0xbd: {  	(tag) =	ssettag $0x2  }
0xbe: {  	s0 =	rddreg [dreg:$0x0];
	s2 =	stileid.u32  }
0xbf: {  	s1 =	rddreg [dreg:$0x1];
	p0 =	sne.s32 s2, $0x0  }
0xc0: {  	s3 =	rddreg [dreg:$0x2];
	[bflag:$0x3] =	sbarrier.arrive $0xFFFF;
	s2 =	simm.s32 @!p0 $0x1C07  }
0xc1: {  	[timem:s3], [sflag:s2] =	dma.local @!p0 [hbm:s0], s1  }
0xc2: {  	s0 =	simm.s32 @!p0 $0x7  }
0xc3: {  	_ =	swait.ge @!p0 [sflag:s0], s1  }
0xc4: {  	s1 =	ssub.s32 @!p0 $0x0, s1;
	[sflag:s0] =	ssyncset.done @!p0 $0x0  }
0xc5: {  	[sflag:s0] =	ssyncadd.s32 @!p0 s1  }
0xc6: {  	[bflag:$0x3] =	sbarrier.arrive $0xFFFF  }
0xc7: {  	_ =	shalt  }

</sc_bundles>
